<compile_context>
chip_gen: v7x
topology: tpu7x:2x2x1
jax: 0.10.2.dev20260603
libtpu: 0.0.44.dev20260713+nightly
codegen_flags: <defaults>
</compile_context>

<pallas_src>
import functools

import jax
import jax.numpy as jnp
from jax import lax
from jax.experimental import pallas as pl
from jax.experimental.pallas import tpu as pltpu
from jax.experimental.pallas import tpu_sc as plsc

_N_CLASSES = 1000000
_V = _N_CLASSES + 1
_N_CHANNELS = 32
_BATCH = 16384
_DROP_P = 0.1

_NC = 2
_NS = 16
_NW = _NC * _NS
_BPW = _BATCH // _NW
_RND = 16
_NROUND = _BPW // _RND

_mesh = plsc.VectorSubcoreMesh(core_axis_name="c", subcore_axis_name="s")


@functools.partial(
    pl.kernel,
    mesh=_mesh,
    out_type=jax.ShapeDtypeStruct((_N_CHANNELS, _BATCH), jnp.float32),
    scratch_types=[
        pltpu.VMEM((_BPW,), jnp.int32),
        pltpu.VMEM((_RND, 4, 8, 128), jnp.float32),
        pltpu.VMEM((_N_CHANNELS, _BPW), jnp.float32),
        pltpu.SemaphoreType.DMA,
    ],
    compiler_params=pltpu.CompilerParams(needs_layout_passes=False),
)
def _sc_lookup(tbl3_hbm, lab_hbm, out_hbm, idx_v, stage_v, cols_v, sem):
    wid = lax.axis_index("s") * _NC + lax.axis_index("c")
    base = wid * _BPW
    pltpu.sync_copy(lab_hbm.at[pl.ds(base, _BPW)], idx_v)

    def round_body(r, _):
        labs = idx_v[pl.ds(r * _RND, _RND)]
        c0s = labs & jnp.int32(-128)
        for u in range(_RND):
            for g in range(4):
                pltpu.async_copy(
                    tbl3_hbm.at[g, :, pl.ds(pl.multiple_of(c0s[u], 128), 128)],
                    stage_v.at[u, g],
                    sem,
                )
        for u in range(_RND):
            pltpu.make_async_copy(
                tbl3_hbm.at[:, :, pl.ds(0, 128)], stage_v.at[u], sem
            ).wait()

        cvec = labs & jnp.int32(127)
        kvec = lax.iota(jnp.int32, 16)
        for j in range(_N_CHANNELS):
            g = jnp.full((16,), j // 8, jnp.int32)
            s = jnp.full((16,), j % 8, jnp.int32)
            val = plsc.load_gather(stage_v, [kvec, g, s, cvec])
            cols_v[j, pl.ds(r * _RND, _RND)] = val
        return 0

    lax.fori_loop(0, _NROUND, round_body, 0)
    pltpu.sync_copy(cols_v, out_hbm.at[:, pl.ds(base, _BPW)])


def kernel(labels, if_train, embedding_table):
    def _masked(lab):
        drop_key = jax.random.key(1)
        drop = jax.random.uniform(drop_key, (lab.shape[0],)) < _DROP_P
        return jnp.where(drop, jnp.int32(_N_CLASSES), lab)

    lab = lax.cond(jnp.asarray(if_train) != 0, _masked, lambda l: l, labels)
    tbl3 = embedding_table.T.reshape(4, 8, _V)
    out_t = _sc_lookup(tbl3, lab)
    return out_t.T

# --- scband reference (transcript-rebuilt; emitter-appended) ---
"""Pipeline reference for scband-class-embedding-52450140618959 (READ-ONLY COPY).

The authoritative reference and input builder live on the scoring server;
editing this copy changes nothing except your own understanding.
"""

import jax, jax.numpy as jnp
import numpy as np

N_CLASSES = 1000000
N_CHANNELS = 32
BATCH = 16384
TOKEN_DROPOUT_PROB = 0.1


def setup_inputs(seed: int = 0) -> dict:
    key = jax.random.key(seed)
    k1, k2 = jax.random.split(key)
    labels = jax.random.randint(k1, (BATCH,), 0, N_CLASSES, dtype=jnp.int32)
    # nn.Embedding(n_classes + 1, n_channels) weight, default init N(0, 1)
    embedding_table = jax.random.normal(k2, (N_CLASSES + 1, N_CHANNELS), dtype=jnp.float32)
    # if_train=False -> deterministic eval path (no token dropout)
    return {"labels": labels, "if_train": 0, "embedding_table": embedding_table}


def reference(labels, if_train, embedding_table):
    # Faithful translation of ClassEmbedding.forward with force_drop_ids=None
    drop_key = jax.random.key(1)
    drop_ids = jax.random.uniform(drop_key, (labels.shape[0],)) < TOKEN_DROPOUT_PROB
    lab = jnp.where((if_train != 0) & drop_ids, N_CLASSES, labels)
    emb = jnp.take(embedding_table, lab, axis=0)
    return emb

if __name__ == "__main__":
    import jax
    _d = setup_inputs()
    print(jax.jit(kernel)(*tuple(_d.values())))

</pallas_src>

<mosaic_0001>
#map = affine_map<(d0, d1) -> (0, 0, 0)>
#map1 = affine_map<(d0, d1) -> (0)>
#map2 = affine_map<(d0, d1) -> (0, 0)>
module attributes {stable_mosaic.version = 14 : i64} {
  func.func @_sc_lookup(%arg0: i32, %arg1: i32, %arg2: memref<4x8x1000001xf32, #tpu.memory_space<hbm>>, %arg3: memref<16384xi32, #tpu.memory_space<hbm>>, %arg4: memref<32x16384xf32, #tpu.memory_space<hbm>>, %arg5: memref<512xi32, #tpu.memory_space<vmem>>, %arg6: memref<16x4x8x128xf32, #tpu.memory_space<vmem>>, %arg7: memref<32x512xf32, #tpu.memory_space<vmem>>, %arg8: memref<!tpu.dma_semaphore, #tpu.memory_space<semaphore_mem>>) attributes {dimension_semantics = [#tpu.dimension_semantics<core_parallel>, #tpu.dimension_semantics<subcore_parallel>], iteration_bounds = array<i64: 2, 16>, scalar_prefetch = 0 : i64, scratch_operands = 4 : i64, tpu.core_type = #tpu.core_type<sc_vector_subcore>, window_params = [{transform_indices = #map}, {transform_indices = #map1}, {transform_indices = #map2}]} {
    %mul3A = arith.constant 2 : i32
    %mul3A_0 = arith.muli %arg1, %mul3A : i32
    %add3A = arith.addi %mul3A_0, %arg0 : i32
    %mul3A_1 = arith.constant 512 : i32
    %mul3A_2 = arith.muli %add3A, %mul3A_1 : i32
    "tpu.region"() ({
      %run_scoped3A = tpu.sem_alloc : memref<!tpu.dma_semaphore, #tpu.memory_space<semaphore_mem>>
      %dma_start3A = tpu.memref_slice %arg3[%mul3A_2] : memref<16384xi32, #tpu.memory_space<hbm>> -> memref<512xi32, #tpu.memory_space<hbm>>
      %dma_start3A_9 = tpu.memref_slice %arg3[%mul3A_2] : memref<16384xi32, #tpu.memory_space<hbm>> -> memref<512xi32, #tpu.memory_space<hbm>>
      tpu.enqueue_dma source(%dma_start3A_9 : memref<512xi32, #tpu.memory_space<hbm>>) target(%arg5 : memref<512xi32, #tpu.memory_space<vmem>>) target_semaphore(%run_scoped3A : memref<!tpu.dma_semaphore, #tpu.memory_space<semaphore_mem>>)
      %dma_wait3A = tpu.memref_slice %arg3[%mul3A_2] : memref<16384xi32, #tpu.memory_space<hbm>> -> memref<512xi32, #tpu.memory_space<hbm>>
      %dma_wait3A_10 = tpu.memref_slice %arg3[%mul3A_2] : memref<16384xi32, #tpu.memory_space<hbm>> -> memref<512xi32, #tpu.memory_space<hbm>>
      tpu.wait_dma2 semaphore(%run_scoped3A : memref<!tpu.dma_semaphore, #tpu.memory_space<semaphore_mem>>) src(%dma_wait3A_10 : memref<512xi32, #tpu.memory_space<hbm>>) dst(%arg5 : memref<512xi32, #tpu.memory_space<vmem>>)
      tpu.yield
    }) : () -> ()
    %scan3A = arith.constant 0 : i32
    %scan3A_3 = arith.constant 0 : i32
    %scan3A_4 = arith.constant 32 : i32
    %scan3A_5 = arith.addi %scan3A_3, %scan3A_4 : i32
    %scan3A_6 = arith.constant 1 : i32
    %scan3A_7 = scf.for %scan3A_9 = %scan3A_3 to %scan3A_5 step %scan3A_6 iter_args(%scan3A_10 = %scan3A) -> (i32)  : i32 {
      %mul3A_11 = arith.constant 16 : i32
      %mul3A_12 = arith.muli %scan3A_9, %mul3A_11 : i32
      %get3A = arith.index_cast %mul3A_12 : i32 to index
      %get3A_13 = tpu.vector_load %arg5[%get3A] {strides = array<i32>} : memref<512xi32, #tpu.memory_space<vmem>>, vector<16xi32>,
      %and3A = arith.constant -128 : i32
      %and3A_14 = vector.broadcast %and3A : i32 to vector<16xi32>
      %and3A_15 = arith.andi %get3A_13, %and3A_14 : vector<16xi32>
      %slice3A = vector.extract_strided_slice %and3A_15 {offsets = [0], sizes = [1], strides = [1]} : vector<16xi32> to vector<1xi32>
      %squeeze3A = vector.extract %slice3A[0] : i32 from vector<1xi32>
      %multiple_of3A = tpu.assume_multiple %squeeze3A, 128 : i32
      %dma_start3A = arith.constant 0 : i32
      %dma_start3A_16 = arith.constant 0 : i32
      %dma_start3A_17 = arith.constant 0 : i32
      %dma_start3A_18 = arith.constant 0 : i32
      %dma_start3A_19 = arith.constant 0 : i32
      %dma_start3A_20 = tpu.memref_slice %arg6[%dma_start3A_16, %dma_start3A_17, %dma_start3A_18, %dma_start3A_19] : memref<16x4x8x128xf32, #tpu.memory_space<vmem>> -> memref<1x1x8x128xf32, #tpu.memory_space<vmem>>
      %dma_start3A_21 = tpu.memref_squeeze %dma_start3A_20 : memref<1x1x8x128xf32, #tpu.memory_space<vmem>> -> memref<8x128xf32, #tpu.memory_space<vmem>>
      %dma_start3A_22 = arith.constant 0 : i32
      %dma_start3A_23 = tpu.memref_slice %arg2[%dma_start3A, %dma_start3A_22, %multiple_of3A] : memref<4x8x1000001xf32, #tpu.memory_space<hbm>> -> memref<1x8x128xf32, #tpu.memory_space<hbm>>
      %dma_start3A_24 = tpu.memref_squeeze %dma_start3A_23 : memref<1x8x128xf32, #tpu.memory_space<hbm>> -> memref<8x128xf32, #tpu.memory_space<hbm>>
      %dma_start3A_25 = arith.constant 0 : i32
      %dma_start3A_26 = arith.constant 0 : i32
      %dma_start3A_27 = tpu.memref_slice %arg6[%dma_start3A_16, %dma_start3A_17, %dma_start3A_25, %dma_start3A_26] : memref<16x4x8x128xf32, #tpu.memory_space<vmem>> -> memref<1x1x8x128xf32, #tpu.memory_space<vmem>>
      %dma_start3A_28 = tpu.memref_squeeze %dma_start3A_27 : memref<1x1x8x128xf32, #tpu.memory_space<vmem>> -> memref<8x128xf32, #tpu.memory_space<vmem>>
      %dma_start3A_29 = arith.constant 0 : i32
      %dma_start3A_30 = tpu.memref_slice %arg2[%dma_start3A, %dma_start3A_29, %multiple_of3A] : memref<4x8x1000001xf32, #tpu.memory_space<hbm>> -> memref<1x8x128xf32, #tpu.memory_space<hbm>>
      %dma_start3A_31 = tpu.memref_squeeze %dma_start3A_30 : memref<1x8x128xf32, #tpu.memory_space<hbm>> -> memref<8x128xf32, #tpu.memory_space<hbm>>
      tpu.enqueue_dma source(%dma_start3A_31 : memref<8x128xf32, #tpu.memory_space<hbm>>) target(%dma_start3A_28 : memref<8x128xf32, #tpu.memory_space<vmem>>) target_semaphore(%arg8 : memref<!tpu.dma_semaphore, #tpu.memory_space<semaphore_mem>>)
      %slice3A_32 = vector.extract_strided_slice %and3A_15 {offsets = [0], sizes = [1], strides = [1]} : vector<16xi32> to vector<1xi32>
      %squeeze3A_33 = vector.extract %slice3A_32[0] : i32 from vector<1xi32>
      %multiple_of3A_34 = tpu.assume_multiple %squeeze3A_33, 128 : i32
      %dma_start3A_35 = arith.constant 1 : i32
      %dma_start3A_36 = arith.constant 0 : i32
      %dma_start3A_37 = arith.constant 1 : i32
      %dma_start3A_38 = arith.constant 0 : i32
      %dma_start3A_39 = arith.constant 0 : i32
      %dma_start3A_40 = tpu.memref_slice %arg6[%dma_start3A_36, %dma_start3A_37, %dma_start3A_38, %dma_start3A_39] : memref<16x4x8x128xf32, #tpu.memory_space<vmem>> -> memref<1x1x8x128xf32, #tpu.memory_space<vmem>>
      %dma_start3A_41 = tpu.memref_squeeze %dma_start3A_40 : memref<1x1x8x128xf32, #tpu.memory_space<vmem>> -> memref<8x128xf32, #tpu.memory_space<vmem>>
      %dma_start3A_42 = arith.constant 0 : i32
      %dma_start3A_43 = tpu.memref_slice %arg2[%dma_start3A_35, %dma_start3A_42, %multiple_of3A_34] : memref<4x8x1000001xf32, #tpu.memory_space<hbm>> -> memref<1x8x128xf32, #tpu.memory_space<hbm>>
      %dma_start3A_44 = tpu.memref_squeeze %dma_start3A_43 : memref<1x8x128xf32, #tpu.memory_space<hbm>> -> memref<8x128xf32, #tpu.memory_space<hbm>>
      %dma_start3A_45 = arith.constant 0 : i32
      %dma_start3A_46 = arith.constant 0 : i32
      %dma_start3A_47 = tpu.memref_slice %arg6[%dma_start3A_36, %dma_start3A_37, %dma_start3A_45, %dma_start3A_46] : memref<16x4x8x128xf32, #tpu.memory_space<vmem>> -> memref<1x1x8x128xf32, #tpu.memory_space<vmem>>
      %dma_start3A_48 = tpu.memref_squeeze %dma_start3A_47 : memref<1x1x8x128xf32, #tpu.memory_space<vmem>> -> memref<8x128xf32, #tpu.memory_space<vmem>>
      %dma_start3A_49 = arith.constant 0 : i32
      %dma_start3A_50 = tpu.memref_slice %arg2[%dma_start3A_35, %dma_start3A_49, %multiple_of3A_34] : memref<4x8x1000001xf32, #tpu.memory_space<hbm>> -> memref<1x8x128xf32, #tpu.memory_space<hbm>>
      %dma_start3A_51 = tpu.memref_squeeze %dma_start3A_50 : memref<1x8x128xf32, #tpu.memory_space<hbm>> -> memref<8x128xf32, #tpu.memory_space<hbm>>
      tpu.enqueue_dma source(%dma_start3A_51 : memref<8x128xf32, #tpu.memory_space<hbm>>) target(%dma_start3A_48 : memref<8x128xf32, #tpu.memory_space<vmem>>) target_semaphore(%arg8 : memref<!tpu.dma_semaphore, #tpu.memory_space<semaphore_mem>>)
      %slice3A_52 = vector.extract_strided_slice %and3A_15 {offsets = [0], sizes = [1], strides = [1]} : vector<16xi32> to vector<1xi32>
      %squeeze3A_53 = vector.extract %slice3A_52[0] : i32 from vector<1xi32>
      %multiple_of3A_54 = tpu.assume_multiple %squeeze3A_53, 128 : i32
      %dma_start3A_55 = arith.constant 2 : i32
      %dma_start3A_56 = arith.constant 0 : i32
      %dma_start3A_57 = arith.constant 2 : i32
      %dma_start3A_58 = arith.constant 0 : i32
      %dma_start3A_59 = arith.constant 0 : i32
      %dma_start3A_60 = tpu.memref_slice %arg6[%dma_start3A_56, %dma_start3A_57, %dma_start3A_58, %dma_start3A_59] : memref<16x4x8x128xf32, #tpu.memory_space<vmem>> -> memref<1x1x8x128xf32, #tpu.memory_space<vmem>>
      %dma_start3A_61 = tpu.memref_squeeze %dma_start3A_60 : memref<1x1x8x128xf32, #tpu.memory_space<vmem>> -> memref<8x128xf32, #tpu.memory_space<vmem>>
      %dma_start3A_62 = arith.constant 0 : i32
      %dma_start3A_63 = tpu.memref_slice %arg2[%dma_start3A_55, %dma_start3A_62, %multiple_of3A_54] : memref<4x8x1000001xf32, #tpu.memory_space<hbm>> -> memref<1x8x128xf32, #tpu.memory_space<hbm>>
      %dma_start3A_64 = tpu.memref_squeeze %dma_start3A_63 : memref<1x8x128xf32, #tpu.memory_space<hbm>> -> memref<8x128xf32, #tpu.memory_space<hbm>>
      %dma_start3A_65 = arith.constant 0 : i32
      %dma_start3A_66 = arith.constant 0 : i32
      %dma_start3A_67 = tpu.memref_slice %arg6[%dma_start3A_56, %dma_start3A_57, %dma_start3A_65, %dma_start3A_66] : memref<16x4x8x128xf32, #tpu.memory_space<vmem>> -> memref<1x1x8x128xf32, #tpu.memory_space<vmem>>
      %dma_start3A_68 = tpu.memref_squeeze %dma_start3A_67 : memref<1x1x8x128xf32, #tpu.memory_space<vmem>> -> memref<8x128xf32, #tpu.memory_space<vmem>>
      %dma_start3A_69 = arith.constant 0 : i32
      %dma_start3A_70 = tpu.memref_slice %arg2[%dma_start3A_55, %dma_start3A_69, %multiple_of3A_54] : memref<4x8x1000001xf32, #tpu.memory_space<hbm>> -> memref<1x8x128xf32, #tpu.memory_space<hbm>>
      %dma_start3A_71 = tpu.memref_squeeze %dma_start3A_70 : memref<1x8x128xf32, #tpu.memory_space<hbm>> -> memref<8x128xf32, #tpu.memory_space<hbm>>
      tpu.enqueue_dma source(%dma_start3A_71 : memref<8x128xf32, #tpu.memory_space<hbm>>) target(%dma_start3A_68 : memref<8x128xf32, #tpu.memory_space<vmem>>) target_semaphore(%arg8 : memref<!tpu.dma_semaphore, #tpu.memory_space<semaphore_mem>>)
      %slice3A_72 = vector.extract_strided_slice %and3A_15 {offsets = [0], sizes = [1], strides = [1]} : vector<16xi32> to vector<1xi32>
      %squeeze3A_73 = vector.extract %slice3A_72[0] : i32 from vector<1xi32>
      %multiple_of3A_74 = tpu.assume_multiple %squeeze3A_73, 128 : i32
      %dma_start3A_75 = arith.constant 3 : i32
      %dma_start3A_76 = arith.constant 0 : i32
      %dma_start3A_77 = arith.constant 3 : i32
      %dma_start3A_78 = arith.constant 0 : i32
      %dma_start3A_79 = arith.constant 0 : i32
      %dma_start3A_80 = tpu.memref_slice %arg6[%dma_start3A_76, %dma_start3A_77, %dma_start3A_78, %dma_start3A_79] : memref<16x4x8x128xf32, #tpu.memory_space<vmem>> -> memref<1x1x8x128xf32, #tpu.memory_space<vmem>>
      %dma_start3A_81 = tpu.memref_squeeze %dma_start3A_80 : memref<1x1x8x128xf32, #tpu.memory_space<vmem>> -> memref<8x128xf32, #tpu.memory_space<vmem>>
      %dma_start3A_82 = arith.constant 0 : i32
      %dma_start3A_83 = tpu.memref_slice %arg2[%dma_start3A_75, %dma_start3A_82, %multiple_of3A_74] : memref<4x8x1000001xf32, #tpu.memory_space<hbm>> -> memref<1x8x128xf32, #tpu.memory_space<hbm>>
      %dma_start3A_84 = tpu.memref_squeeze %dma_start3A_83 : memref<1x8x128xf32, #tpu.memory_space<hbm>> -> memref<8x128xf32, #tpu.memory_space<hbm>>
      %dma_start3A_85 = arith.constant 0 : i32
      %dma_start3A_86 = arith.constant 0 : i32
      %dma_start3A_87 = tpu.memref_slice %arg6[%dma_start3A_76, %dma_start3A_77, %dma_start3A_85, %dma_start3A_86] : memref<16x4x8x128xf32, #tpu.memory_space<vmem>> -> memref<1x1x8x128xf32, #tpu.memory_space<vmem>>
      %dma_start3A_88 = tpu.memref_squeeze %dma_start3A_87 : memref<1x1x8x128xf32, #tpu.memory_space<vmem>> -> memref<8x128xf32, #tpu.memory_space<vmem>>
      %dma_start3A_89 = arith.constant 0 : i32
      %dma_start3A_90 = tpu.memref_slice %arg2[%dma_start3A_75, %dma_start3A_89, %multiple_of3A_74] : memref<4x8x1000001xf32, #tpu.memory_space<hbm>> -> memref<1x8x128xf32, #tpu.memory_space<hbm>>
      %dma_start3A_91 = tpu.memref_squeeze %dma_start3A_90 : memref<1x8x128xf32, #tpu.memory_space<hbm>> -> memref<8x128xf32, #tpu.memory_space<hbm>>
      tpu.enqueue_dma source(%dma_start3A_91 : memref<8x128xf32, #tpu.memory_space<hbm>>) target(%dma_start3A_88 : memref<8x128xf32, #tpu.memory_space<vmem>>) target_semaphore(%arg8 : memref<!tpu.dma_semaphore, #tpu.memory_space<semaphore_mem>>)
      %slice3A_92 = vector.extract_strided_slice %and3A_15 {offsets = [1], sizes = [1], strides = [1]} : vector<16xi32> to vector<1xi32>
      %squeeze3A_93 = vector.extract %slice3A_92[0] : i32 from vector<1xi32>
      %multiple_of3A_94 = tpu.assume_multiple %squeeze3A_93, 128 : i32
      %dma_start3A_95 = arith.constant 0 : i32
      %dma_start3A_96 = arith.constant 1 : i32
      %dma_start3A_97 = arith.constant 0 : i32
      %dma_start3A_98 = arith.constant 0 : i32
      %dma_start3A_99 = arith.constant 0 : i32
      %dma_start3A_100 = tpu.memref_slice %arg6[%dma_start3A_96, %dma_start3A_97, %dma_start3A_98, %dma_start3A_99] : memref<16x4x8x128xf32, #tpu.memory_space<vmem>> -> memref<1x1x8x128xf32, #tpu.memory_space<vmem>>
      %dma_start3A_101 = tpu.memref_squeeze %dma_start3A_100 : memref<1x1x8x128xf32, #tpu.memory_space<vmem>> -> memref<8x128xf32, #tpu.memory_space<vmem>>
      %dma_start3A_102 = arith.constant 0 : i32
      %dma_start3A_103 = tpu.memref_slice %arg2[%dma_start3A_95, %dma_start3A_102, %multiple_of3A_94] : memref<4x8x1000001xf32, #tpu.memory_space<hbm>> -> memref<1x8x128xf32, #tpu.memory_space<hbm>>
      %dma_start3A_104 = tpu.memref_squeeze %dma_start3A_103 : memref<1x8x128xf32, #tpu.memory_space<hbm>> -> memref<8x128xf32, #tpu.memory_space<hbm>>
      %dma_start3A_105 = arith.constant 0 : i32
      %dma_start3A_106 = arith.constant 0 : i32
      %dma_start3A_107 = tpu.memref_slice %arg6[%dma_start3A_96, %dma_start3A_97, %dma_start3A_105, %dma_start3A_106] : memref<16x4x8x128xf32, #tpu.memory_space<vmem>> -> memref<1x1x8x128xf32, #tpu.memory_space<vmem>>
      %dma_start3A_108 = tpu.memref_squeeze %dma_start3A_107 : memref<1x1x8x128xf32, #tpu.memory_space<vmem>> -> memref<8x128xf32, #tpu.memory_space<vmem>>
      %dma_start3A_109 = arith.constant 0 : i32
      %dma_start3A_110 = tpu.memref_slice %arg2[%dma_start3A_95, %dma_start3A_109, %multiple_of3A_94] : memref<4x8x1000001xf32, #tpu.memory_space<hbm>> -> memref<1x8x128xf32, #tpu.memory_space<hbm>>
      %dma_start3A_111 = tpu.memref_squeeze %dma_start3A_110 : memref<1x8x128xf32, #tpu.memory_space<hbm>> -> memref<8x128xf32, #tpu.memory_space<hbm>>
      tpu.enqueue_dma source(%dma_start3A_111 : memref<8x128xf32, #tpu.memory_space<hbm>>) target(%dma_start3A_108 : memref<8x128xf32, #tpu.memory_space<vmem>>) target_semaphore(%arg8 : memref<!tpu.dma_semaphore, #tpu.memory_space<semaphore_mem>>)
      %slice3A_112 = vector.extract_strided_slice %and3A_15 {offsets = [1], sizes = [1], strides = [1]} : vector<16xi32> to vector<1xi32>
      %squeeze3A_113 = vector.extract %slice3A_112[0] : i32 from vector<1xi32>
      %multiple_of3A_114 = tpu.assume_multiple %squeeze3A_113, 128 : i32
      %dma_start3A_115 = arith.constant 1 : i32
      %dma_start3A_116 = arith.constant 1 : i32
      %dma_start3A_117 = arith.constant 1 : i32
      %dma_start3A_118 = arith.constant 0 : i32
      %dma_start3A_119 = arith.constant 0 : i32
      %dma_start3A_120 = tpu.memref_slice %arg6[%dma_start3A_116, %dma_start3A_117, %dma_start3A_118, %dma_start3A_119] : memref<16x4x8x128xf32, #tpu.memory_space<vmem>> -> memref<1x1x8x128xf32, #tpu.memory_space<vmem>>
      %dma_start3A_121 = tpu.memref_squeeze %dma_start3A_120 : memref<1x1x8x128xf32, #tpu.memory_space<vmem>> -> memref<8x128xf32, #tpu.memory_space<vmem>>
      %dma_start3A_122 = arith.constant 0 : i32
      %dma_start3A_123 = tpu.memref_slice %arg2[%dma_start3A_115, %dma_start3A_122, %multiple_of3A_114] : memref<4x8x1000001xf32, #tpu.memory_space<hbm>> -> memref<1x8x128xf32, #tpu.memory_space<hbm>>
      %dma_start3A_124 = tpu.memref_squeeze %dma_start3A_123 : memref<1x8x128xf32, #tpu.memory_space<hbm>> -> memref<8x128xf32, #tpu.memory_space<hbm>>
      %dma_start3A_125 = arith.constant 0 : i32
      %dma_start3A_126 = arith.constant 0 : i32
      %dma_start3A_127 = tpu.memref_slice %arg6[%dma_start3A_116, %dma_start3A_117, %dma_start3A_125, %dma_start3A_126] : memref<16x4x8x128xf32, #tpu.memory_space<vmem>> -> memref<1x1x8x128xf32, #tpu.memory_space<vmem>>
      %dma_start3A_128 = tpu.memref_squeeze %dma_start3A_127 : memref<1x1x8x128xf32, #tpu.memory_space<vmem>> -> memref<8x128xf32, #tpu.memory_space<vmem>>
      %dma_start3A_129 = arith.constant 0 : i32
      %dma_start3A_130 = tpu.memref_slice %arg2[%dma_start3A_115, %dma_start3A_129, %multiple_of3A_114] : memref<4x8x1000001xf32, #tpu.memory_space<hbm>> -> memref<1x8x128xf32, #tpu.memory_space<hbm>>
      %dma_start3A_131 = tpu.memref_squeeze %dma_start3A_130 : memref<1x8x128xf32, #tpu.memory_space<hbm>> -> memref<8x128xf32, #tpu.memory_space<hbm>>
      tpu.enqueue_dma source(%dma_start3A_131 : memref<8x128xf32, #tpu.memory_space<hbm>>) target(%dma_start3A_128 : memref<8x128xf32, #tpu.memory_space<vmem>>) target_semaphore(%arg8 : memref<!tpu.dma_semaphore, #tpu.memory_space<semaphore_mem>>)
      %slice3A_132 = vector.extract_strided_slice %and3A_15 {offsets = [1], sizes = [1], strides = [1]} : vector<16xi32> to vector<1xi32>
      %squeeze3A_133 = vector.extract %slice3A_132[0] : i32 from vector<1xi32>
      %multiple_of3A_134 = tpu.assume_multiple %squeeze3A_133, 128 : i32
      %dma_start3A_135 = arith.constant 2 : i32
      %dma_start3A_136 = arith.constant 1 : i32
      %dma_start3A_137 = arith.constant 2 : i32
      %dma_start3A_138 = arith.constant 0 : i32
      %dma_start3A_139 = arith.constant 0 : i32
      %dma_start3A_140 = tpu.memref_slice %arg6[%dma_start3A_136, %dma_start3A_137, %dma_start3A_138, %dma_start3A_139] : memref<16x4x8x128xf32, #tpu.memory_space<vmem>> -> memref<1x1x8x128xf32, #tpu.memory_space<vmem>>
      %dma_start3A_141 = tpu.memref_squeeze %dma_start3A_140 : memref<1x1x8x128xf32, #tpu.memory_space<vmem>> -> memref<8x128xf32, #tpu.memory_space<vmem>>
      %dma_start3A_142 = arith.constant 0 : i32
      %dma_start3A_143 = tpu.memref_slice %arg2[%dma_start3A_135, %dma_start3A_142, %multiple_of3A_134] : memref<4x8x1000001xf32, #tpu.memory_space<hbm>> -> memref<1x8x128xf32, #tpu.memory_space<hbm>>
      %dma_start3A_144 = tpu.memref_squeeze %dma_start3A_143 : memref<1x8x128xf32, #tpu.memory_space<hbm>> -> memref<8x128xf32, #tpu.memory_space<hbm>>
      %dma_start3A_145 = arith.constant 0 : i32
      %dma_start3A_146 = arith.constant 0 : i32
      %dma_start3A_147 = tpu.memref_slice %arg6[%dma_start3A_136, %dma_start3A_137, %dma_start3A_145, %dma_start3A_146] : memref<16x4x8x128xf32, #tpu.memory_space<vmem>> -> memref<1x1x8x128xf32, #tpu.memory_space<vmem>>
      %dma_start3A_148 = tpu.memref_squeeze %dma_start3A_147 : memref<1x1x8x128xf32, #tpu.memory_space<vmem>> -> memref<8x128xf32, #tpu.memory_space<vmem>>
      %dma_start3A_149 = arith.constant 0 : i32
      %dma_start3A_150 = tpu.memref_slice %arg2[%dma_start3A_135, %dma_start3A_149, %multiple_of3A_134] : memref<4x8x1000001xf32, #tpu.memory_space<hbm>> -> memref<1x8x128xf32, #tpu.memory_space<hbm>>
      %dma_start3A_151 = tpu.memref_squeeze %dma_start3A_150 : memref<1x8x128xf32, #tpu.memory_space<hbm>> -> memref<8x128xf32, #tpu.memory_space<hbm>>
      tpu.enqueue_dma source(%dma_start3A_151 : memref<8x128xf32, #tpu.memory_space<hbm>>) target(%dma_start3A_148 : memref<8x128xf32, #tpu.memory_space<vmem>>) target_semaphore(%arg8 : memref<!tpu.dma_semaphore, #tpu.memory_space<semaphore_mem>>)
      %slice3A_152 = vector.extract_strided_slice %and3A_15 {offsets = [1], sizes = [1], strides = [1]} : vector<16xi32> to vector<1xi32>
      %squeeze3A_153 = vector.extract %slice3A_152[0] : i32 from vector<1xi32>
      %multiple_of3A_154 = tpu.assume_multiple %squeeze3A_153, 128 : i32
      %dma_start3A_155 = arith.constant 3 : i32
      %dma_start3A_156 = arith.constant 1 : i32
      %dma_start3A_157 = arith.constant 3 : i32
      %dma_start3A_158 = arith.constant 0 : i32
      %dma_start3A_159 = arith.constant 0 : i32
      %dma_start3A_160 = tpu.memref_slice %arg6[%dma_start3A_156, %dma_start3A_157, %dma_start3A_158, %dma_start3A_159] : memref<16x4x8x128xf32, #tpu.memory_space<vmem>> -> memref<1x1x8x128xf32, #tpu.memory_space<vmem>>
      %dma_start3A_161 = tpu.memref_squeeze %dma_start3A_160 : memref<1x1x8x128xf32, #tpu.memory_space<vmem>> -> memref<8x128xf32, #tpu.memory_space<vmem>>
      %dma_start3A_162 = arith.constant 0 : i32
      %dma_start3A_163 = tpu.memref_slice %arg2[%dma_start3A_155, %dma_start3A_162, %multiple_of3A_154] : memref<4x8x1000001xf32, #tpu.memory_space<hbm>> -> memref<1x8x128xf32, #tpu.memory_space<hbm>>
      %dma_start3A_164 = tpu.memref_squeeze %dma_start3A_163 : memref<1x8x128xf32, #tpu.memory_space<hbm>> -> memref<8x128xf32, #tpu.memory_space<hbm>>
      %dma_start3A_165 = arith.constant 0 : i32
      %dma_start3A_166 = arith.constant 0 : i32
      %dma_start3A_167 = tpu.memref_slice %arg6[%dma_start3A_156, %dma_start3A_157, %dma_start3A_165, %dma_start3A_166] : memref<16x4x8x128xf32, #tpu.memory_space<vmem>> -> memref<1x1x8x128xf32, #tpu.memory_space<vmem>>
      %dma_start3A_168 = tpu.memref_squeeze %dma_start3A_167 : memref<1x1x8x128xf32, #tpu.memory_space<vmem>> -> memref<8x128xf32, #tpu.memory_space<vmem>>
      %dma_start3A_169 = arith.constant 0 : i32
      %dma_start3A_170 = tpu.memref_slice %arg2[%dma_start3A_155, %dma_start3A_169, %multiple_of3A_154] : memref<4x8x1000001xf32, #tpu.memory_space<hbm>> -> memref<1x8x128xf32, #tpu.memory_space<hbm>>
      %dma_start3A_171 = tpu.memref_squeeze %dma_start3A_170 : memref<1x8x128xf32, #tpu.memory_space<hbm>> -> memref<8x128xf32, #tpu.memory_space<hbm>>
      tpu.enqueue_dma source(%dma_start3A_171 : memref<8x128xf32, #tpu.memory_space<hbm>>) target(%dma_start3A_168 : memref<8x128xf32, #tpu.memory_space<vmem>>) target_semaphore(%arg8 : memref<!tpu.dma_semaphore, #tpu.memory_space<semaphore_mem>>)
      %slice3A_172 = vector.extract_strided_slice %and3A_15 {offsets = [2], sizes = [1], strides = [1]} : vector<16xi32> to vector<1xi32>
      %squeeze3A_173 = vector.extract %slice3A_172[0] : i32 from vector<1xi32>
      %multiple_of3A_174 = tpu.assume_multiple %squeeze3A_173, 128 : i32
      %dma_start3A_175 = arith.constant 0 : i32
      %dma_start3A_176 = arith.constant 2 : i32
      %dma_start3A_177 = arith.constant 0 : i32
      %dma_start3A_178 = arith.constant 0 : i32
      %dma_start3A_179 = arith.constant 0 : i32
      %dma_start3A_180 = tpu.memref_slice %arg6[%dma_start3A_176, %dma_start3A_177, %dma_start3A_178, %dma_start3A_179] : memref<16x4x8x128xf32, #tpu.memory_space<vmem>> -> memref<1x1x8x128xf32, #tpu.memory_space<vmem>>
      %dma_start3A_181 = tpu.memref_squeeze %dma_start3A_180 : memref<1x1x8x128xf32, #tpu.memory_space<vmem>> -> memref<8x128xf32, #tpu.memory_space<vmem>>
      %dma_start3A_182 = arith.constant 0 : i32
      %dma_start3A_183 = tpu.memref_slice %arg2[%dma_start3A_175, %dma_start3A_182, %multiple_of3A_174] : memref<4x8x1000001xf32, #tpu.memory_space<hbm>> -> memref<1x8x128xf32, #tpu.memory_space<hbm>>
      %dma_start3A_184 = tpu.memref_squeeze %dma_start3A_183 : memref<1x8x128xf32, #tpu.memory_space<hbm>> -> memref<8x128xf32, #tpu.memory_space<hbm>>
      %dma_start3A_185 = arith.constant 0 : i32
      %dma_start3A_186 = arith.constant 0 : i32
      %dma_start3A_187 = tpu.memref_slice %arg6[%dma_start3A_176, %dma_start3A_177, %dma_start3A_185, %dma_start3A_186] : memref<16x4x8x128xf32, #tpu.memory_space<vmem>> -> memref<1x1x8x128xf32, #tpu.memory_space<vmem>>
      %dma_start3A_188 = tpu.memref_squeeze %dma_start3A_187 : memref<1x1x8x128xf32, #tpu.memory_space<vmem>> -> memref<8x128xf32, #tpu.memory_space<vmem>>
      %dma_start3A_189 = arith.constant 0 : i32
      %dma_start3A_190 = tpu.memref_slice %arg2[%dma_start3A_175, %dma_start3A_189, %multiple_of3A_174] : memref<4x8x1000001xf32, #tpu.memory_space<hbm>> -> memref<1x8x128xf32, #tpu.memory_space<hbm>>
      %dma_start3A_191 = tpu.memref_squeeze %dma_start3A_190 : memref<1x8x128xf32, #tpu.memory_space<hbm>> -> memref<8x128xf32, #tpu.memory_space<hbm>>
      tpu.enqueue_dma source(%dma_start3A_191 : memref<8x128xf32, #tpu.memory_space<hbm>>) target(%dma_start3A_188 : memref<8x128xf32, #tpu.memory_space<vmem>>) target_semaphore(%arg8 : memref<!tpu.dma_semaphore, #tpu.memory_space<semaphore_mem>>)
      %slice3A_192 = vector.extract_strided_slice %and3A_15 {offsets = [2], sizes = [1], strides = [1]} : vector<16xi32> to vector<1xi32>
      %squeeze3A_193 = vector.extract %slice3A_192[0] : i32 from vector<1xi32>
      %multiple_of3A_194 = tpu.assume_multiple %squeeze3A_193, 128 : i32
      %dma_start3A_195 = arith.constant 1 : i32
      %dma_start3A_196 = arith.constant 2 : i32
      %dma_start3A_197 = arith.constant 1 : i32
      %dma_start3A_198 = arith.constant 0 : i32
      %dma_start3A_199 = arith.constant 0 : i32
      %dma_start3A_200 = tpu.memref_slice %arg6[%dma_start3A_196, %dma_start3A_197, %dma_start3A_198, %dma_start3A_199] : memref<16x4x8x128xf32, #tpu.memory_space<vmem>> -> memref<1x1x8x128xf32, #tpu.memory_space<vmem>>
      %dma_start3A_201 = tpu.memref_squeeze %dma_start3A_200 : memref<1x1x8x128xf32, #tpu.memory_space<vmem>> -> memref<8x128xf32, #tpu.memory_space<vmem>>
      %dma_start3A_202 = arith.constant 0 : i32
      %dma_start3A_203 = tpu.memref_slice %arg2[%dma_start3A_195, %dma_start3A_202, %multiple_of3A_194] : memref<4x8x1000001xf32, #tpu.memory_space<hbm>> -> memref<1x8x128xf32, #tpu.memory_space<hbm>>
      %dma_start3A_204 = tpu.memref_squeeze %dma_start3A_203 : memref<1x8x128xf32, #tpu.memory_space<hbm>> -> memref<8x128xf32, #tpu.memory_space<hbm>>
      %dma_start3A_205 = arith.constant 0 : i32
      %dma_start3A_206 = arith.constant 0 : i32
      %dma_start3A_207 = tpu.memref_slice %arg6[%dma_start3A_196, %dma_start3A_197, %dma_start3A_205, %dma_start3A_206] : memref<16x4x8x128xf32, #tpu.memory_space<vmem>> -> memref<1x1x8x128xf32, #tpu.memory_space<vmem>>
      %dma_start3A_208 = tpu.memref_squeeze %dma_start3A_207 : memref<1x1x8x128xf32, #tpu.memory_space<vmem>> -> memref<8x128xf32, #tpu.memory_space<vmem>>
      %dma_start3A_209 = arith.constant 0 : i32
      %dma_start3A_210 = tpu.memref_slice %arg2[%dma_start3A_195, %dma_start3A_209, %multiple_of3A_194] : memref<4x8x1000001xf32, #tpu.memory_space<hbm>> -> memref<1x8x128xf32, #tpu.memory_space<hbm>>
      %dma_start3A_211 = tpu.memref_squeeze %dma_start3A_210 : memref<1x8x128xf32, #tpu.memory_space<hbm>> -> memref<8x128xf32, #tpu.memory_space<hbm>>
      tpu.enqueue_dma source(%dma_start3A_211 : memref<8x128xf32, #tpu.memory_space<hbm>>) target(%dma_start3A_208 : memref<8x128xf32, #tpu.memory_space<vmem>>) target_semaphore(%arg8 : memref<!tpu.dma_semaphore, #tpu.memory_space<semaphore_mem>>)
      %slice3A_212 = vector.extract_strided_slice %and3A_15 {offsets = [2], sizes = [1], strides = [1]} : vector<16xi32> to vector<1xi32>
      %squeeze3A_213 = vector.extract %slice3A_212[0] : i32 from vector<1xi32>
      %multiple_of3A_214 = tpu.assume_multiple %squeeze3A_213, 128 : i32
      %dma_start3A_215 = arith.constant 2 : i32
      %dma_start3A_216 = arith.constant 2 : i32
      %dma_start3A_217 = arith.constant 2 : i32
      %dma_start3A_218 = arith.constant 0 : i32
      %dma_start3A_219 = arith.constant 0 : i32
      %dma_start3A_220 = tpu.memref_slice %arg6[%dma_start3A_216, %dma_start3A_217, %dma_start3A_218, %dma_start3A_219] : memref<16x4x8x128xf32, #tpu.memory_space<vmem>> -> memref<1x1x8x128xf32, #tpu.memory_space<vmem>>
      %dma_start3A_221 = tpu.memref_squeeze %dma_start3A_220 : memref<1x1x8x128xf32, #tpu.memory_space<vmem>> -> memref<8x128xf32, #tpu.memory_space<vmem>>
      %dma_start3A_222 = arith.constant 0 : i32
      %dma_start3A_223 = tpu.memref_slice %arg2[%dma_start3A_215, %dma_start3A_222, %multiple_of3A_214] : memref<4x8x1000001xf32, #tpu.memory_space<hbm>> -> memref<1x8x128xf32, #tpu.memory_space<hbm>>
      %dma_start3A_224 = tpu.memref_squeeze %dma_start3A_223 : memref<1x8x128xf32, #tpu.memory_space<hbm>> -> memref<8x128xf32, #tpu.memory_space<hbm>>
      %dma_start3A_225 = arith.constant 0 : i32
      %dma_start3A_226 = arith.constant 0 : i32
      %dma_start3A_227 = tpu.memref_slice %arg6[%dma_start3A_216, %dma_start3A_217, %dma_start3A_225, %dma_start3A_226] : memref<16x4x8x128xf32, #tpu.memory_space<vmem>> -> memref<1x1x8x128xf32, #tpu.memory_space<vmem>>
      %dma_start3A_228 = tpu.memref_squeeze %dma_start3A_227 : memref<1x1x8x128xf32, #tpu.memory_space<vmem>> -> memref<8x128xf32, #tpu.memory_space<vmem>>
      %dma_start3A_229 = arith.constant 0 : i32
      %dma_start3A_230 = tpu.memref_slice %arg2[%dma_start3A_215, %dma_start3A_229, %multiple_of3A_214] : memref<4x8x1000001xf32, #tpu.memory_space<hbm>> -> memref<1x8x128xf32, #tpu.memory_space<hbm>>
      %dma_start3A_231 = tpu.memref_squeeze %dma_start3A_230 : memref<1x8x128xf32, #tpu.memory_space<hbm>> -> memref<8x128xf32, #tpu.memory_space<hbm>>
      tpu.enqueue_dma source(%dma_start3A_231 : memref<8x128xf32, #tpu.memory_space<hbm>>) target(%dma_start3A_228 : memref<8x128xf32, #tpu.memory_space<vmem>>) target_semaphore(%arg8 : memref<!tpu.dma_semaphore, #tpu.memory_space<semaphore_mem>>)
      %slice3A_232 = vector.extract_strided_slice %and3A_15 {offsets = [2], sizes = [1], strides = [1]} : vector<16xi32> to vector<1xi32>
      %squeeze3A_233 = vector.extract %slice3A_232[0] : i32 from vector<1xi32>
      %multiple_of3A_234 = tpu.assume_multiple %squeeze3A_233, 128 : i32
      %dma_start3A_235 = arith.constant 3 : i32
      %dma_start3A_236 = arith.constant 2 : i32
      %dma_start3A_237 = arith.constant 3 : i32
      %dma_start3A_238 = arith.constant 0 : i32
      %dma_start3A_239 = arith.constant 0 : i32
      %dma_start3A_240 = tpu.memref_slice %arg6[%dma_start3A_236, %dma_start3A_237, %dma_start3A_238, %dma_start3A_239] : memref<16x4x8x128xf32, #tpu.memory_space<vmem>> -> memref<1x1x8x128xf32, #tpu.memory_space<vmem>>
      %dma_start3A_241 = tpu.memref_squeeze %dma_start3A_240 : memref<1x1x8x128xf32, #tpu.memory_space<vmem>> -> memref<8x128xf32, #tpu.memory_space<vmem>>
      %dma_start3A_242 = arith.constant 0 : i32
      %dma_start3A_243 = tpu.memref_slice %arg2[%dma_start3A_235, %dma_start3A_242, %multiple_of3A_234] : memref<4x8x1000001xf32, #tpu.memory_space<hbm>> -> memref<1x8x128xf32, #tpu.memory_space<hbm>>
      %dma_start3A_244 = tpu.memref_squeeze %dma_start3A_243 : memref<1x8x128xf32, #tpu.memory_space<hbm>> -> memref<8x128xf32, #tpu.memory_space<hbm>>
      %dma_start3A_245 = arith.constant 0 : i32
      %dma_start3A_246 = arith.constant 0 : i32
      %dma_start3A_247 = tpu.memref_slice %arg6[%dma_start3A_236, %dma_start3A_237, %dma_start3A_245, %dma_start3A_246] : memref<16x4x8x128xf32, #tpu.memory_space<vmem>> -> memref<1x1x8x128xf32, #tpu.memory_space<vmem>>
      %dma_start3A_248 = tpu.memref_squeeze %dma_start3A_247 : memref<1x1x8x128xf32, #tpu.memory_space<vmem>> -> memref<8x128xf32, #tpu.memory_space<vmem>>
      %dma_start3A_249 = arith.constant 0 : i32
      %dma_start3A_250 = tpu.memref_slice %arg2[%dma_start3A_235, %dma_start3A_249, %multiple_of3A_234] : memref<4x8x1000001xf32, #tpu.memory_space<hbm>> -> memref<1x8x128xf32, #tpu.memory_space<hbm>>
      %dma_start3A_251 = tpu.memref_squeeze %dma_start3A_250 : memref<1x8x128xf32, #tpu.memory_space<hbm>> -> memref<8x128xf32, #tpu.memory_space<hbm>>
      tpu.enqueue_dma source(%dma_start3A_251 : memref<8x128xf32, #tpu.memory_space<hbm>>) target(%dma_start3A_248 : memref<8x128xf32, #tpu.memory_space<vmem>>) target_semaphore(%arg8 : memref<!tpu.dma_semaphore, #tpu.memory_space<semaphore_mem>>)
      %slice3A_252 = vector.extract_strided_slice %and3A_15 {offsets = [3], sizes = [1], strides = [1]} : vector<16xi32> to vector<1xi32>
      %squeeze3A_253 = vector.extract %slice3A_252[0] : i32 from vector<1xi32>
      %multiple_of3A_254 = tpu.assume_multiple %squeeze3A_253, 128 : i32
      %dma_start3A_255 = arith.constant 0 : i32
      %dma_start3A_256 = arith.constant 3 : i32
      %dma_start3A_257 = arith.constant 0 : i32
      %dma_start3A_258 = arith.constant 0 : i32
      %dma_start3A_259 = arith.constant 0 : i32
      %dma_start3A_260 = tpu.memref_slice %arg6[%dma_start3A_256, %dma_start3A_257, %dma_start3A_258, %dma_start3A_259] : memref<16x4x8x128xf32, #tpu.memory_space<vmem>> -> memref<1x1x8x128xf32, #tpu.memory_space<vmem>>
      %dma_start3A_261 = tpu.memref_squeeze %dma_start3A_260 : memref<1x1x8x128xf32, #tpu.memory_space<vmem>> -> memref<8x128xf32, #tpu.memory_space<vmem>>
      %dma_start3A_262 = arith.constant 0 : i32
      %dma_start3A_263 = tpu.memref_slice %arg2[%dma_start3A_255, %dma_start3A_262, %multiple_of3A_254] : memref<4x8x1000001xf32, #tpu.memory_space<hbm>> -> memref<1x8x128xf32, #tpu.memory_space<hbm>>
      %dma_start3A_264 = tpu.memref_squeeze %dma_start3A_263 : memref<1x8x128xf32, #tpu.memory_space<hbm>> -> memref<8x128xf32, #tpu.memory_space<hbm>>
      %dma_start3A_265 = arith.constant 0 : i32
      %dma_start3A_266 = arith.constant 0 : i32
      %dma_start3A_267 = tpu.memref_slice %arg6[%dma_start3A_256, %dma_start3A_257, %dma_start3A_265, %dma_start3A_266] : memref<16x4x8x128xf32, #tpu.memory_space<vmem>> -> memref<1x1x8x128xf32, #tpu.memory_space<vmem>>
      %dma_start3A_268 = tpu.memref_squeeze %dma_start3A_267 : memref<1x1x8x128xf32, #tpu.memory_space<vmem>> -> memref<8x128xf32, #tpu.memory_space<vmem>>
      %dma_start3A_269 = arith.constant 0 : i32
      %dma_start3A_270 = tpu.memref_slice %arg2[%dma_start3A_255, %dma_start3A_269, %multiple_of3A_254] : memref<4x8x1000001xf32, #tpu.memory_space<hbm>> -> memref<1x8x128xf32, #tpu.memory_space<hbm>>
      %dma_start3A_271 = tpu.memref_squeeze %dma_start3A_270 : memref<1x8x128xf32, #tpu.memory_space<hbm>> -> memref<8x128xf32, #tpu.memory_space<hbm>>
      tpu.enqueue_dma source(%dma_start3A_271 : memref<8x128xf32, #tpu.memory_space<hbm>>) target(%dma_start3A_268 : memref<8x128xf32, #tpu.memory_space<vmem>>) target_semaphore(%arg8 : memref<!tpu.dma_semaphore, #tpu.memory_space<semaphore_mem>>)
      %slice3A_272 = vector.extract_strided_slice %and3A_15 {offsets = [3], sizes = [1], strides = [1]} : vector<16xi32> to vector<1xi32>
      %squeeze3A_273 = vector.extract %slice3A_272[0] : i32 from vector<1xi32>
      %multiple_of3A_274 = tpu.assume_multiple %squeeze3A_273, 128 : i32
      %dma_start3A_275 = arith.constant 1 : i32
      %dma_start3A_276 = arith.constant 3 : i32
      %dma_start3A_277 = arith.constant 1 : i32
      %dma_start3A_278 = arith.constant 0 : i32
      %dma_start3A_279 = arith.constant 0 : i32
      %dma_start3A_280 = tpu.memref_slice %arg6[%dma_start3A_276, %dma_start3A_277, %dma_start3A_278, %dma_start3A_279] : memref<16x4x8x128xf32, #tpu.memory_space<vmem>> -> memref<1x1x8x128xf32, #tpu.memory_space<vmem>>
      %dma_start3A_281 = tpu.memref_squeeze %dma_start3A_280 : memref<1x1x8x128xf32, #tpu.memory_space<vmem>> -> memref<8x128xf32, #tpu.memory_space<vmem>>
      %dma_start3A_282 = arith.constant 0 : i32
      %dma_start3A_283 = tpu.memref_slice %arg2[%dma_start3A_275, %dma_start3A_282, %multiple_of3A_274] : memref<4x8x1000001xf32, #tpu.memory_space<hbm>> -> memref<1x8x128xf32, #tpu.memory_space<hbm>>
      %dma_start3A_284 = tpu.memref_squeeze %dma_start3A_283 : memref<1x8x128xf32, #tpu.memory_space<hbm>> -> memref<8x128xf32, #tpu.memory_space<hbm>>
      %dma_start3A_285 = arith.constant 0 : i32
      %dma_start3A_286 = arith.constant 0 : i32
      %dma_start3A_287 = tpu.memref_slice %arg6[%dma_start3A_276, %dma_start3A_277, %dma_start3A_285, %dma_start3A_286] : memref<16x4x8x128xf32, #tpu.memory_space<vmem>> -> memref<1x1x8x128xf32, #tpu.memory_space<vmem>>
      %dma_start3A_288 = tpu.memref_squeeze %dma_start3A_287 : memref<1x1x8x128xf32, #tpu.memory_space<vmem>> -> memref<8x128xf32, #tpu.memory_space<vmem>>
      %dma_start3A_289 = arith.constant 0 : i32
      %dma_start3A_290 = tpu.memref_slice %arg2[%dma_start3A_275, %dma_start3A_289, %multiple_of3A_274] : memref<4x8x1000001xf32, #tpu.memory_space<hbm>> -> memref<1x8x128xf32, #tpu.memory_space<hbm>>
      %dma_start3A_291 = tpu.memref_squeeze %dma_start3A_290 : memref<1x8x128xf32, #tpu.memory_space<hbm>> -> memref<8x128xf32, #tpu.memory_space<hbm>>
      tpu.enqueue_dma source(%dma_start3A_291 : memref<8x128xf32, #tpu.memory_space<hbm>>) target(%dma_start3A_288 : memref<8x128xf32, #tpu.memory_space<vmem>>) target_semaphore(%arg8 : memref<!tpu.dma_semaphore, #tpu.memory_space<semaphore_mem>>)
      %slice3A_292 = vector.extract_strided_slice %and3A_15 {offsets = [3], sizes = [1], strides = [1]} : vector<16xi32> to vector<1xi32>
      %squeeze3A_293 = vector.extract %slice3A_292[0] : i32 from vector<1xi32>
      %multiple_of3A_294 = tpu.assume_multiple %squeeze3A_293, 128 : i32
      %dma_start3A_295 = arith.constant 2 : i32
      %dma_start3A_296 = arith.constant 3 : i32
      %dma_start3A_297 = arith.constant 2 : i32
      %dma_start3A_298 = arith.constant 0 : i32
      %dma_start3A_299 = arith.constant 0 : i32
      %dma_start3A_300 = tpu.memref_slice %arg6[%dma_start3A_296, %dma_start3A_297, %dma_start3A_298, %dma_start3A_299] : memref<16x4x8x128xf32, #tpu.memory_space<vmem>> -> memref<1x1x8x128xf32, #tpu.memory_space<vmem>>
      %dma_start3A_301 = tpu.memref_squeeze %dma_start3A_300 : memref<1x1x8x128xf32, #tpu.memory_space<vmem>> -> memref<8x128xf32, #tpu.memory_space<vmem>>
      %dma_start3A_302 = arith.constant 0 : i32
      %dma_start3A_303 = tpu.memref_slice %arg2[%dma_start3A_295, %dma_start3A_302, %multiple_of3A_294] : memref<4x8x1000001xf32, #tpu.memory_space<hbm>> -> memref<1x8x128xf32, #tpu.memory_space<hbm>>
      %dma_start3A_304 = tpu.memref_squeeze %dma_start3A_303 : memref<1x8x128xf32, #tpu.memory_space<hbm>> -> memref<8x128xf32, #tpu.memory_space<hbm>>
      %dma_start3A_305 = arith.constant 0 : i32
      %dma_start3A_306 = arith.constant 0 : i32
      %dma_start3A_307 = tpu.memref_slice %arg6[%dma_start3A_296, %dma_start3A_297, %dma_start3A_305, %dma_start3A_306] : memref<16x4x8x128xf32, #tpu.memory_space<vmem>> -> memref<1x1x8x128xf32, #tpu.memory_space<vmem>>
      %dma_start3A_308 = tpu.memref_squeeze %dma_start3A_307 : memref<1x1x8x128xf32, #tpu.memory_space<vmem>> -> memref<8x128xf32, #tpu.memory_space<vmem>>
      %dma_start3A_309 = arith.constant 0 : i32
      %dma_start3A_310 = tpu.memref_slice %arg2[%dma_start3A_295, %dma_start3A_309, %multiple_of3A_294] : memref<4x8x1000001xf32, #tpu.memory_space<hbm>> -> memref<1x8x128xf32, #tpu.memory_space<hbm>>
      %dma_start3A_311 = tpu.memref_squeeze %dma_start3A_310 : memref<1x8x128xf32, #tpu.memory_space<hbm>> -> memref<8x128xf32, #tpu.memory_space<hbm>>
      tpu.enqueue_dma source(%dma_start3A_311 : memref<8x128xf32, #tpu.memory_space<hbm>>) target(%dma_start3A_308 : memref<8x128xf32, #tpu.memory_space<vmem>>) target_semaphore(%arg8 : memref<!tpu.dma_semaphore, #tpu.memory_space<semaphore_mem>>)
      %slice3A_312 = vector.extract_strided_slice %and3A_15 {offsets = [3], sizes = [1], strides = [1]} : vector<16xi32> to vector<1xi32>
      %squeeze3A_313 = vector.extract %slice3A_312[0] : i32 from vector<1xi32>
      %multiple_of3A_314 = tpu.assume_multiple %squeeze3A_313, 128 : i32
      %dma_start3A_315 = arith.constant 3 : i32
      %dma_start3A_316 = arith.constant 3 : i32
      %dma_start3A_317 = arith.constant 3 : i32
      %dma_start3A_318 = arith.constant 0 : i32
      %dma_start3A_319 = arith.constant 0 : i32
      %dma_start3A_320 = tpu.memref_slice %arg6[%dma_start3A_316, %dma_start3A_317, %dma_start3A_318, %dma_start3A_319] : memref<16x4x8x128xf32, #tpu.memory_space<vmem>> -> memref<1x1x8x128xf32, #tpu.memory_space<vmem>>
      %dma_start3A_321 = tpu.memref_squeeze %dma_start3A_320 : memref<1x1x8x128xf32, #tpu.memory_space<vmem>> -> memref<8x128xf32, #tpu.memory_space<vmem>>
      %dma_start3A_322 = arith.constant 0 : i32
      %dma_start3A_323 = tpu.memref_slice %arg2[%dma_start3A_315, %dma_start3A_322, %multiple_of3A_314] : memref<4x8x1000001xf32, #tpu.memory_space<hbm>> -> memref<1x8x128xf32, #tpu.memory_space<hbm>>
      %dma_start3A_324 = tpu.memref_squeeze %dma_start3A_323 : memref<1x8x128xf32, #tpu.memory_space<hbm>> -> memref<8x128xf32, #tpu.memory_space<hbm>>
      %dma_start3A_325 = arith.constant 0 : i32
      %dma_start3A_326 = arith.constant 0 : i32
      %dma_start3A_327 = tpu.memref_slice %arg6[%dma_start3A_316, %dma_start3A_317, %dma_start3A_325, %dma_start3A_326] : memref<16x4x8x128xf32, #tpu.memory_space<vmem>> -> memref<1x1x8x128xf32, #tpu.memory_space<vmem>>
      %dma_start3A_328 = tpu.memref_squeeze %dma_start3A_327 : memref<1x1x8x128xf32, #tpu.memory_space<vmem>> -> memref<8x128xf32, #tpu.memory_space<vmem>>
      %dma_start3A_329 = arith.constant 0 : i32
      %dma_start3A_330 = tpu.memref_slice %arg2[%dma_start3A_315, %dma_start3A_329, %multiple_of3A_314] : memref<4x8x1000001xf32, #tpu.memory_space<hbm>> -> memref<1x8x128xf32, #tpu.memory_space<hbm>>
      %dma_start3A_331 = tpu.memref_squeeze %dma_start3A_330 : memref<1x8x128xf32, #tpu.memory_space<hbm>> -> memref<8x128xf32, #tpu.memory_space<hbm>>
      tpu.enqueue_dma source(%dma_start3A_331 : memref<8x128xf32, #tpu.memory_space<hbm>>) target(%dma_start3A_328 : memref<8x128xf32, #tpu.memory_space<vmem>>) target_semaphore(%arg8 : memref<!tpu.dma_semaphore, #tpu.memory_space<semaphore_mem>>)
      %slice3A_332 = vector.extract_strided_slice %and3A_15 {offsets = [4], sizes = [1], strides = [1]} : vector<16xi32> to vector<1xi32>
      %squeeze3A_333 = vector.extract %slice3A_332[0] : i32 from vector<1xi32>
      %multiple_of3A_334 = tpu.assume_multiple %squeeze3A_333, 128 : i32
      %dma_start3A_335 = arith.constant 0 : i32
      %dma_start3A_336 = arith.constant 4 : i32
      %dma_start3A_337 = arith.constant 0 : i32
      %dma_start3A_338 = arith.constant 0 : i32
      %dma_start3A_339 = arith.constant 0 : i32
      %dma_start3A_340 = tpu.memref_slice %arg6[%dma_start3A_336, %dma_start3A_337, %dma_start3A_338, %dma_start3A_339] : memref<16x4x8x128xf32, #tpu.memory_space<vmem>> -> memref<1x1x8x128xf32, #tpu.memory_space<vmem>>
      %dma_start3A_341 = tpu.memref_squeeze %dma_start3A_340 : memref<1x1x8x128xf32, #tpu.memory_space<vmem>> -> memref<8x128xf32, #tpu.memory_space<vmem>>
      %dma_start3A_342 = arith.constant 0 : i32
      %dma_start3A_343 = tpu.memref_slice %arg2[%dma_start3A_335, %dma_start3A_342, %multiple_of3A_334] : memref<4x8x1000001xf32, #tpu.memory_space<hbm>> -> memref<1x8x128xf32, #tpu.memory_space<hbm>>
      %dma_start3A_344 = tpu.memref_squeeze %dma_start3A_343 : memref<1x8x128xf32, #tpu.memory_space<hbm>> -> memref<8x128xf32, #tpu.memory_space<hbm>>
      %dma_start3A_345 = arith.constant 0 : i32
      %dma_start3A_346 = arith.constant 0 : i32
      %dma_start3A_347 = tpu.memref_slice %arg6[%dma_start3A_336, %dma_start3A_337, %dma_start3A_345, %dma_start3A_346] : memref<16x4x8x128xf32, #tpu.memory_space<vmem>> -> memref<1x1x8x128xf32, #tpu.memory_space<vmem>>
      %dma_start3A_348 = tpu.memref_squeeze %dma_start3A_347 : memref<1x1x8x128xf32, #tpu.memory_space<vmem>> -> memref<8x128xf32, #tpu.memory_space<vmem>>
      %dma_start3A_349 = arith.constant 0 : i32
      %dma_start3A_350 = tpu.memref_slice %arg2[%dma_start3A_335, %dma_start3A_349, %multiple_of3A_334] : memref<4x8x1000001xf32, #tpu.memory_space<hbm>> -> memref<1x8x128xf32, #tpu.memory_space<hbm>>
      %dma_start3A_351 = tpu.memref_squeeze %dma_start3A_350 : memref<1x8x128xf32, #tpu.memory_space<hbm>> -> memref<8x128xf32, #tpu.memory_space<hbm>>
      tpu.enqueue_dma source(%dma_start3A_351 : memref<8x128xf32, #tpu.memory_space<hbm>>) target(%dma_start3A_348 : memref<8x128xf32, #tpu.memory_space<vmem>>) target_semaphore(%arg8 : memref<!tpu.dma_semaphore, #tpu.memory_space<semaphore_mem>>)
      %slice3A_352 = vector.extract_strided_slice %and3A_15 {offsets = [4], sizes = [1], strides = [1]} : vector<16xi32> to vector<1xi32>
      %squeeze3A_353 = vector.extract %slice3A_352[0] : i32 from vector<1xi32>
      %multiple_of3A_354 = tpu.assume_multiple %squeeze3A_353, 128 : i32
      %dma_start3A_355 = arith.constant 1 : i32
      %dma_start3A_356 = arith.constant 4 : i32
      %dma_start3A_357 = arith.constant 1 : i32
      %dma_start3A_358 = arith.constant 0 : i32
      %dma_start3A_359 = arith.constant 0 : i32
      %dma_start3A_360 = tpu.memref_slice %arg6[%dma_start3A_356, %dma_start3A_357, %dma_start3A_358, %dma_start3A_359] : memref<16x4x8x128xf32, #tpu.memory_space<vmem>> -> memref<1x1x8x128xf32, #tpu.memory_space<vmem>>
      %dma_start3A_361 = tpu.memref_squeeze %dma_start3A_360 : memref<1x1x8x128xf32, #tpu.memory_space<vmem>> -> memref<8x128xf32, #tpu.memory_space<vmem>>
      %dma_start3A_362 = arith.constant 0 : i32
      %dma_start3A_363 = tpu.memref_slice %arg2[%dma_start3A_355, %dma_start3A_362, %multiple_of3A_354] : memref<4x8x1000001xf32, #tpu.memory_space<hbm>> -> memref<1x8x128xf32, #tpu.memory_space<hbm>>
      %dma_start3A_364 = tpu.memref_squeeze %dma_start3A_363 : memref<1x8x128xf32, #tpu.memory_space<hbm>> -> memref<8x128xf32, #tpu.memory_space<hbm>>
      %dma_start3A_365 = arith.constant 0 : i32
      %dma_start3A_366 = arith.constant 0 : i32
      %dma_start3A_367 = tpu.memref_slice %arg6[%dma_start3A_356, %dma_start3A_357, %dma_start3A_365, %dma_start3A_366] : memref<16x4x8x128xf32, #tpu.memory_space<vmem>> -> memref<1x1x8x128xf32, #tpu.memory_space<vmem>>
      %dma_start3A_368 = tpu.memref_squeeze %dma_start3A_367 : memref<1x1x8x128xf32, #tpu.memory_space<vmem>> -> memref<8x128xf32, #tpu.memory_space<vmem>>
      %dma_start3A_369 = arith.constant 0 : i32
      %dma_start3A_370 = tpu.memref_slice %arg2[%dma_start3A_355, %dma_start3A_369, %multiple_of3A_354] : memref<4x8x1000001xf32, #tpu.memory_space<hbm>> -> memref<1x8x128xf32, #tpu.memory_space<hbm>>
      %dma_start3A_371 = tpu.memref_squeeze %dma_start3A_370 : memref<1x8x128xf32, #tpu.memory_space<hbm>> -> memref<8x128xf32, #tpu.memory_space<hbm>>
      tpu.enqueue_dma source(%dma_start3A_371 : memref<8x128xf32, #tpu.memory_space<hbm>>) target(%dma_start3A_368 : memref<8x128xf32, #tpu.memory_space<vmem>>) target_semaphore(%arg8 : memref<!tpu.dma_semaphore, #tpu.memory_space<semaphore_mem>>)
      %slice3A_372 = vector.extract_strided_slice %and3A_15 {offsets = [4], sizes = [1], strides = [1]} : vector<16xi32> to vector<1xi32>
      %squeeze3A_373 = vector.extract %slice3A_372[0] : i32 from vector<1xi32>
      %multiple_of3A_374 = tpu.assume_multiple %squeeze3A_373, 128 : i32
      %dma_start3A_375 = arith.constant 2 : i32
      %dma_start3A_376 = arith.constant 4 : i32
      %dma_start3A_377 = arith.constant 2 : i32
      %dma_start3A_378 = arith.constant 0 : i32
      %dma_start3A_379 = arith.constant 0 : i32
      %dma_start3A_380 = tpu.memref_slice %arg6[%dma_start3A_376, %dma_start3A_377, %dma_start3A_378, %dma_start3A_379] : memref<16x4x8x128xf32, #tpu.memory_space<vmem>> -> memref<1x1x8x128xf32, #tpu.memory_space<vmem>>
      %dma_start3A_381 = tpu.memref_squeeze %dma_start3A_380 : memref<1x1x8x128xf32, #tpu.memory_space<vmem>> -> memref<8x128xf32, #tpu.memory_space<vmem>>
      %dma_start3A_382 = arith.constant 0 : i32
      %dma_start3A_383 = tpu.memref_slice %arg2[%dma_start3A_375, %dma_start3A_382, %multiple_of3A_374] : memref<4x8x1000001xf32, #tpu.memory_space<hbm>> -> memref<1x8x128xf32, #tpu.memory_space<hbm>>
      %dma_start3A_384 = tpu.memref_squeeze %dma_start3A_383 : memref<1x8x128xf32, #tpu.memory_space<hbm>> -> memref<8x128xf32, #tpu.memory_space<hbm>>
      %dma_start3A_385 = arith.constant 0 : i32
      %dma_start3A_386 = arith.constant 0 : i32
      %dma_start3A_387 = tpu.memref_slice %arg6[%dma_start3A_376, %dma_start3A_377, %dma_start3A_385, %dma_start3A_386] : memref<16x4x8x128xf32, #tpu.memory_space<vmem>> -> memref<1x1x8x128xf32, #tpu.memory_space<vmem>>
      %dma_start3A_388 = tpu.memref_squeeze %dma_start3A_387 : memref<1x1x8x128xf32, #tpu.memory_space<vmem>> -> memref<8x128xf32, #tpu.memory_space<vmem>>
      %dma_start3A_389 = arith.constant 0 : i32
      %dma_start3A_390 = tpu.memref_slice %arg2[%dma_start3A_375, %dma_start3A_389, %multiple_of3A_374] : memref<4x8x1000001xf32, #tpu.memory_space<hbm>> -> memref<1x8x128xf32, #tpu.memory_space<hbm>>
      %dma_start3A_391 = tpu.memref_squeeze %dma_start3A_390 : memref<1x8x128xf32, #tpu.memory_space<hbm>> -> memref<8x128xf32, #tpu.memory_space<hbm>>
      tpu.enqueue_dma source(%dma_start3A_391 : memref<8x128xf32, #tpu.memory_space<hbm>>) target(%dma_start3A_388 : memref<8x128xf32, #tpu.memory_space<vmem>>) target_semaphore(%arg8 : memref<!tpu.dma_semaphore, #tpu.memory_space<semaphore_mem>>)
      %slice3A_392 = vector.extract_strided_slice %and3A_15 {offsets = [4], sizes = [1], strides = [1]} : vector<16xi32> to vector<1xi32>
      %squeeze3A_393 = vector.extract %slice3A_392[0] : i32 from vector<1xi32>
      %multiple_of3A_394 = tpu.assume_multiple %squeeze3A_393, 128 : i32
      %dma_start3A_395 = arith.constant 3 : i32
      %dma_start3A_396 = arith.constant 4 : i32
      %dma_start3A_397 = arith.constant 3 : i32
      %dma_start3A_398 = arith.constant 0 : i32
      %dma_start3A_399 = arith.constant 0 : i32
      %dma_start3A_400 = tpu.memref_slice %arg6[%dma_start3A_396, %dma_start3A_397, %dma_start3A_398, %dma_start3A_399] : memref<16x4x8x128xf32, #tpu.memory_space<vmem>> -> memref<1x1x8x128xf32, #tpu.memory_space<vmem>>
      %dma_start3A_401 = tpu.memref_squeeze %dma_start3A_400 : memref<1x1x8x128xf32, #tpu.memory_space<vmem>> -> memref<8x128xf32, #tpu.memory_space<vmem>>
      %dma_start3A_402 = arith.constant 0 : i32
      %dma_start3A_403 = tpu.memref_slice %arg2[%dma_start3A_395, %dma_start3A_402, %multiple_of3A_394] : memref<4x8x1000001xf32, #tpu.memory_space<hbm>> -> memref<1x8x128xf32, #tpu.memory_space<hbm>>
      %dma_start3A_404 = tpu.memref_squeeze %dma_start3A_403 : memref<1x8x128xf32, #tpu.memory_space<hbm>> -> memref<8x128xf32, #tpu.memory_space<hbm>>
      %dma_start3A_405 = arith.constant 0 : i32
      %dma_start3A_406 = arith.constant 0 : i32
      %dma_start3A_407 = tpu.memref_slice %arg6[%dma_start3A_396, %dma_start3A_397, %dma_start3A_405, %dma_start3A_406] : memref<16x4x8x128xf32, #tpu.memory_space<vmem>> -> memref<1x1x8x128xf32, #tpu.memory_space<vmem>>
      %dma_start3A_408 = tpu.memref_squeeze %dma_start3A_407 : memref<1x1x8x128xf32, #tpu.memory_space<vmem>> -> memref<8x128xf32, #tpu.memory_space<vmem>>
      %dma_start3A_409 = arith.constant 0 : i32
      %dma_start3A_410 = tpu.memref_slice %arg2[%dma_start3A_395, %dma_start3A_409, %multiple_of3A_394] : memref<4x8x1000001xf32, #tpu.memory_space<hbm>> -> memref<1x8x128xf32, #tpu.memory_space<hbm>>
      %dma_start3A_411 = tpu.memref_squeeze %dma_start3A_410 : memref<1x8x128xf32, #tpu.memory_space<hbm>> -> memref<8x128xf32, #tpu.memory_space<hbm>>
      tpu.enqueue_dma source(%dma_start3A_411 : memref<8x128xf32, #tpu.memory_space<hbm>>) target(%dma_start3A_408 : memref<8x128xf32, #tpu.memory_space<vmem>>) target_semaphore(%arg8 : memref<!tpu.dma_semaphore, #tpu.memory_space<semaphore_mem>>)
      %slice3A_412 = vector.extract_strided_slice %and3A_15 {offsets = [5], sizes = [1], strides = [1]} : vector<16xi32> to vector<1xi32>
      %squeeze3A_413 = vector.extract %slice3A_412[0] : i32 from vector<1xi32>
      %multiple_of3A_414 = tpu.assume_multiple %squeeze3A_413, 128 : i32
      %dma_start3A_415 = arith.constant 0 : i32
      %dma_start3A_416 = arith.constant 5 : i32
      %dma_start3A_417 = arith.constant 0 : i32
      %dma_start3A_418 = arith.constant 0 : i32
      %dma_start3A_419 = arith.constant 0 : i32
      %dma_start3A_420 = tpu.memref_slice %arg6[%dma_start3A_416, %dma_start3A_417, %dma_start3A_418, %dma_start3A_419] : memref<16x4x8x128xf32, #tpu.memory_space<vmem>> -> memref<1x1x8x128xf32, #tpu.memory_space<vmem>>
      %dma_start3A_421 = tpu.memref_squeeze %dma_start3A_420 : memref<1x1x8x128xf32, #tpu.memory_space<vmem>> -> memref<8x128xf32, #tpu.memory_space<vmem>>
      %dma_start3A_422 = arith.constant 0 : i32
      %dma_start3A_423 = tpu.memref_slice %arg2[%dma_start3A_415, %dma_start3A_422, %multiple_of3A_414] : memref<4x8x1000001xf32, #tpu.memory_space<hbm>> -> memref<1x8x128xf32, #tpu.memory_space<hbm>>
      %dma_start3A_424 = tpu.memref_squeeze %dma_start3A_423 : memref<1x8x128xf32, #tpu.memory_space<hbm>> -> memref<8x128xf32, #tpu.memory_space<hbm>>
      %dma_start3A_425 = arith.constant 0 : i32
      %dma_start3A_426 = arith.constant 0 : i32
      %dma_start3A_427 = tpu.memref_slice %arg6[%dma_start3A_416, %dma_start3A_417, %dma_start3A_425, %dma_start3A_426] : memref<16x4x8x128xf32, #tpu.memory_space<vmem>> -> memref<1x1x8x128xf32, #tpu.memory_space<vmem>>
      %dma_start3A_428 = tpu.memref_squeeze %dma_start3A_427 : memref<1x1x8x128xf32, #tpu.memory_space<vmem>> -> memref<8x128xf32, #tpu.memory_space<vmem>>
      %dma_start3A_429 = arith.constant 0 : i32
      %dma_start3A_430 = tpu.memref_slice %arg2[%dma_start3A_415, %dma_start3A_429, %multiple_of3A_414] : memref<4x8x1000001xf32, #tpu.memory_space<hbm>> -> memref<1x8x128xf32, #tpu.memory_space<hbm>>
      %dma_start3A_431 = tpu.memref_squeeze %dma_start3A_430 : memref<1x8x128xf32, #tpu.memory_space<hbm>> -> memref<8x128xf32, #tpu.memory_space<hbm>>
      tpu.enqueue_dma source(%dma_start3A_431 : memref<8x128xf32, #tpu.memory_space<hbm>>) target(%dma_start3A_428 : memref<8x128xf32, #tpu.memory_space<vmem>>) target_semaphore(%arg8 : memref<!tpu.dma_semaphore, #tpu.memory_space<semaphore_mem>>)
      %slice3A_432 = vector.extract_strided_slice %and3A_15 {offsets = [5], sizes = [1], strides = [1]} : vector<16xi32> to vector<1xi32>
      %squeeze3A_433 = vector.extract %slice3A_432[0] : i32 from vector<1xi32>
      %multiple_of3A_434 = tpu.assume_multiple %squeeze3A_433, 128 : i32
      %dma_start3A_435 = arith.constant 1 : i32
      %dma_start3A_436 = arith.constant 5 : i32
      %dma_start3A_437 = arith.constant 1 : i32
      %dma_start3A_438 = arith.constant 0 : i32
      %dma_start3A_439 = arith.constant 0 : i32
      %dma_start3A_440 = tpu.memref_slice %arg6[%dma_start3A_436, %dma_start3A_437, %dma_start3A_438, %dma_start3A_439] : memref<16x4x8x128xf32, #tpu.memory_space<vmem>> -> memref<1x1x8x128xf32, #tpu.memory_space<vmem>>
      %dma_start3A_441 = tpu.memref_squeeze %dma_start3A_440 : memref<1x1x8x128xf32, #tpu.memory_space<vmem>> -> memref<8x128xf32, #tpu.memory_space<vmem>>
      %dma_start3A_442 = arith.constant 0 : i32
      %dma_start3A_443 = tpu.memref_slice %arg2[%dma_start3A_435, %dma_start3A_442, %multiple_of3A_434] : memref<4x8x1000001xf32, #tpu.memory_space<hbm>> -> memref<1x8x128xf32, #tpu.memory_space<hbm>>
      %dma_start3A_444 = tpu.memref_squeeze %dma_start3A_443 : memref<1x8x128xf32, #tpu.memory_space<hbm>> -> memref<8x128xf32, #tpu.memory_space<hbm>>
      %dma_start3A_445 = arith.constant 0 : i32
      %dma_start3A_446 = arith.constant 0 : i32
      %dma_start3A_447 = tpu.memref_slice %arg6[%dma_start3A_436, %dma_start3A_437, %dma_start3A_445, %dma_start3A_446] : memref<16x4x8x128xf32, #tpu.memory_space<vmem>> -> memref<1x1x8x128xf32, #tpu.memory_space<vmem>>
      %dma_start3A_448 = tpu.memref_squeeze %dma_start3A_447 : memref<1x1x8x128xf32, #tpu.memory_space<vmem>> -> memref<8x128xf32, #tpu.memory_space<vmem>>
      %dma_start3A_449 = arith.constant 0 : i32
      %dma_start3A_450 = tpu.memref_slice %arg2[%dma_start3A_435, %dma_start3A_449, %multiple_of3A_434] : memref<4x8x1000001xf32, #tpu.memory_space<hbm>> -> memref<1x8x128xf32, #tpu.memory_space<hbm>>
      %dma_start3A_451 = tpu.memref_squeeze %dma_start3A_450 : memref<1x8x128xf32, #tpu.memory_space<hbm>> -> memref<8x128xf32, #tpu.memory_space<hbm>>
      tpu.enqueue_dma source(%dma_start3A_451 : memref<8x128xf32, #tpu.memory_space<hbm>>) target(%dma_start3A_448 : memref<8x128xf32, #tpu.memory_space<vmem>>) target_semaphore(%arg8 : memref<!tpu.dma_semaphore, #tpu.memory_space<semaphore_mem>>)
      %slice3A_452 = vector.extract_strided_slice %and3A_15 {offsets = [5], sizes = [1], strides = [1]} : vector<16xi32> to vector<1xi32>
      %squeeze3A_453 = vector.extract %slice3A_452[0] : i32 from vector<1xi32>
      %multiple_of3A_454 = tpu.assume_multiple %squeeze3A_453, 128 : i32
      %dma_start3A_455 = arith.constant 2 : i32
      %dma_start3A_456 = arith.constant 5 : i32
      %dma_start3A_457 = arith.constant 2 : i32
      %dma_start3A_458 = arith.constant 0 : i32
      %dma_start3A_459 = arith.constant 0 : i32
      %dma_start3A_460 = tpu.memref_slice %arg6[%dma_start3A_456, %dma_start3A_457, %dma_start3A_458, %dma_start3A_459] : memref<16x4x8x128xf32, #tpu.memory_space<vmem>> -> memref<1x1x8x128xf32, #tpu.memory_space<vmem>>
      %dma_start3A_461 = tpu.memref_squeeze %dma_start3A_460 : memref<1x1x8x128xf32, #tpu.memory_space<vmem>> -> memref<8x128xf32, #tpu.memory_space<vmem>>
      %dma_start3A_462 = arith.constant 0 : i32
      %dma_start3A_463 = tpu.memref_slice %arg2[%dma_start3A_455, %dma_start3A_462, %multiple_of3A_454] : memref<4x8x1000001xf32, #tpu.memory_space<hbm>> -> memref<1x8x128xf32, #tpu.memory_space<hbm>>
      %dma_start3A_464 = tpu.memref_squeeze %dma_start3A_463 : memref<1x8x128xf32, #tpu.memory_space<hbm>> -> memref<8x128xf32, #tpu.memory_space<hbm>>
      %dma_start3A_465 = arith.constant 0 : i32
      %dma_start3A_466 = arith.constant 0 : i32
      %dma_start3A_467 = tpu.memref_slice %arg6[%dma_start3A_456, %dma_start3A_457, %dma_start3A_465, %dma_start3A_466] : memref<16x4x8x128xf32, #tpu.memory_space<vmem>> -> memref<1x1x8x128xf32, #tpu.memory_space<vmem>>
      %dma_start3A_468 = tpu.memref_squeeze %dma_start3A_467 : memref<1x1x8x128xf32, #tpu.memory_space<vmem>> -> memref<8x128xf32, #tpu.memory_space<vmem>>
      %dma_start3A_469 = arith.constant 0 : i32
      %dma_start3A_470 = tpu.memref_slice %arg2[%dma_start3A_455, %dma_start3A_469, %multiple_of3A_454] : memref<4x8x1000001xf32, #tpu.memory_space<hbm>> -> memref<1x8x128xf32, #tpu.memory_space<hbm>>
      %dma_start3A_471 = tpu.memref_squeeze %dma_start3A_470 : memref<1x8x128xf32, #tpu.memory_space<hbm>> -> memref<8x128xf32, #tpu.memory_space<hbm>>
      tpu.enqueue_dma source(%dma_start3A_471 : memref<8x128xf32, #tpu.memory_space<hbm>>) target(%dma_start3A_468 : memref<8x128xf32, #tpu.memory_space<vmem>>) target_semaphore(%arg8 : memref<!tpu.dma_semaphore, #tpu.memory_space<semaphore_mem>>)
      %slice3A_472 = vector.extract_strided_slice %and3A_15 {offsets = [5], sizes = [1], strides = [1]} : vector<16xi32> to vector<1xi32>
      %squeeze3A_473 = vector.extract %slice3A_472[0] : i32 from vector<1xi32>
      %multiple_of3A_474 = tpu.assume_multiple %squeeze3A_473, 128 : i32
      %dma_start3A_475 = arith.constant 3 : i32
      %dma_start3A_476 = arith.constant 5 : i32
      %dma_start3A_477 = arith.constant 3 : i32
      %dma_start3A_478 = arith.constant 0 : i32
      %dma_start3A_479 = arith.constant 0 : i32
      %dma_start3A_480 = tpu.memref_slice %arg6[%dma_start3A_476, %dma_start3A_477, %dma_start3A_478, %dma_start3A_479] : memref<16x4x8x128xf32, #tpu.memory_space<vmem>> -> memref<1x1x8x128xf32, #tpu.memory_space<vmem>>
      %dma_start3A_481 = tpu.memref_squeeze %dma_start3A_480 : memref<1x1x8x128xf32, #tpu.memory_space<vmem>> -> memref<8x128xf32, #tpu.memory_space<vmem>>
      %dma_start3A_482 = arith.constant 0 : i32
      %dma_start3A_483 = tpu.memref_slice %arg2[%dma_start3A_475, %dma_start3A_482, %multiple_of3A_474] : memref<4x8x1000001xf32, #tpu.memory_space<hbm>> -> memref<1x8x128xf32, #tpu.memory_space<hbm>>
      %dma_start3A_484 = tpu.memref_squeeze %dma_start3A_483 : memref<1x8x128xf32, #tpu.memory_space<hbm>> -> memref<8x128xf32, #tpu.memory_space<hbm>>
      %dma_start3A_485 = arith.constant 0 : i32
      %dma_start3A_486 = arith.constant 0 : i32
      %dma_start3A_487 = tpu.memref_slice %arg6[%dma_start3A_476, %dma_start3A_477, %dma_start3A_485, %dma_start3A_486] : memref<16x4x8x128xf32, #tpu.memory_space<vmem>> -> memref<1x1x8x128xf32, #tpu.memory_space<vmem>>
      %dma_start3A_488 = tpu.memref_squeeze %dma_start3A_487 : memref<1x1x8x128xf32, #tpu.memory_space<vmem>> -> memref<8x128xf32, #tpu.memory_space<vmem>>
      %dma_start3A_489 = arith.constant 0 : i32
      %dma_start3A_490 = tpu.memref_slice %arg2[%dma_start3A_475, %dma_start3A_489, %multiple_of3A_474] : memref<4x8x1000001xf32, #tpu.memory_space<hbm>> -> memref<1x8x128xf32, #tpu.memory_space<hbm>>
      %dma_start3A_491 = tpu.memref_squeeze %dma_start3A_490 : memref<1x8x128xf32, #tpu.memory_space<hbm>> -> memref<8x128xf32, #tpu.memory_space<hbm>>
      tpu.enqueue_dma source(%dma_start3A_491 : memref<8x128xf32, #tpu.memory_space<hbm>>) target(%dma_start3A_488 : memref<8x128xf32, #tpu.memory_space<vmem>>) target_semaphore(%arg8 : memref<!tpu.dma_semaphore, #tpu.memory_space<semaphore_mem>>)
      %slice3A_492 = vector.extract_strided_slice %and3A_15 {offsets = [6], sizes = [1], strides = [1]} : vector<16xi32> to vector<1xi32>
      %squeeze3A_493 = vector.extract %slice3A_492[0] : i32 from vector<1xi32>
      %multiple_of3A_494 = tpu.assume_multiple %squeeze3A_493, 128 : i32
      %dma_start3A_495 = arith.constant 0 : i32
      %dma_start3A_496 = arith.constant 6 : i32
      %dma_start3A_497 = arith.constant 0 : i32
      %dma_start3A_498 = arith.constant 0 : i32
      %dma_start3A_499 = arith.constant 0 : i32
      %dma_start3A_500 = tpu.memref_slice %arg6[%dma_start3A_496, %dma_start3A_497, %dma_start3A_498, %dma_start3A_499] : memref<16x4x8x128xf32, #tpu.memory_space<vmem>> -> memref<1x1x8x128xf32, #tpu.memory_space<vmem>>
      %dma_start3A_501 = tpu.memref_squeeze %dma_start3A_500 : memref<1x1x8x128xf32, #tpu.memory_space<vmem>> -> memref<8x128xf32, #tpu.memory_space<vmem>>
      %dma_start3A_502 = arith.constant 0 : i32
      %dma_start3A_503 = tpu.memref_slice %arg2[%dma_start3A_495, %dma_start3A_502, %multiple_of3A_494] : memref<4x8x1000001xf32, #tpu.memory_space<hbm>> -> memref<1x8x128xf32, #tpu.memory_space<hbm>>
      %dma_start3A_504 = tpu.memref_squeeze %dma_start3A_503 : memref<1x8x128xf32, #tpu.memory_space<hbm>> -> memref<8x128xf32, #tpu.memory_space<hbm>>
      %dma_start3A_505 = arith.constant 0 : i32
      %dma_start3A_506 = arith.constant 0 : i32
      %dma_start3A_507 = tpu.memref_slice %arg6[%dma_start3A_496, %dma_start3A_497, %dma_start3A_505, %dma_start3A_506] : memref<16x4x8x128xf32, #tpu.memory_space<vmem>> -> memref<1x1x8x128xf32, #tpu.memory_space<vmem>>
      %dma_start3A_508 = tpu.memref_squeeze %dma_start3A_507 : memref<1x1x8x128xf32, #tpu.memory_space<vmem>> -> memref<8x128xf32, #tpu.memory_space<vmem>>
      %dma_start3A_509 = arith.constant 0 : i32
      %dma_start3A_510 = tpu.memref_slice %arg2[%dma_start3A_495, %dma_start3A_509, %multiple_of3A_494] : memref<4x8x1000001xf32, #tpu.memory_space<hbm>> -> memref<1x8x128xf32, #tpu.memory_space<hbm>>
      %dma_start3A_511 = tpu.memref_squeeze %dma_start3A_510 : memref<1x8x128xf32, #tpu.memory_space<hbm>> -> memref<8x128xf32, #tpu.memory_space<hbm>>
      tpu.enqueue_dma source(%dma_start3A_511 : memref<8x128xf32, #tpu.memory_space<hbm>>) target(%dma_start3A_508 : memref<8x128xf32, #tpu.memory_space<vmem>>) target_semaphore(%arg8 : memref<!tpu.dma_semaphore, #tpu.memory_space<semaphore_mem>>)
      %slice3A_512 = vector.extract_strided_slice %and3A_15 {offsets = [6], sizes = [1], strides = [1]} : vector<16xi32> to vector<1xi32>
      %squeeze3A_513 = vector.extract %slice3A_512[0] : i32 from vector<1xi32>
      %multiple_of3A_514 = tpu.assume_multiple %squeeze3A_513, 128 : i32
      %dma_start3A_515 = arith.constant 1 : i32
      %dma_start3A_516 = arith.constant 6 : i32
      %dma_start3A_517 = arith.constant 1 : i32
      %dma_start3A_518 = arith.constant 0 : i32
      %dma_start3A_519 = arith.constant 0 : i32
      %dma_start3A_520 = tpu.memref_slice %arg6[%dma_start3A_516, %dma_start3A_517, %dma_start3A_518, %dma_start3A_519] : memref<16x4x8x128xf32, #tpu.memory_space<vmem>> -> memref<1x1x8x128xf32, #tpu.memory_space<vmem>>
      %dma_start3A_521 = tpu.memref_squeeze %dma_start3A_520 : memref<1x1x8x128xf32, #tpu.memory_space<vmem>> -> memref<8x128xf32, #tpu.memory_space<vmem>>
      %dma_start3A_522 = arith.constant 0 : i32
      %dma_start3A_523 = tpu.memref_slice %arg2[%dma_start3A_515, %dma_start3A_522, %multiple_of3A_514] : memref<4x8x1000001xf32, #tpu.memory_space<hbm>> -> memref<1x8x128xf32, #tpu.memory_space<hbm>>
      %dma_start3A_524 = tpu.memref_squeeze %dma_start3A_523 : memref<1x8x128xf32, #tpu.memory_space<hbm>> -> memref<8x128xf32, #tpu.memory_space<hbm>>
      %dma_start3A_525 = arith.constant 0 : i32
      %dma_start3A_526 = arith.constant 0 : i32
      %dma_start3A_527 = tpu.memref_slice %arg6[%dma_start3A_516, %dma_start3A_517, %dma_start3A_525, %dma_start3A_526] : memref<16x4x8x128xf32, #tpu.memory_space<vmem>> -> memref<1x1x8x128xf32, #tpu.memory_space<vmem>>
      %dma_start3A_528 = tpu.memref_squeeze %dma_start3A_527 : memref<1x1x8x128xf32, #tpu.memory_space<vmem>> -> memref<8x128xf32, #tpu.memory_space<vmem>>
      %dma_start3A_529 = arith.constant 0 : i32
      %dma_start3A_530 = tpu.memref_slice %arg2[%dma_start3A_515, %dma_start3A_529, %multiple_of3A_514] : memref<4x8x1000001xf32, #tpu.memory_space<hbm>> -> memref<1x8x128xf32, #tpu.memory_space<hbm>>
      %dma_start3A_531 = tpu.memref_squeeze %dma_start3A_530 : memref<1x8x128xf32, #tpu.memory_space<hbm>> -> memref<8x128xf32, #tpu.memory_space<hbm>>
      tpu.enqueue_dma source(%dma_start3A_531 : memref<8x128xf32, #tpu.memory_space<hbm>>) target(%dma_start3A_528 : memref<8x128xf32, #tpu.memory_space<vmem>>) target_semaphore(%arg8 : memref<!tpu.dma_semaphore, #tpu.memory_space<semaphore_mem>>)
      %slice3A_532 = vector.extract_strided_slice %and3A_15 {offsets = [6], sizes = [1], strides = [1]} : vector<16xi32> to vector<1xi32>
      %squeeze3A_533 = vector.extract %slice3A_532[0] : i32 from vector<1xi32>
      %multiple_of3A_534 = tpu.assume_multiple %squeeze3A_533, 128 : i32
      %dma_start3A_535 = arith.constant 2 : i32
      %dma_start3A_536 = arith.constant 6 : i32
      %dma_start3A_537 = arith.constant 2 : i32
      %dma_start3A_538 = arith.constant 0 : i32
      %dma_start3A_539 = arith.constant 0 : i32
      %dma_start3A_540 = tpu.memref_slice %arg6[%dma_start3A_536, %dma_start3A_537, %dma_start3A_538, %dma_start3A_539] : memref<16x4x8x128xf32, #tpu.memory_space<vmem>> -> memref<1x1x8x128xf32, #tpu.memory_space<vmem>>
      %dma_start3A_541 = tpu.memref_squeeze %dma_start3A_540 : memref<1x1x8x128xf32, #tpu.memory_space<vmem>> -> memref<8x128xf32, #tpu.memory_space<vmem>>
      %dma_start3A_542 = arith.constant 0 : i32
      %dma_start3A_543 = tpu.memref_slice %arg2[%dma_start3A_535, %dma_start3A_542, %multiple_of3A_534] : memref<4x8x1000001xf32, #tpu.memory_space<hbm>> -> memref<1x8x128xf32, #tpu.memory_space<hbm>>
      %dma_start3A_544 = tpu.memref_squeeze %dma_start3A_543 : memref<1x8x128xf32, #tpu.memory_space<hbm>> -> memref<8x128xf32, #tpu.memory_space<hbm>>
      %dma_start3A_545 = arith.constant 0 : i32
      %dma_start3A_546 = arith.constant 0 : i32
      %dma_start3A_547 = tpu.memref_slice %arg6[%dma_start3A_536, %dma_start3A_537, %dma_start3A_545, %dma_start3A_546] : memref<16x4x8x128xf32, #tpu.memory_space<vmem>> -> memref<1x1x8x128xf32, #tpu.memory_space<vmem>>
      %dma_start3A_548 = tpu.memref_squeeze %dma_start3A_547 : memref<1x1x8x128xf32, #tpu.memory_space<vmem>> -> memref<8x128xf32, #tpu.memory_space<vmem>>
      %dma_start3A_549 = arith.constant 0 : i32
      %dma_start3A_550 = tpu.memref_slice %arg2[%dma_start3A_535, %dma_start3A_549, %multiple_of3A_534] : memref<4x8x1000001xf32, #tpu.memory_space<hbm>> -> memref<1x8x128xf32, #tpu.memory_space<hbm>>
      %dma_start3A_551 = tpu.memref_squeeze %dma_start3A_550 : memref<1x8x128xf32, #tpu.memory_space<hbm>> -> memref<8x128xf32, #tpu.memory_space<hbm>>
      tpu.enqueue_dma source(%dma_start3A_551 : memref<8x128xf32, #tpu.memory_space<hbm>>) target(%dma_start3A_548 : memref<8x128xf32, #tpu.memory_space<vmem>>) target_semaphore(%arg8 : memref<!tpu.dma_semaphore, #tpu.memory_space<semaphore_mem>>)
      %slice3A_552 = vector.extract_strided_slice %and3A_15 {offsets = [6], sizes = [1], strides = [1]} : vector<16xi32> to vector<1xi32>
      %squeeze3A_553 = vector.extract %slice3A_552[0] : i32 from vector<1xi32>
      %multiple_of3A_554 = tpu.assume_multiple %squeeze3A_553, 128 : i32
      %dma_start3A_555 = arith.constant 3 : i32
      %dma_start3A_556 = arith.constant 6 : i32
      %dma_start3A_557 = arith.constant 3 : i32
      %dma_start3A_558 = arith.constant 0 : i32
      %dma_start3A_559 = arith.constant 0 : i32
      %dma_start3A_560 = tpu.memref_slice %arg6[%dma_start3A_556, %dma_start3A_557, %dma_start3A_558, %dma_start3A_559] : memref<16x4x8x128xf32, #tpu.memory_space<vmem>> -> memref<1x1x8x128xf32, #tpu.memory_space<vmem>>
      %dma_start3A_561 = tpu.memref_squeeze %dma_start3A_560 : memref<1x1x8x128xf32, #tpu.memory_space<vmem>> -> memref<8x128xf32, #tpu.memory_space<vmem>>
      %dma_start3A_562 = arith.constant 0 : i32
      %dma_start3A_563 = tpu.memref_slice %arg2[%dma_start3A_555, %dma_start3A_562, %multiple_of3A_554] : memref<4x8x1000001xf32, #tpu.memory_space<hbm>> -> memref<1x8x128xf32, #tpu.memory_space<hbm>>
      %dma_start3A_564 = tpu.memref_squeeze %dma_start3A_563 : memref<1x8x128xf32, #tpu.memory_space<hbm>> -> memref<8x128xf32, #tpu.memory_space<hbm>>
      %dma_start3A_565 = arith.constant 0 : i32
      %dma_start3A_566 = arith.constant 0 : i32
      %dma_start3A_567 = tpu.memref_slice %arg6[%dma_start3A_556, %dma_start3A_557, %dma_start3A_565, %dma_start3A_566] : memref<16x4x8x128xf32, #tpu.memory_space<vmem>> -> memref<1x1x8x128xf32, #tpu.memory_space<vmem>>
      %dma_start3A_568 = tpu.memref_squeeze %dma_start3A_567 : memref<1x1x8x128xf32, #tpu.memory_space<vmem>> -> memref<8x128xf32, #tpu.memory_space<vmem>>
      %dma_start3A_569 = arith.constant 0 : i32
      %dma_start3A_570 = tpu.memref_slice %arg2[%dma_start3A_555, %dma_start3A_569, %multiple_of3A_554] : memref<4x8x1000001xf32, #tpu.memory_space<hbm>> -> memref<1x8x128xf32, #tpu.memory_space<hbm>>
      %dma_start3A_571 = tpu.memref_squeeze %dma_start3A_570 : memref<1x8x128xf32, #tpu.memory_space<hbm>> -> memref<8x128xf32, #tpu.memory_space<hbm>>
      tpu.enqueue_dma source(%dma_start3A_571 : memref<8x128xf32, #tpu.memory_space<hbm>>) target(%dma_start3A_568 : memref<8x128xf32, #tpu.memory_space<vmem>>) target_semaphore(%arg8 : memref<!tpu.dma_semaphore, #tpu.memory_space<semaphore_mem>>)
      %slice3A_572 = vector.extract_strided_slice %and3A_15 {offsets = [7], sizes = [1], strides = [1]} : vector<16xi32> to vector<1xi32>
      %squeeze3A_573 = vector.extract %slice3A_572[0] : i32 from vector<1xi32>
      %multiple_of3A_574 = tpu.assume_multiple %squeeze3A_573, 128 : i32
      %dma_start3A_575 = arith.constant 0 : i32
      %dma_start3A_576 = arith.constant 7 : i32
      %dma_start3A_577 = arith.constant 0 : i32
      %dma_start3A_578 = arith.constant 0 : i32
      %dma_start3A_579 = arith.constant 0 : i32
      %dma_start3A_580 = tpu.memref_slice %arg6[%dma_start3A_576, %dma_start3A_577, %dma_start3A_578, %dma_start3A_579] : memref<16x4x8x128xf32, #tpu.memory_space<vmem>> -> memref<1x1x8x128xf32, #tpu.memory_space<vmem>>
      %dma_start3A_581 = tpu.memref_squeeze %dma_start3A_580 : memref<1x1x8x128xf32, #tpu.memory_space<vmem>> -> memref<8x128xf32, #tpu.memory_space<vmem>>
      %dma_start3A_582 = arith.constant 0 : i32
      %dma_start3A_583 = tpu.memref_slice %arg2[%dma_start3A_575, %dma_start3A_582, %multiple_of3A_574] : memref<4x8x1000001xf32, #tpu.memory_space<hbm>> -> memref<1x8x128xf32, #tpu.memory_space<hbm>>
      %dma_start3A_584 = tpu.memref_squeeze %dma_start3A_583 : memref<1x8x128xf32, #tpu.memory_space<hbm>> -> memref<8x128xf32, #tpu.memory_space<hbm>>
      %dma_start3A_585 = arith.constant 0 : i32
      %dma_start3A_586 = arith.constant 0 : i32
      %dma_start3A_587 = tpu.memref_slice %arg6[%dma_start3A_576, %dma_start3A_577, %dma_start3A_585, %dma_start3A_586] : memref<16x4x8x128xf32, #tpu.memory_space<vmem>> -> memref<1x1x8x128xf32, #tpu.memory_space<vmem>>
      %dma_start3A_588 = tpu.memref_squeeze %dma_start3A_587 : memref<1x1x8x128xf32, #tpu.memory_space<vmem>> -> memref<8x128xf32, #tpu.memory_space<vmem>>
      %dma_start3A_589 = arith.constant 0 : i32
      %dma_start3A_590 = tpu.memref_slice %arg2[%dma_start3A_575, %dma_start3A_589, %multiple_of3A_574] : memref<4x8x1000001xf32, #tpu.memory_space<hbm>> -> memref<1x8x128xf32, #tpu.memory_space<hbm>>
      %dma_start3A_591 = tpu.memref_squeeze %dma_start3A_590 : memref<1x8x128xf32, #tpu.memory_space<hbm>> -> memref<8x128xf32, #tpu.memory_space<hbm>>
      tpu.enqueue_dma source(%dma_start3A_591 : memref<8x128xf32, #tpu.memory_space<hbm>>) target(%dma_start3A_588 : memref<8x128xf32, #tpu.memory_space<vmem>>) target_semaphore(%arg8 : memref<!tpu.dma_semaphore, #tpu.memory_space<semaphore_mem>>)
      %slice3A_592 = vector.extract_strided_slice %and3A_15 {offsets = [7], sizes = [1], strides = [1]} : vector<16xi32> to vector<1xi32>
      %squeeze3A_593 = vector.extract %slice3A_592[0] : i32 from vector<1xi32>
      %multiple_of3A_594 = tpu.assume_multiple %squeeze3A_593, 128 : i32
      %dma_start3A_595 = arith.constant 1 : i32
      %dma_start3A_596 = arith.constant 7 : i32
      %dma_start3A_597 = arith.constant 1 : i32
      %dma_start3A_598 = arith.constant 0 : i32
      %dma_start3A_599 = arith.constant 0 : i32
      %dma_start3A_600 = tpu.memref_slice %arg6[%dma_start3A_596, %dma_start3A_597, %dma_start3A_598, %dma_start3A_599] : memref<16x4x8x128xf32, #tpu.memory_space<vmem>> -> memref<1x1x8x128xf32, #tpu.memory_space<vmem>>
      %dma_start3A_601 = tpu.memref_squeeze %dma_start3A_600 : memref<1x1x8x128xf32, #tpu.memory_space<vmem>> -> memref<8x128xf32, #tpu.memory_space<vmem>>
      %dma_start3A_602 = arith.constant 0 : i32
      %dma_start3A_603 = tpu.memref_slice %arg2[%dma_start3A_595, %dma_start3A_602, %multiple_of3A_594] : memref<4x8x1000001xf32, #tpu.memory_space<hbm>> -> memref<1x8x128xf32, #tpu.memory_space<hbm>>
      %dma_start3A_604 = tpu.memref_squeeze %dma_start3A_603 : memref<1x8x128xf32, #tpu.memory_space<hbm>> -> memref<8x128xf32, #tpu.memory_space<hbm>>
      %dma_start3A_605 = arith.constant 0 : i32
      %dma_start3A_606 = arith.constant 0 : i32
      %dma_start3A_607 = tpu.memref_slice %arg6[%dma_start3A_596, %dma_start3A_597, %dma_start3A_605, %dma_start3A_606] : memref<16x4x8x128xf32, #tpu.memory_space<vmem>> -> memref<1x1x8x128xf32, #tpu.memory_space<vmem>>
      %dma_start3A_608 = tpu.memref_squeeze %dma_start3A_607 : memref<1x1x8x128xf32, #tpu.memory_space<vmem>> -> memref<8x128xf32, #tpu.memory_space<vmem>>
      %dma_start3A_609 = arith.constant 0 : i32
      %dma_start3A_610 = tpu.memref_slice %arg2[%dma_start3A_595, %dma_start3A_609, %multiple_of3A_594] : memref<4x8x1000001xf32, #tpu.memory_space<hbm>> -> memref<1x8x128xf32, #tpu.memory_space<hbm>>
      %dma_start3A_611 = tpu.memref_squeeze %dma_start3A_610 : memref<1x8x128xf32, #tpu.memory_space<hbm>> -> memref<8x128xf32, #tpu.memory_space<hbm>>
      tpu.enqueue_dma source(%dma_start3A_611 : memref<8x128xf32, #tpu.memory_space<hbm>>) target(%dma_start3A_608 : memref<8x128xf32, #tpu.memory_space<vmem>>) target_semaphore(%arg8 : memref<!tpu.dma_semaphore, #tpu.memory_space<semaphore_mem>>)
      %slice3A_612 = vector.extract_strided_slice %and3A_15 {offsets = [7], sizes = [1], strides = [1]} : vector<16xi32> to vector<1xi32>
      %squeeze3A_613 = vector.extract %slice3A_612[0] : i32 from vector<1xi32>
      %multiple_of3A_614 = tpu.assume_multiple %squeeze3A_613, 128 : i32
      %dma_start3A_615 = arith.constant 2 : i32
      %dma_start3A_616 = arith.constant 7 : i32
      %dma_start3A_617 = arith.constant 2 : i32
      %dma_start3A_618 = arith.constant 0 : i32
      %dma_start3A_619 = arith.constant 0 : i32
      %dma_start3A_620 = tpu.memref_slice %arg6[%dma_start3A_616, %dma_start3A_617, %dma_start3A_618, %dma_start3A_619] : memref<16x4x8x128xf32, #tpu.memory_space<vmem>> -> memref<1x1x8x128xf32, #tpu.memory_space<vmem>>
      %dma_start3A_621 = tpu.memref_squeeze %dma_start3A_620 : memref<1x1x8x128xf32, #tpu.memory_space<vmem>> -> memref<8x128xf32, #tpu.memory_space<vmem>>
      %dma_start3A_622 = arith.constant 0 : i32
      %dma_start3A_623 = tpu.memref_slice %arg2[%dma_start3A_615, %dma_start3A_622, %multiple_of3A_614] : memref<4x8x1000001xf32, #tpu.memory_space<hbm>> -> memref<1x8x128xf32, #tpu.memory_space<hbm>>
      %dma_start3A_624 = tpu.memref_squeeze %dma_start3A_623 : memref<1x8x128xf32, #tpu.memory_space<hbm>> -> memref<8x128xf32, #tpu.memory_space<hbm>>
      %dma_start3A_625 = arith.constant 0 : i32
      %dma_start3A_626 = arith.constant 0 : i32
      %dma_start3A_627 = tpu.memref_slice %arg6[%dma_start3A_616, %dma_start3A_617, %dma_start3A_625, %dma_start3A_626] : memref<16x4x8x128xf32, #tpu.memory_space<vmem>> -> memref<1x1x8x128xf32, #tpu.memory_space<vmem>>
      %dma_start3A_628 = tpu.memref_squeeze %dma_start3A_627 : memref<1x1x8x128xf32, #tpu.memory_space<vmem>> -> memref<8x128xf32, #tpu.memory_space<vmem>>
      %dma_start3A_629 = arith.constant 0 : i32
      %dma_start3A_630 = tpu.memref_slice %arg2[%dma_start3A_615, %dma_start3A_629, %multiple_of3A_614] : memref<4x8x1000001xf32, #tpu.memory_space<hbm>> -> memref<1x8x128xf32, #tpu.memory_space<hbm>>
      %dma_start3A_631 = tpu.memref_squeeze %dma_start3A_630 : memref<1x8x128xf32, #tpu.memory_space<hbm>> -> memref<8x128xf32, #tpu.memory_space<hbm>>
      tpu.enqueue_dma source(%dma_start3A_631 : memref<8x128xf32, #tpu.memory_space<hbm>>) target(%dma_start3A_628 : memref<8x128xf32, #tpu.memory_space<vmem>>) target_semaphore(%arg8 : memref<!tpu.dma_semaphore, #tpu.memory_space<semaphore_mem>>)
      %slice3A_632 = vector.extract_strided_slice %and3A_15 {offsets = [7], sizes = [1], strides = [1]} : vector<16xi32> to vector<1xi32>
      %squeeze3A_633 = vector.extract %slice3A_632[0] : i32 from vector<1xi32>
      %multiple_of3A_634 = tpu.assume_multiple %squeeze3A_633, 128 : i32
      %dma_start3A_635 = arith.constant 3 : i32
      %dma_start3A_636 = arith.constant 7 : i32
      %dma_start3A_637 = arith.constant 3 : i32
      %dma_start3A_638 = arith.constant 0 : i32
      %dma_start3A_639 = arith.constant 0 : i32
      %dma_start3A_640 = tpu.memref_slice %arg6[%dma_start3A_636, %dma_start3A_637, %dma_start3A_638, %dma_start3A_639] : memref<16x4x8x128xf32, #tpu.memory_space<vmem>> -> memref<1x1x8x128xf32, #tpu.memory_space<vmem>>
      %dma_start3A_641 = tpu.memref_squeeze %dma_start3A_640 : memref<1x1x8x128xf32, #tpu.memory_space<vmem>> -> memref<8x128xf32, #tpu.memory_space<vmem>>
      %dma_start3A_642 = arith.constant 0 : i32
      %dma_start3A_643 = tpu.memref_slice %arg2[%dma_start3A_635, %dma_start3A_642, %multiple_of3A_634] : memref<4x8x1000001xf32, #tpu.memory_space<hbm>> -> memref<1x8x128xf32, #tpu.memory_space<hbm>>
      %dma_start3A_644 = tpu.memref_squeeze %dma_start3A_643 : memref<1x8x128xf32, #tpu.memory_space<hbm>> -> memref<8x128xf32, #tpu.memory_space<hbm>>
      %dma_start3A_645 = arith.constant 0 : i32
      %dma_start3A_646 = arith.constant 0 : i32
      %dma_start3A_647 = tpu.memref_slice %arg6[%dma_start3A_636, %dma_start3A_637, %dma_start3A_645, %dma_start3A_646] : memref<16x4x8x128xf32, #tpu.memory_space<vmem>> -> memref<1x1x8x128xf32, #tpu.memory_space<vmem>>
      %dma_start3A_648 = tpu.memref_squeeze %dma_start3A_647 : memref<1x1x8x128xf32, #tpu.memory_space<vmem>> -> memref<8x128xf32, #tpu.memory_space<vmem>>
      %dma_start3A_649 = arith.constant 0 : i32
      %dma_start3A_650 = tpu.memref_slice %arg2[%dma_start3A_635, %dma_start3A_649, %multiple_of3A_634] : memref<4x8x1000001xf32, #tpu.memory_space<hbm>> -> memref<1x8x128xf32, #tpu.memory_space<hbm>>
      %dma_start3A_651 = tpu.memref_squeeze %dma_start3A_650 : memref<1x8x128xf32, #tpu.memory_space<hbm>> -> memref<8x128xf32, #tpu.memory_space<hbm>>
      tpu.enqueue_dma source(%dma_start3A_651 : memref<8x128xf32, #tpu.memory_space<hbm>>) target(%dma_start3A_648 : memref<8x128xf32, #tpu.memory_space<vmem>>) target_semaphore(%arg8 : memref<!tpu.dma_semaphore, #tpu.memory_space<semaphore_mem>>)
      %slice3A_652 = vector.extract_strided_slice %and3A_15 {offsets = [8], sizes = [1], strides = [1]} : vector<16xi32> to vector<1xi32>
      %squeeze3A_653 = vector.extract %slice3A_652[0] : i32 from vector<1xi32>
      %multiple_of3A_654 = tpu.assume_multiple %squeeze3A_653, 128 : i32
      %dma_start3A_655 = arith.constant 0 : i32
      %dma_start3A_656 = arith.constant 8 : i32
      %dma_start3A_657 = arith.constant 0 : i32
      %dma_start3A_658 = arith.constant 0 : i32
      %dma_start3A_659 = arith.constant 0 : i32
      %dma_start3A_660 = tpu.memref_slice %arg6[%dma_start3A_656, %dma_start3A_657, %dma_start3A_658, %dma_start3A_659] : memref<16x4x8x128xf32, #tpu.memory_space<vmem>> -> memref<1x1x8x128xf32, #tpu.memory_space<vmem>>
      %dma_start3A_661 = tpu.memref_squeeze %dma_start3A_660 : memref<1x1x8x128xf32, #tpu.memory_space<vmem>> -> memref<8x128xf32, #tpu.memory_space<vmem>>
      %dma_start3A_662 = arith.constant 0 : i32
      %dma_start3A_663 = tpu.memref_slice %arg2[%dma_start3A_655, %dma_start3A_662, %multiple_of3A_654] : memref<4x8x1000001xf32, #tpu.memory_space<hbm>> -> memref<1x8x128xf32, #tpu.memory_space<hbm>>
      %dma_start3A_664 = tpu.memref_squeeze %dma_start3A_663 : memref<1x8x128xf32, #tpu.memory_space<hbm>> -> memref<8x128xf32, #tpu.memory_space<hbm>>
      %dma_start3A_665 = arith.constant 0 : i32
      %dma_start3A_666 = arith.constant 0 : i32
      %dma_start3A_667 = tpu.memref_slice %arg6[%dma_start3A_656, %dma_start3A_657, %dma_start3A_665, %dma_start3A_666] : memref<16x4x8x128xf32, #tpu.memory_space<vmem>> -> memref<1x1x8x128xf32, #tpu.memory_space<vmem>>
      %dma_start3A_668 = tpu.memref_squeeze %dma_start3A_667 : memref<1x1x8x128xf32, #tpu.memory_space<vmem>> -> memref<8x128xf32, #tpu.memory_space<vmem>>
      %dma_start3A_669 = arith.constant 0 : i32
      %dma_start3A_670 = tpu.memref_slice %arg2[%dma_start3A_655, %dma_start3A_669, %multiple_of3A_654] : memref<4x8x1000001xf32, #tpu.memory_space<hbm>> -> memref<1x8x128xf32, #tpu.memory_space<hbm>>
      %dma_start3A_671 = tpu.memref_squeeze %dma_start3A_670 : memref<1x8x128xf32, #tpu.memory_space<hbm>> -> memref<8x128xf32, #tpu.memory_space<hbm>>
      tpu.enqueue_dma source(%dma_start3A_671 : memref<8x128xf32, #tpu.memory_space<hbm>>) target(%dma_start3A_668 : memref<8x128xf32, #tpu.memory_space<vmem>>) target_semaphore(%arg8 : memref<!tpu.dma_semaphore, #tpu.memory_space<semaphore_mem>>)
      %slice3A_672 = vector.extract_strided_slice %and3A_15 {offsets = [8], sizes = [1], strides = [1]} : vector<16xi32> to vector<1xi32>
      %squeeze3A_673 = vector.extract %slice3A_672[0] : i32 from vector<1xi32>
      %multiple_of3A_674 = tpu.assume_multiple %squeeze3A_673, 128 : i32
      %dma_start3A_675 = arith.constant 1 : i32
      %dma_start3A_676 = arith.constant 8 : i32
      %dma_start3A_677 = arith.constant 1 : i32
      %dma_start3A_678 = arith.constant 0 : i32
      %dma_start3A_679 = arith.constant 0 : i32
      %dma_start3A_680 = tpu.memref_slice %arg6[%dma_start3A_676, %dma_start3A_677, %dma_start3A_678, %dma_start3A_679] : memref<16x4x8x128xf32, #tpu.memory_space<vmem>> -> memref<1x1x8x128xf32, #tpu.memory_space<vmem>>
      %dma_start3A_681 = tpu.memref_squeeze %dma_start3A_680 : memref<1x1x8x128xf32, #tpu.memory_space<vmem>> -> memref<8x128xf32, #tpu.memory_space<vmem>>
      %dma_start3A_682 = arith.constant 0 : i32
      %dma_start3A_683 = tpu.memref_slice %arg2[%dma_start3A_675, %dma_start3A_682, %multiple_of3A_674] : memref<4x8x1000001xf32, #tpu.memory_space<hbm>> -> memref<1x8x128xf32, #tpu.memory_space<hbm>>
      %dma_start3A_684 = tpu.memref_squeeze %dma_start3A_683 : memref<1x8x128xf32, #tpu.memory_space<hbm>> -> memref<8x128xf32, #tpu.memory_space<hbm>>
      %dma_start3A_685 = arith.constant 0 : i32
      %dma_start3A_686 = arith.constant 0 : i32
      %dma_start3A_687 = tpu.memref_slice %arg6[%dma_start3A_676, %dma_start3A_677, %dma_start3A_685, %dma_start3A_686] : memref<16x4x8x128xf32, #tpu.memory_space<vmem>> -> memref<1x1x8x128xf32, #tpu.memory_space<vmem>>
      %dma_start3A_688 = tpu.memref_squeeze %dma_start3A_687 : memref<1x1x8x128xf32, #tpu.memory_space<vmem>> -> memref<8x128xf32, #tpu.memory_space<vmem>>
      %dma_start3A_689 = arith.constant 0 : i32
      %dma_start3A_690 = tpu.memref_slice %arg2[%dma_start3A_675, %dma_start3A_689, %multiple_of3A_674] : memref<4x8x1000001xf32, #tpu.memory_space<hbm>> -> memref<1x8x128xf32, #tpu.memory_space<hbm>>
      %dma_start3A_691 = tpu.memref_squeeze %dma_start3A_690 : memref<1x8x128xf32, #tpu.memory_space<hbm>> -> memref<8x128xf32, #tpu.memory_space<hbm>>
      tpu.enqueue_dma source(%dma_start3A_691 : memref<8x128xf32, #tpu.memory_space<hbm>>) target(%dma_start3A_688 : memref<8x128xf32, #tpu.memory_space<vmem>>) target_semaphore(%arg8 : memref<!tpu.dma_semaphore, #tpu.memory_space<semaphore_mem>>)
      %slice3A_692 = vector.extract_strided_slice %and3A_15 {offsets = [8], sizes = [1], strides = [1]} : vector<16xi32> to vector<1xi32>
      %squeeze3A_693 = vector.extract %slice3A_692[0] : i32 from vector<1xi32>
      %multiple_of3A_694 = tpu.assume_multiple %squeeze3A_693, 128 : i32
      %dma_start3A_695 = arith.constant 2 : i32
      %dma_start3A_696 = arith.constant 8 : i32
      %dma_start3A_697 = arith.constant 2 : i32
      %dma_start3A_698 = arith.constant 0 : i32
      %dma_start3A_699 = arith.constant 0 : i32
      %dma_start3A_700 = tpu.memref_slice %arg6[%dma_start3A_696, %dma_start3A_697, %dma_start3A_698, %dma_start3A_699] : memref<16x4x8x128xf32, #tpu.memory_space<vmem>> -> memref<1x1x8x128xf32, #tpu.memory_space<vmem>>
      %dma_start3A_701 = tpu.memref_squeeze %dma_start3A_700 : memref<1x1x8x128xf32, #tpu.memory_space<vmem>> -> memref<8x128xf32, #tpu.memory_space<vmem>>
      %dma_start3A_702 = arith.constant 0 : i32
      %dma_start3A_703 = tpu.memref_slice %arg2[%dma_start3A_695, %dma_start3A_702, %multiple_of3A_694] : memref<4x8x1000001xf32, #tpu.memory_space<hbm>> -> memref<1x8x128xf32, #tpu.memory_space<hbm>>
      %dma_start3A_704 = tpu.memref_squeeze %dma_start3A_703 : memref<1x8x128xf32, #tpu.memory_space<hbm>> -> memref<8x128xf32, #tpu.memory_space<hbm>>
      %dma_start3A_705 = arith.constant 0 : i32
      %dma_start3A_706 = arith.constant 0 : i32
      %dma_start3A_707 = tpu.memref_slice %arg6[%dma_start3A_696, %dma_start3A_697, %dma_start3A_705, %dma_start3A_706] : memref<16x4x8x128xf32, #tpu.memory_space<vmem>> -> memref<1x1x8x128xf32, #tpu.memory_space<vmem>>
      %dma_start3A_708 = tpu.memref_squeeze %dma_start3A_707 : memref<1x1x8x128xf32, #tpu.memory_space<vmem>> -> memref<8x128xf32, #tpu.memory_space<vmem>>
      %dma_start3A_709 = arith.constant 0 : i32
      %dma_start3A_710 = tpu.memref_slice %arg2[%dma_start3A_695, %dma_start3A_709, %multiple_of3A_694] : memref<4x8x1000001xf32, #tpu.memory_space<hbm>> -> memref<1x8x128xf32, #tpu.memory_space<hbm>>
      %dma_start3A_711 = tpu.memref_squeeze %dma_start3A_710 : memref<1x8x128xf32, #tpu.memory_space<hbm>> -> memref<8x128xf32, #tpu.memory_space<hbm>>
      tpu.enqueue_dma source(%dma_start3A_711 : memref<8x128xf32, #tpu.memory_space<hbm>>) target(%dma_start3A_708 : memref<8x128xf32, #tpu.memory_space<vmem>>) target_semaphore(%arg8 : memref<!tpu.dma_semaphore, #tpu.memory_space<semaphore_mem>>)
      %slice3A_712 = vector.extract_strided_slice %and3A_15 {offsets = [8], sizes = [1], strides = [1]} : vector<16xi32> to vector<1xi32>
      %squeeze3A_713 = vector.extract %slice3A_712[0] : i32 from vector<1xi32>
      %multiple_of3A_714 = tpu.assume_multiple %squeeze3A_713, 128 : i32
      %dma_start3A_715 = arith.constant 3 : i32
      %dma_start3A_716 = arith.constant 8 : i32
      %dma_start3A_717 = arith.constant 3 : i32
      %dma_start3A_718 = arith.constant 0 : i32
      %dma_start3A_719 = arith.constant 0 : i32
      %dma_start3A_720 = tpu.memref_slice %arg6[%dma_start3A_716, %dma_start3A_717, %dma_start3A_718, %dma_start3A_719] : memref<16x4x8x128xf32, #tpu.memory_space<vmem>> -> memref<1x1x8x128xf32, #tpu.memory_space<vmem>>
      %dma_start3A_721 = tpu.memref_squeeze %dma_start3A_720 : memref<1x1x8x128xf32, #tpu.memory_space<vmem>> -> memref<8x128xf32, #tpu.memory_space<vmem>>
      %dma_start3A_722 = arith.constant 0 : i32
      %dma_start3A_723 = tpu.memref_slice %arg2[%dma_start3A_715, %dma_start3A_722, %multiple_of3A_714] : memref<4x8x1000001xf32, #tpu.memory_space<hbm>> -> memref<1x8x128xf32, #tpu.memory_space<hbm>>
      %dma_start3A_724 = tpu.memref_squeeze %dma_start3A_723 : memref<1x8x128xf32, #tpu.memory_space<hbm>> -> memref<8x128xf32, #tpu.memory_space<hbm>>
      %dma_start3A_725 = arith.constant 0 : i32
      %dma_start3A_726 = arith.constant 0 : i32
      %dma_start3A_727 = tpu.memref_slice %arg6[%dma_start3A_716, %dma_start3A_717, %dma_start3A_725, %dma_start3A_726] : memref<16x4x8x128xf32, #tpu.memory_space<vmem>> -> memref<1x1x8x128xf32, #tpu.memory_space<vmem>>
      %dma_start3A_728 = tpu.memref_squeeze %dma_start3A_727 : memref<1x1x8x128xf32, #tpu.memory_space<vmem>> -> memref<8x128xf32, #tpu.memory_space<vmem>>
      %dma_start3A_729 = arith.constant 0 : i32
      %dma_start3A_730 = tpu.memref_slice %arg2[%dma_start3A_715, %dma_start3A_729, %multiple_of3A_714] : memref<4x8x1000001xf32, #tpu.memory_space<hbm>> -> memref<1x8x128xf32, #tpu.memory_space<hbm>>
      %dma_start3A_731 = tpu.memref_squeeze %dma_start3A_730 : memref<1x8x128xf32, #tpu.memory_space<hbm>> -> memref<8x128xf32, #tpu.memory_space<hbm>>
      tpu.enqueue_dma source(%dma_start3A_731 : memref<8x128xf32, #tpu.memory_space<hbm>>) target(%dma_start3A_728 : memref<8x128xf32, #tpu.memory_space<vmem>>) target_semaphore(%arg8 : memref<!tpu.dma_semaphore, #tpu.memory_space<semaphore_mem>>)
      %slice3A_732 = vector.extract_strided_slice %and3A_15 {offsets = [9], sizes = [1], strides = [1]} : vector<16xi32> to vector<1xi32>
      %squeeze3A_733 = vector.extract %slice3A_732[0] : i32 from vector<1xi32>
      %multiple_of3A_734 = tpu.assume_multiple %squeeze3A_733, 128 : i32
      %dma_start3A_735 = arith.constant 0 : i32
      %dma_start3A_736 = arith.constant 9 : i32
      %dma_start3A_737 = arith.constant 0 : i32
      %dma_start3A_738 = arith.constant 0 : i32
      %dma_start3A_739 = arith.constant 0 : i32
      %dma_start3A_740 = tpu.memref_slice %arg6[%dma_start3A_736, %dma_start3A_737, %dma_start3A_738, %dma_start3A_739] : memref<16x4x8x128xf32, #tpu.memory_space<vmem>> -> memref<1x1x8x128xf32, #tpu.memory_space<vmem>>
      %dma_start3A_741 = tpu.memref_squeeze %dma_start3A_740 : memref<1x1x8x128xf32, #tpu.memory_space<vmem>> -> memref<8x128xf32, #tpu.memory_space<vmem>>
      %dma_start3A_742 = arith.constant 0 : i32
      %dma_start3A_743 = tpu.memref_slice %arg2[%dma_start3A_735, %dma_start3A_742, %multiple_of3A_734] : memref<4x8x1000001xf32, #tpu.memory_space<hbm>> -> memref<1x8x128xf32, #tpu.memory_space<hbm>>
      %dma_start3A_744 = tpu.memref_squeeze %dma_start3A_743 : memref<1x8x128xf32, #tpu.memory_space<hbm>> -> memref<8x128xf32, #tpu.memory_space<hbm>>
      %dma_start3A_745 = arith.constant 0 : i32
      %dma_start3A_746 = arith.constant 0 : i32
      %dma_start3A_747 = tpu.memref_slice %arg6[%dma_start3A_736, %dma_start3A_737, %dma_start3A_745, %dma_start3A_746] : memref<16x4x8x128xf32, #tpu.memory_space<vmem>> -> memref<1x1x8x128xf32, #tpu.memory_space<vmem>>
      %dma_start3A_748 = tpu.memref_squeeze %dma_start3A_747 : memref<1x1x8x128xf32, #tpu.memory_space<vmem>> -> memref<8x128xf32, #tpu.memory_space<vmem>>
      %dma_start3A_749 = arith.constant 0 : i32
      %dma_start3A_750 = tpu.memref_slice %arg2[%dma_start3A_735, %dma_start3A_749, %multiple_of3A_734] : memref<4x8x1000001xf32, #tpu.memory_space<hbm>> -> memref<1x8x128xf32, #tpu.memory_space<hbm>>
      %dma_start3A_751 = tpu.memref_squeeze %dma_start3A_750 : memref<1x8x128xf32, #tpu.memory_space<hbm>> -> memref<8x128xf32, #tpu.memory_space<hbm>>
      tpu.enqueue_dma source(%dma_start3A_751 : memref<8x128xf32, #tpu.memory_space<hbm>>) target(%dma_start3A_748 : memref<8x128xf32, #tpu.memory_space<vmem>>) target_semaphore(%arg8 : memref<!tpu.dma_semaphore, #tpu.memory_space<semaphore_mem>>)
      %slice3A_752 = vector.extract_strided_slice %and3A_15 {offsets = [9], sizes = [1], strides = [1]} : vector<16xi32> to vector<1xi32>
      %squeeze3A_753 = vector.extract %slice3A_752[0] : i32 from vector<1xi32>
      %multiple_of3A_754 = tpu.assume_multiple %squeeze3A_753, 128 : i32
      %dma_start3A_755 = arith.constant 1 : i32
      %dma_start3A_756 = arith.constant 9 : i32
      %dma_start3A_757 = arith.constant 1 : i32
      %dma_start3A_758 = arith.constant 0 : i32
      %dma_start3A_759 = arith.constant 0 : i32
      %dma_start3A_760 = tpu.memref_slice %arg6[%dma_start3A_756, %dma_start3A_757, %dma_start3A_758, %dma_start3A_759] : memref<16x4x8x128xf32, #tpu.memory_space<vmem>> -> memref<1x1x8x128xf32, #tpu.memory_space<vmem>>
      %dma_start3A_761 = tpu.memref_squeeze %dma_start3A_760 : memref<1x1x8x128xf32, #tpu.memory_space<vmem>> -> memref<8x128xf32, #tpu.memory_space<vmem>>
      %dma_start3A_762 = arith.constant 0 : i32
      %dma_start3A_763 = tpu.memref_slice %arg2[%dma_start3A_755, %dma_start3A_762, %multiple_of3A_754] : memref<4x8x1000001xf32, #tpu.memory_space<hbm>> -> memref<1x8x128xf32, #tpu.memory_space<hbm>>
      %dma_start3A_764 = tpu.memref_squeeze %dma_start3A_763 : memref<1x8x128xf32, #tpu.memory_space<hbm>> -> memref<8x128xf32, #tpu.memory_space<hbm>>
      %dma_start3A_765 = arith.constant 0 : i32
      %dma_start3A_766 = arith.constant 0 : i32
      %dma_start3A_767 = tpu.memref_slice %arg6[%dma_start3A_756, %dma_start3A_757, %dma_start3A_765, %dma_start3A_766] : memref<16x4x8x128xf32, #tpu.memory_space<vmem>> -> memref<1x1x8x128xf32, #tpu.memory_space<vmem>>
      %dma_start3A_768 = tpu.memref_squeeze %dma_start3A_767 : memref<1x1x8x128xf32, #tpu.memory_space<vmem>> -> memref<8x128xf32, #tpu.memory_space<vmem>>
      %dma_start3A_769 = arith.constant 0 : i32
      %dma_start3A_770 = tpu.memref_slice %arg2[%dma_start3A_755, %dma_start3A_769, %multiple_of3A_754] : memref<4x8x1000001xf32, #tpu.memory_space<hbm>> -> memref<1x8x128xf32, #tpu.memory_space<hbm>>
      %dma_start3A_771 = tpu.memref_squeeze %dma_start3A_770 : memref<1x8x128xf32, #tpu.memory_space<hbm>> -> memref<8x128xf32, #tpu.memory_space<hbm>>
      tpu.enqueue_dma source(%dma_start3A_771 : memref<8x128xf32, #tpu.memory_space<hbm>>) target(%dma_start3A_768 : memref<8x128xf32, #tpu.memory_space<vmem>>) target_semaphore(%arg8 : memref<!tpu.dma_semaphore, #tpu.memory_space<semaphore_mem>>)
      %slice3A_772 = vector.extract_strided_slice %and3A_15 {offsets = [9], sizes = [1], strides = [1]} : vector<16xi32> to vector<1xi32>
      %squeeze3A_773 = vector.extract %slice3A_772[0] : i32 from vector<1xi32>
      %multiple_of3A_774 = tpu.assume_multiple %squeeze3A_773, 128 : i32
      %dma_start3A_775 = arith.constant 2 : i32
      %dma_start3A_776 = arith.constant 9 : i32
      %dma_start3A_777 = arith.constant 2 : i32
      %dma_start3A_778 = arith.constant 0 : i32
      %dma_start3A_779 = arith.constant 0 : i32
      %dma_start3A_780 = tpu.memref_slice %arg6[%dma_start3A_776, %dma_start3A_777, %dma_start3A_778, %dma_start3A_779] : memref<16x4x8x128xf32, #tpu.memory_space<vmem>> -> memref<1x1x8x128xf32, #tpu.memory_space<vmem>>
      %dma_start3A_781 = tpu.memref_squeeze %dma_start3A_780 : memref<1x1x8x128xf32, #tpu.memory_space<vmem>> -> memref<8x128xf32, #tpu.memory_space<vmem>>
      %dma_start3A_782 = arith.constant 0 : i32
      %dma_start3A_783 = tpu.memref_slice %arg2[%dma_start3A_775, %dma_start3A_782, %multiple_of3A_774] : memref<4x8x1000001xf32, #tpu.memory_space<hbm>> -> memref<1x8x128xf32, #tpu.memory_space<hbm>>
      %dma_start3A_784 = tpu.memref_squeeze %dma_start3A_783 : memref<1x8x128xf32, #tpu.memory_space<hbm>> -> memref<8x128xf32, #tpu.memory_space<hbm>>
      %dma_start3A_785 = arith.constant 0 : i32
      %dma_start3A_786 = arith.constant 0 : i32
      %dma_start3A_787 = tpu.memref_slice %arg6[%dma_start3A_776, %dma_start3A_777, %dma_start3A_785, %dma_start3A_786] : memref<16x4x8x128xf32, #tpu.memory_space<vmem>> -> memref<1x1x8x128xf32, #tpu.memory_space<vmem>>
      %dma_start3A_788 = tpu.memref_squeeze %dma_start3A_787 : memref<1x1x8x128xf32, #tpu.memory_space<vmem>> -> memref<8x128xf32, #tpu.memory_space<vmem>>
      %dma_start3A_789 = arith.constant 0 : i32
      %dma_start3A_790 = tpu.memref_slice %arg2[%dma_start3A_775, %dma_start3A_789, %multiple_of3A_774] : memref<4x8x1000001xf32, #tpu.memory_space<hbm>> -> memref<1x8x128xf32, #tpu.memory_space<hbm>>
      %dma_start3A_791 = tpu.memref_squeeze %dma_start3A_790 : memref<1x8x128xf32, #tpu.memory_space<hbm>> -> memref<8x128xf32, #tpu.memory_space<hbm>>
      tpu.enqueue_dma source(%dma_start3A_791 : memref<8x128xf32, #tpu.memory_space<hbm>>) target(%dma_start3A_788 : memref<8x128xf32, #tpu.memory_space<vmem>>) target_semaphore(%arg8 : memref<!tpu.dma_semaphore, #tpu.memory_space<semaphore_mem>>)
      %slice3A_792 = vector.extract_strided_slice %and3A_15 {offsets = [9], sizes = [1], strides = [1]} : vector<16xi32> to vector<1xi32>
      %squeeze3A_793 = vector.extract %slice3A_792[0] : i32 from vector<1xi32>
      %multiple_of3A_794 = tpu.assume_multiple %squeeze3A_793, 128 : i32
      %dma_start3A_795 = arith.constant 3 : i32
      %dma_start3A_796 = arith.constant 9 : i32
      %dma_start3A_797 = arith.constant 3 : i32
      %dma_start3A_798 = arith.constant 0 : i32
      %dma_start3A_799 = arith.constant 0 : i32
      %dma_start3A_800 = tpu.memref_slice %arg6[%dma_start3A_796, %dma_start3A_797, %dma_start3A_798, %dma_start3A_799] : memref<16x4x8x128xf32, #tpu.memory_space<vmem>> -> memref<1x1x8x128xf32, #tpu.memory_space<vmem>>
      %dma_start3A_801 = tpu.memref_squeeze %dma_start3A_800 : memref<1x1x8x128xf32, #tpu.memory_space<vmem>> -> memref<8x128xf32, #tpu.memory_space<vmem>>
      %dma_start3A_802 = arith.constant 0 : i32
      %dma_start3A_803 = tpu.memref_slice %arg2[%dma_start3A_795, %dma_start3A_802, %multiple_of3A_794] : memref<4x8x1000001xf32, #tpu.memory_space<hbm>> -> memref<1x8x128xf32, #tpu.memory_space<hbm>>
      %dma_start3A_804 = tpu.memref_squeeze %dma_start3A_803 : memref<1x8x128xf32, #tpu.memory_space<hbm>> -> memref<8x128xf32, #tpu.memory_space<hbm>>
      %dma_start3A_805 = arith.constant 0 : i32
      %dma_start3A_806 = arith.constant 0 : i32
      %dma_start3A_807 = tpu.memref_slice %arg6[%dma_start3A_796, %dma_start3A_797, %dma_start3A_805, %dma_start3A_806] : memref<16x4x8x128xf32, #tpu.memory_space<vmem>> -> memref<1x1x8x128xf32, #tpu.memory_space<vmem>>
      %dma_start3A_808 = tpu.memref_squeeze %dma_start3A_807 : memref<1x1x8x128xf32, #tpu.memory_space<vmem>> -> memref<8x128xf32, #tpu.memory_space<vmem>>
      %dma_start3A_809 = arith.constant 0 : i32
      %dma_start3A_810 = tpu.memref_slice %arg2[%dma_start3A_795, %dma_start3A_809, %multiple_of3A_794] : memref<4x8x1000001xf32, #tpu.memory_space<hbm>> -> memref<1x8x128xf32, #tpu.memory_space<hbm>>
      %dma_start3A_811 = tpu.memref_squeeze %dma_start3A_810 : memref<1x8x128xf32, #tpu.memory_space<hbm>> -> memref<8x128xf32, #tpu.memory_space<hbm>>
      tpu.enqueue_dma source(%dma_start3A_811 : memref<8x128xf32, #tpu.memory_space<hbm>>) target(%dma_start3A_808 : memref<8x128xf32, #tpu.memory_space<vmem>>) target_semaphore(%arg8 : memref<!tpu.dma_semaphore, #tpu.memory_space<semaphore_mem>>)
      %slice3A_812 = vector.extract_strided_slice %and3A_15 {offsets = [10], sizes = [1], strides = [1]} : vector<16xi32> to vector<1xi32>
      %squeeze3A_813 = vector.extract %slice3A_812[0] : i32 from vector<1xi32>
      %multiple_of3A_814 = tpu.assume_multiple %squeeze3A_813, 128 : i32
      %dma_start3A_815 = arith.constant 0 : i32
      %dma_start3A_816 = arith.constant 10 : i32
      %dma_start3A_817 = arith.constant 0 : i32
      %dma_start3A_818 = arith.constant 0 : i32
      %dma_start3A_819 = arith.constant 0 : i32
      %dma_start3A_820 = tpu.memref_slice %arg6[%dma_start3A_816, %dma_start3A_817, %dma_start3A_818, %dma_start3A_819] : memref<16x4x8x128xf32, #tpu.memory_space<vmem>> -> memref<1x1x8x128xf32, #tpu.memory_space<vmem>>
      %dma_start3A_821 = tpu.memref_squeeze %dma_start3A_820 : memref<1x1x8x128xf32, #tpu.memory_space<vmem>> -> memref<8x128xf32, #tpu.memory_space<vmem>>
      %dma_start3A_822 = arith.constant 0 : i32
      %dma_start3A_823 = tpu.memref_slice %arg2[%dma_start3A_815, %dma_start3A_822, %multiple_of3A_814] : memref<4x8x1000001xf32, #tpu.memory_space<hbm>> -> memref<1x8x128xf32, #tpu.memory_space<hbm>>
      %dma_start3A_824 = tpu.memref_squeeze %dma_start3A_823 : memref<1x8x128xf32, #tpu.memory_space<hbm>> -> memref<8x128xf32, #tpu.memory_space<hbm>>
      %dma_start3A_825 = arith.constant 0 : i32
      %dma_start3A_826 = arith.constant 0 : i32
      %dma_start3A_827 = tpu.memref_slice %arg6[%dma_start3A_816, %dma_start3A_817, %dma_start3A_825, %dma_start3A_826] : memref<16x4x8x128xf32, #tpu.memory_space<vmem>> -> memref<1x1x8x128xf32, #tpu.memory_space<vmem>>
      %dma_start3A_828 = tpu.memref_squeeze %dma_start3A_827 : memref<1x1x8x128xf32, #tpu.memory_space<vmem>> -> memref<8x128xf32, #tpu.memory_space<vmem>>
      %dma_start3A_829 = arith.constant 0 : i32
      %dma_start3A_830 = tpu.memref_slice %arg2[%dma_start3A_815, %dma_start3A_829, %multiple_of3A_814] : memref<4x8x1000001xf32, #tpu.memory_space<hbm>> -> memref<1x8x128xf32, #tpu.memory_space<hbm>>
      %dma_start3A_831 = tpu.memref_squeeze %dma_start3A_830 : memref<1x8x128xf32, #tpu.memory_space<hbm>> -> memref<8x128xf32, #tpu.memory_space<hbm>>
      tpu.enqueue_dma source(%dma_start3A_831 : memref<8x128xf32, #tpu.memory_space<hbm>>) target(%dma_start3A_828 : memref<8x128xf32, #tpu.memory_space<vmem>>) target_semaphore(%arg8 : memref<!tpu.dma_semaphore, #tpu.memory_space<semaphore_mem>>)
      %slice3A_832 = vector.extract_strided_slice %and3A_15 {offsets = [10], sizes = [1], strides = [1]} : vector<16xi32> to vector<1xi32>
      %squeeze3A_833 = vector.extract %slice3A_832[0] : i32 from vector<1xi32>
      %multiple_of3A_834 = tpu.assume_multiple %squeeze3A_833, 128 : i32
      %dma_start3A_835 = arith.constant 1 : i32
      %dma_start3A_836 = arith.constant 10 : i32
      %dma_start3A_837 = arith.constant 1 : i32
      %dma_start3A_838 = arith.constant 0 : i32
      %dma_start3A_839 = arith.constant 0 : i32
      %dma_start3A_840 = tpu.memref_slice %arg6[%dma_start3A_836, %dma_start3A_837, %dma_start3A_838, %dma_start3A_839] : memref<16x4x8x128xf32, #tpu.memory_space<vmem>> -> memref<1x1x8x128xf32, #tpu.memory_space<vmem>>
      %dma_start3A_841 = tpu.memref_squeeze %dma_start3A_840 : memref<1x1x8x128xf32, #tpu.memory_space<vmem>> -> memref<8x128xf32, #tpu.memory_space<vmem>>
      %dma_start3A_842 = arith.constant 0 : i32
      %dma_start3A_843 = tpu.memref_slice %arg2[%dma_start3A_835, %dma_start3A_842, %multiple_of3A_834] : memref<4x8x1000001xf32, #tpu.memory_space<hbm>> -> memref<1x8x128xf32, #tpu.memory_space<hbm>>
      %dma_start3A_844 = tpu.memref_squeeze %dma_start3A_843 : memref<1x8x128xf32, #tpu.memory_space<hbm>> -> memref<8x128xf32, #tpu.memory_space<hbm>>
      %dma_start3A_845 = arith.constant 0 : i32
      %dma_start3A_846 = arith.constant 0 : i32
      %dma_start3A_847 = tpu.memref_slice %arg6[%dma_start3A_836, %dma_start3A_837, %dma_start3A_845, %dma_start3A_846] : memref<16x4x8x128xf32, #tpu.memory_space<vmem>> -> memref<1x1x8x128xf32, #tpu.memory_space<vmem>>
      %dma_start3A_848 = tpu.memref_squeeze %dma_start3A_847 : memref<1x1x8x128xf32, #tpu.memory_space<vmem>> -> memref<8x128xf32, #tpu.memory_space<vmem>>
      %dma_start3A_849 = arith.constant 0 : i32
      %dma_start3A_850 = tpu.memref_slice %arg2[%dma_start3A_835, %dma_start3A_849, %multiple_of3A_834] : memref<4x8x1000001xf32, #tpu.memory_space<hbm>> -> memref<1x8x128xf32, #tpu.memory_space<hbm>>
      %dma_start3A_851 = tpu.memref_squeeze %dma_start3A_850 : memref<1x8x128xf32, #tpu.memory_space<hbm>> -> memref<8x128xf32, #tpu.memory_space<hbm>>
      tpu.enqueue_dma source(%dma_start3A_851 : memref<8x128xf32, #tpu.memory_space<hbm>>) target(%dma_start3A_848 : memref<8x128xf32, #tpu.memory_space<vmem>>) target_semaphore(%arg8 : memref<!tpu.dma_semaphore, #tpu.memory_space<semaphore_mem>>)
      %slice3A_852 = vector.extract_strided_slice %and3A_15 {offsets = [10], sizes = [1], strides = [1]} : vector<16xi32> to vector<1xi32>
      %squeeze3A_853 = vector.extract %slice3A_852[0] : i32 from vector<1xi32>
      %multiple_of3A_854 = tpu.assume_multiple %squeeze3A_853, 128 : i32
      %dma_start3A_855 = arith.constant 2 : i32
      %dma_start3A_856 = arith.constant 10 : i32
      %dma_start3A_857 = arith.constant 2 : i32
      %dma_start3A_858 = arith.constant 0 : i32
      %dma_start3A_859 = arith.constant 0 : i32
      %dma_start3A_860 = tpu.memref_slice %arg6[%dma_start3A_856, %dma_start3A_857, %dma_start3A_858, %dma_start3A_859] : memref<16x4x8x128xf32, #tpu.memory_space<vmem>> -> memref<1x1x8x128xf32, #tpu.memory_space<vmem>>
      %dma_start3A_861 = tpu.memref_squeeze %dma_start3A_860 : memref<1x1x8x128xf32, #tpu.memory_space<vmem>> -> memref<8x128xf32, #tpu.memory_space<vmem>>
      %dma_start3A_862 = arith.constant 0 : i32
      %dma_start3A_863 = tpu.memref_slice %arg2[%dma_start3A_855, %dma_start3A_862, %multiple_of3A_854] : memref<4x8x1000001xf32, #tpu.memory_space<hbm>> -> memref<1x8x128xf32, #tpu.memory_space<hbm>>
      %dma_start3A_864 = tpu.memref_squeeze %dma_start3A_863 : memref<1x8x128xf32, #tpu.memory_space<hbm>> -> memref<8x128xf32, #tpu.memory_space<hbm>>
      %dma_start3A_865 = arith.constant 0 : i32
      %dma_start3A_866 = arith.constant 0 : i32
      %dma_start3A_867 = tpu.memref_slice %arg6[%dma_start3A_856, %dma_start3A_857, %dma_start3A_865, %dma_start3A_866] : memref<16x4x8x128xf32, #tpu.memory_space<vmem>> -> memref<1x1x8x128xf32, #tpu.memory_space<vmem>>
      %dma_start3A_868 = tpu.memref_squeeze %dma_start3A_867 : memref<1x1x8x128xf32, #tpu.memory_space<vmem>> -> memref<8x128xf32, #tpu.memory_space<vmem>>
      %dma_start3A_869 = arith.constant 0 : i32
      %dma_start3A_870 = tpu.memref_slice %arg2[%dma_start3A_855, %dma_start3A_869, %multiple_of3A_854] : memref<4x8x1000001xf32, #tpu.memory_space<hbm>> -> memref<1x8x128xf32, #tpu.memory_space<hbm>>
      %dma_start3A_871 = tpu.memref_squeeze %dma_start3A_870 : memref<1x8x128xf32, #tpu.memory_space<hbm>> -> memref<8x128xf32, #tpu.memory_space<hbm>>
      tpu.enqueue_dma source(%dma_start3A_871 : memref<8x128xf32, #tpu.memory_space<hbm>>) target(%dma_start3A_868 : memref<8x128xf32, #tpu.memory_space<vmem>>) target_semaphore(%arg8 : memref<!tpu.dma_semaphore, #tpu.memory_space<semaphore_mem>>)
      %slice3A_872 = vector.extract_strided_slice %and3A_15 {offsets = [10], sizes = [1], strides = [1]} : vector<16xi32> to vector<1xi32>
      %squeeze3A_873 = vector.extract %slice3A_872[0] : i32 from vector<1xi32>
      %multiple_of3A_874 = tpu.assume_multiple %squeeze3A_873, 128 : i32
      %dma_start3A_875 = arith.constant 3 : i32
      %dma_start3A_876 = arith.constant 10 : i32
      %dma_start3A_877 = arith.constant 3 : i32
      %dma_start3A_878 = arith.constant 0 : i32
      %dma_start3A_879 = arith.constant 0 : i32
      %dma_start3A_880 = tpu.memref_slice %arg6[%dma_start3A_876, %dma_start3A_877, %dma_start3A_878, %dma_start3A_879] : memref<16x4x8x128xf32, #tpu.memory_space<vmem>> -> memref<1x1x8x128xf32, #tpu.memory_space<vmem>>
      %dma_start3A_881 = tpu.memref_squeeze %dma_start3A_880 : memref<1x1x8x128xf32, #tpu.memory_space<vmem>> -> memref<8x128xf32, #tpu.memory_space<vmem>>
      %dma_start3A_882 = arith.constant 0 : i32
      %dma_start3A_883 = tpu.memref_slice %arg2[%dma_start3A_875, %dma_start3A_882, %multiple_of3A_874] : memref<4x8x1000001xf32, #tpu.memory_space<hbm>> -> memref<1x8x128xf32, #tpu.memory_space<hbm>>
      %dma_start3A_884 = tpu.memref_squeeze %dma_start3A_883 : memref<1x8x128xf32, #tpu.memory_space<hbm>> -> memref<8x128xf32, #tpu.memory_space<hbm>>
      %dma_start3A_885 = arith.constant 0 : i32
      %dma_start3A_886 = arith.constant 0 : i32
      %dma_start3A_887 = tpu.memref_slice %arg6[%dma_start3A_876, %dma_start3A_877, %dma_start3A_885, %dma_start3A_886] : memref<16x4x8x128xf32, #tpu.memory_space<vmem>> -> memref<1x1x8x128xf32, #tpu.memory_space<vmem>>
      %dma_start3A_888 = tpu.memref_squeeze %dma_start3A_887 : memref<1x1x8x128xf32, #tpu.memory_space<vmem>> -> memref<8x128xf32, #tpu.memory_space<vmem>>
      %dma_start3A_889 = arith.constant 0 : i32
      %dma_start3A_890 = tpu.memref_slice %arg2[%dma_start3A_875, %dma_start3A_889, %multiple_of3A_874] : memref<4x8x1000001xf32, #tpu.memory_space<hbm>> -> memref<1x8x128xf32, #tpu.memory_space<hbm>>
      %dma_start3A_891 = tpu.memref_squeeze %dma_start3A_890 : memref<1x8x128xf32, #tpu.memory_space<hbm>> -> memref<8x128xf32, #tpu.memory_space<hbm>>
      tpu.enqueue_dma source(%dma_start3A_891 : memref<8x128xf32, #tpu.memory_space<hbm>>) target(%dma_start3A_888 : memref<8x128xf32, #tpu.memory_space<vmem>>) target_semaphore(%arg8 : memref<!tpu.dma_semaphore, #tpu.memory_space<semaphore_mem>>)
      %slice3A_892 = vector.extract_strided_slice %and3A_15 {offsets = [11], sizes = [1], strides = [1]} : vector<16xi32> to vector<1xi32>
      %squeeze3A_893 = vector.extract %slice3A_892[0] : i32 from vector<1xi32>
      %multiple_of3A_894 = tpu.assume_multiple %squeeze3A_893, 128 : i32
      %dma_start3A_895 = arith.constant 0 : i32
      %dma_start3A_896 = arith.constant 11 : i32
      %dma_start3A_897 = arith.constant 0 : i32
      %dma_start3A_898 = arith.constant 0 : i32
      %dma_start3A_899 = arith.constant 0 : i32
      %dma_start3A_900 = tpu.memref_slice %arg6[%dma_start3A_896, %dma_start3A_897, %dma_start3A_898, %dma_start3A_899] : memref<16x4x8x128xf32, #tpu.memory_space<vmem>> -> memref<1x1x8x128xf32, #tpu.memory_space<vmem>>
      %dma_start3A_901 = tpu.memref_squeeze %dma_start3A_900 : memref<1x1x8x128xf32, #tpu.memory_space<vmem>> -> memref<8x128xf32, #tpu.memory_space<vmem>>
      %dma_start3A_902 = arith.constant 0 : i32
      %dma_start3A_903 = tpu.memref_slice %arg2[%dma_start3A_895, %dma_start3A_902, %multiple_of3A_894] : memref<4x8x1000001xf32, #tpu.memory_space<hbm>> -> memref<1x8x128xf32, #tpu.memory_space<hbm>>
      %dma_start3A_904 = tpu.memref_squeeze %dma_start3A_903 : memref<1x8x128xf32, #tpu.memory_space<hbm>> -> memref<8x128xf32, #tpu.memory_space<hbm>>
      %dma_start3A_905 = arith.constant 0 : i32
      %dma_start3A_906 = arith.constant 0 : i32
      %dma_start3A_907 = tpu.memref_slice %arg6[%dma_start3A_896, %dma_start3A_897, %dma_start3A_905, %dma_start3A_906] : memref<16x4x8x128xf32, #tpu.memory_space<vmem>> -> memref<1x1x8x128xf32, #tpu.memory_space<vmem>>
      %dma_start3A_908 = tpu.memref_squeeze %dma_start3A_907 : memref<1x1x8x128xf32, #tpu.memory_space<vmem>> -> memref<8x128xf32, #tpu.memory_space<vmem>>
      %dma_start3A_909 = arith.constant 0 : i32
      %dma_start3A_910 = tpu.memref_slice %arg2[%dma_start3A_895, %dma_start3A_909, %multiple_of3A_894] : memref<4x8x1000001xf32, #tpu.memory_space<hbm>> -> memref<1x8x128xf32, #tpu.memory_space<hbm>>
      %dma_start3A_911 = tpu.memref_squeeze %dma_start3A_910 : memref<1x8x128xf32, #tpu.memory_space<hbm>> -> memref<8x128xf32, #tpu.memory_space<hbm>>
      tpu.enqueue_dma source(%dma_start3A_911 : memref<8x128xf32, #tpu.memory_space<hbm>>) target(%dma_start3A_908 : memref<8x128xf32, #tpu.memory_space<vmem>>) target_semaphore(%arg8 : memref<!tpu.dma_semaphore, #tpu.memory_space<semaphore_mem>>)
      %slice3A_912 = vector.extract_strided_slice %and3A_15 {offsets = [11], sizes = [1], strides = [1]} : vector<16xi32> to vector<1xi32>
      %squeeze3A_913 = vector.extract %slice3A_912[0] : i32 from vector<1xi32>
      %multiple_of3A_914 = tpu.assume_multiple %squeeze3A_913, 128 : i32
      %dma_start3A_915 = arith.constant 1 : i32
      %dma_start3A_916 = arith.constant 11 : i32
      %dma_start3A_917 = arith.constant 1 : i32
      %dma_start3A_918 = arith.constant 0 : i32
      %dma_start3A_919 = arith.constant 0 : i32
      %dma_start3A_920 = tpu.memref_slice %arg6[%dma_start3A_916, %dma_start3A_917, %dma_start3A_918, %dma_start3A_919] : memref<16x4x8x128xf32, #tpu.memory_space<vmem>> -> memref<1x1x8x128xf32, #tpu.memory_space<vmem>>
      %dma_start3A_921 = tpu.memref_squeeze %dma_start3A_920 : memref<1x1x8x128xf32, #tpu.memory_space<vmem>> -> memref<8x128xf32, #tpu.memory_space<vmem>>
      %dma_start3A_922 = arith.constant 0 : i32
      %dma_start3A_923 = tpu.memref_slice %arg2[%dma_start3A_915, %dma_start3A_922, %multiple_of3A_914] : memref<4x8x1000001xf32, #tpu.memory_space<hbm>> -> memref<1x8x128xf32, #tpu.memory_space<hbm>>
      %dma_start3A_924 = tpu.memref_squeeze %dma_start3A_923 : memref<1x8x128xf32, #tpu.memory_space<hbm>> -> memref<8x128xf32, #tpu.memory_space<hbm>>
      %dma_start3A_925 = arith.constant 0 : i32
      %dma_start3A_926 = arith.constant 0 : i32
      %dma_start3A_927 = tpu.memref_slice %arg6[%dma_start3A_916, %dma_start3A_917, %dma_start3A_925, %dma_start3A_926] : memref<16x4x8x128xf32, #tpu.memory_space<vmem>> -> memref<1x1x8x128xf32, #tpu.memory_space<vmem>>
      %dma_start3A_928 = tpu.memref_squeeze %dma_start3A_927 : memref<1x1x8x128xf32, #tpu.memory_space<vmem>> -> memref<8x128xf32, #tpu.memory_space<vmem>>
      %dma_start3A_929 = arith.constant 0 : i32
      %dma_start3A_930 = tpu.memref_slice %arg2[%dma_start3A_915, %dma_start3A_929, %multiple_of3A_914] : memref<4x8x1000001xf32, #tpu.memory_space<hbm>> -> memref<1x8x128xf32, #tpu.memory_space<hbm>>
      %dma_start3A_931 = tpu.memref_squeeze %dma_start3A_930 : memref<1x8x128xf32, #tpu.memory_space<hbm>> -> memref<8x128xf32, #tpu.memory_space<hbm>>
      tpu.enqueue_dma source(%dma_start3A_931 : memref<8x128xf32, #tpu.memory_space<hbm>>) target(%dma_start3A_928 : memref<8x128xf32, #tpu.memory_space<vmem>>) target_semaphore(%arg8 : memref<!tpu.dma_semaphore, #tpu.memory_space<semaphore_mem>>)
      %slice3A_932 = vector.extract_strided_slice %and3A_15 {offsets = [11], sizes = [1], strides = [1]} : vector<16xi32> to vector<1xi32>
      %squeeze3A_933 = vector.extract %slice3A_932[0] : i32 from vector<1xi32>
      %multiple_of3A_934 = tpu.assume_multiple %squeeze3A_933, 128 : i32
      %dma_start3A_935 = arith.constant 2 : i32
      %dma_start3A_936 = arith.constant 11 : i32
      %dma_start3A_937 = arith.constant 2 : i32
      %dma_start3A_938 = arith.constant 0 : i32
      %dma_start3A_939 = arith.constant 0 : i32
      %dma_start3A_940 = tpu.memref_slice %arg6[%dma_start3A_936, %dma_start3A_937, %dma_start3A_938, %dma_start3A_939] : memref<16x4x8x128xf32, #tpu.memory_space<vmem>> -> memref<1x1x8x128xf32, #tpu.memory_space<vmem>>
      %dma_start3A_941 = tpu.memref_squeeze %dma_start3A_940 : memref<1x1x8x128xf32, #tpu.memory_space<vmem>> -> memref<8x128xf32, #tpu.memory_space<vmem>>
      %dma_start3A_942 = arith.constant 0 : i32
      %dma_start3A_943 = tpu.memref_slice %arg2[%dma_start3A_935, %dma_start3A_942, %multiple_of3A_934] : memref<4x8x1000001xf32, #tpu.memory_space<hbm>> -> memref<1x8x128xf32, #tpu.memory_space<hbm>>
      %dma_start3A_944 = tpu.memref_squeeze %dma_start3A_943 : memref<1x8x128xf32, #tpu.memory_space<hbm>> -> memref<8x128xf32, #tpu.memory_space<hbm>>
      %dma_start3A_945 = arith.constant 0 : i32
      %dma_start3A_946 = arith.constant 0 : i32
      %dma_start3A_947 = tpu.memref_slice %arg6[%dma_start3A_936, %dma_start3A_937, %dma_start3A_945, %dma_start3A_946] : memref<16x4x8x128xf32, #tpu.memory_space<vmem>> -> memref<1x1x8x128xf32, #tpu.memory_space<vmem>>
      %dma_start3A_948 = tpu.memref_squeeze %dma_start3A_947 : memref<1x1x8x128xf32, #tpu.memory_space<vmem>> -> memref<8x128xf32, #tpu.memory_space<vmem>>
      %dma_start3A_949 = arith.constant 0 : i32
      %dma_start3A_950 = tpu.memref_slice %arg2[%dma_start3A_935, %dma_start3A_949, %multiple_of3A_934] : memref<4x8x1000001xf32, #tpu.memory_space<hbm>> -> memref<1x8x128xf32, #tpu.memory_space<hbm>>
      %dma_start3A_951 = tpu.memref_squeeze %dma_start3A_950 : memref<1x8x128xf32, #tpu.memory_space<hbm>> -> memref<8x128xf32, #tpu.memory_space<hbm>>
      tpu.enqueue_dma source(%dma_start3A_951 : memref<8x128xf32, #tpu.memory_space<hbm>>) target(%dma_start3A_948 : memref<8x128xf32, #tpu.memory_space<vmem>>) target_semaphore(%arg8 : memref<!tpu.dma_semaphore, #tpu.memory_space<semaphore_mem>>)
      %slice3A_952 = vector.extract_strided_slice %and3A_15 {offsets = [11], sizes = [1], strides = [1]} : vector<16xi32> to vector<1xi32>
      %squeeze3A_953 = vector.extract %slice3A_952[0] : i32 from vector<1xi32>
      %multiple_of3A_954 = tpu.assume_multiple %squeeze3A_953, 128 : i32
      %dma_start3A_955 = arith.constant 3 : i32
      %dma_start3A_956 = arith.constant 11 : i32
      %dma_start3A_957 = arith.constant 3 : i32
      %dma_start3A_958 = arith.constant 0 : i32
      %dma_start3A_959 = arith.constant 0 : i32
      %dma_start3A_960 = tpu.memref_slice %arg6[%dma_start3A_956, %dma_start3A_957, %dma_start3A_958, %dma_start3A_959] : memref<16x4x8x128xf32, #tpu.memory_space<vmem>> -> memref<1x1x8x128xf32, #tpu.memory_space<vmem>>
      %dma_start3A_961 = tpu.memref_squeeze %dma_start3A_960 : memref<1x1x8x128xf32, #tpu.memory_space<vmem>> -> memref<8x128xf32, #tpu.memory_space<vmem>>
      %dma_start3A_962 = arith.constant 0 : i32
      %dma_start3A_963 = tpu.memref_slice %arg2[%dma_start3A_955, %dma_start3A_962, %multiple_of3A_954] : memref<4x8x1000001xf32, #tpu.memory_space<hbm>> -> memref<1x8x128xf32, #tpu.memory_space<hbm>>
      %dma_start3A_964 = tpu.memref_squeeze %dma_start3A_963 : memref<1x8x128xf32, #tpu.memory_space<hbm>> -> memref<8x128xf32, #tpu.memory_space<hbm>>
      %dma_start3A_965 = arith.constant 0 : i32
      %dma_start3A_966 = arith.constant 0 : i32
      %dma_start3A_967 = tpu.memref_slice %arg6[%dma_start3A_956, %dma_start3A_957, %dma_start3A_965, %dma_start3A_966] : memref<16x4x8x128xf32, #tpu.memory_space<vmem>> -> memref<1x1x8x128xf32, #tpu.memory_space<vmem>>
      %dma_start3A_968 = tpu.memref_squeeze %dma_start3A_967 : memref<1x1x8x128xf32, #tpu.memory_space<vmem>> -> memref<8x128xf32, #tpu.memory_space<vmem>>
      %dma_start3A_969 = arith.constant 0 : i32
      %dma_start3A_970 = tpu.memref_slice %arg2[%dma_start3A_955, %dma_start3A_969, %multiple_of3A_954] : memref<4x8x1000001xf32, #tpu.memory_space<hbm>> -> memref<1x8x128xf32, #tpu.memory_space<hbm>>
      %dma_start3A_971 = tpu.memref_squeeze %dma_start3A_970 : memref<1x8x128xf32, #tpu.memory_space<hbm>> -> memref<8x128xf32, #tpu.memory_space<hbm>>
      tpu.enqueue_dma source(%dma_start3A_971 : memref<8x128xf32, #tpu.memory_space<hbm>>) target(%dma_start3A_968 : memref<8x128xf32, #tpu.memory_space<vmem>>) target_semaphore(%arg8 : memref<!tpu.dma_semaphore, #tpu.memory_space<semaphore_mem>>)
      %slice3A_972 = vector.extract_strided_slice %and3A_15 {offsets = [12], sizes = [1], strides = [1]} : vector<16xi32> to vector<1xi32>
      %squeeze3A_973 = vector.extract %slice3A_972[0] : i32 from vector<1xi32>
      %multiple_of3A_974 = tpu.assume_multiple %squeeze3A_973, 128 : i32
      %dma_start3A_975 = arith.constant 0 : i32
      %dma_start3A_976 = arith.constant 12 : i32
      %dma_start3A_977 = arith.constant 0 : i32
      %dma_start3A_978 = arith.constant 0 : i32
      %dma_start3A_979 = arith.constant 0 : i32
      %dma_start3A_980 = tpu.memref_slice %arg6[%dma_start3A_976, %dma_start3A_977, %dma_start3A_978, %dma_start3A_979] : memref<16x4x8x128xf32, #tpu.memory_space<vmem>> -> memref<1x1x8x128xf32, #tpu.memory_space<vmem>>
      %dma_start3A_981 = tpu.memref_squeeze %dma_start3A_980 : memref<1x1x8x128xf32, #tpu.memory_space<vmem>> -> memref<8x128xf32, #tpu.memory_space<vmem>>
      %dma_start3A_982 = arith.constant 0 : i32
      %dma_start3A_983 = tpu.memref_slice %arg2[%dma_start3A_975, %dma_start3A_982, %multiple_of3A_974] : memref<4x8x1000001xf32, #tpu.memory_space<hbm>> -> memref<1x8x128xf32, #tpu.memory_space<hbm>>
      %dma_start3A_984 = tpu.memref_squeeze %dma_start3A_983 : memref<1x8x128xf32, #tpu.memory_space<hbm>> -> memref<8x128xf32, #tpu.memory_space<hbm>>
      %dma_start3A_985 = arith.constant 0 : i32
      %dma_start3A_986 = arith.constant 0 : i32
      %dma_start3A_987 = tpu.memref_slice %arg6[%dma_start3A_976, %dma_start3A_977, %dma_start3A_985, %dma_start3A_986] : memref<16x4x8x128xf32, #tpu.memory_space<vmem>> -> memref<1x1x8x128xf32, #tpu.memory_space<vmem>>
      %dma_start3A_988 = tpu.memref_squeeze %dma_start3A_987 : memref<1x1x8x128xf32, #tpu.memory_space<vmem>> -> memref<8x128xf32, #tpu.memory_space<vmem>>
      %dma_start3A_989 = arith.constant 0 : i32
      %dma_start3A_990 = tpu.memref_slice %arg2[%dma_start3A_975, %dma_start3A_989, %multiple_of3A_974] : memref<4x8x1000001xf32, #tpu.memory_space<hbm>> -> memref<1x8x128xf32, #tpu.memory_space<hbm>>
      %dma_start3A_991 = tpu.memref_squeeze %dma_start3A_990 : memref<1x8x128xf32, #tpu.memory_space<hbm>> -> memref<8x128xf32, #tpu.memory_space<hbm>>
      tpu.enqueue_dma source(%dma_start3A_991 : memref<8x128xf32, #tpu.memory_space<hbm>>) target(%dma_start3A_988 : memref<8x128xf32, #tpu.memory_space<vmem>>) target_semaphore(%arg8 : memref<!tpu.dma_semaphore, #tpu.memory_space<semaphore_mem>>)
      %slice3A_992 = vector.extract_strided_slice %and3A_15 {offsets = [12], sizes = [1], strides = [1]} : vector<16xi32> to vector<1xi32>
      %squeeze3A_993 = vector.extract %slice3A_992[0] : i32 from vector<1xi32>
      %multiple_of3A_994 = tpu.assume_multiple %squeeze3A_993, 128 : i32
      %dma_start3A_995 = arith.constant 1 : i32
      %dma_start3A_996 = arith.constant 12 : i32
      %dma_start3A_997 = arith.constant 1 : i32
      %dma_start3A_998 = arith.constant 0 : i32
      %dma_start3A_999 = arith.constant 0 : i32
      %dma_start3A_1000 = tpu.memref_slice %arg6[%dma_start3A_996, %dma_start3A_997, %dma_start3A_998, %dma_start3A_999] : memref<16x4x8x128xf32, #tpu.memory_space<vmem>> -> memref<1x1x8x128xf32, #tpu.memory_space<vmem>>
      %dma_start3A_1001 = tpu.memref_squeeze %dma_start3A_1000 : memref<1x1x8x128xf32, #tpu.memory_space<vmem>> -> memref<8x128xf32, #tpu.memory_space<vmem>>
      %dma_start3A_1002 = arith.constant 0 : i32
      %dma_start3A_1003 = tpu.memref_slice %arg2[%dma_start3A_995, %dma_start3A_1002, %multiple_of3A_994] : memref<4x8x1000001xf32, #tpu.memory_space<hbm>> -> memref<1x8x128xf32, #tpu.memory_space<hbm>>
      %dma_start3A_1004 = tpu.memref_squeeze %dma_start3A_1003 : memref<1x8x128xf32, #tpu.memory_space<hbm>> -> memref<8x128xf32, #tpu.memory_space<hbm>>
      %dma_start3A_1005 = arith.constant 0 : i32
      %dma_start3A_1006 = arith.constant 0 : i32
      %dma_start3A_1007 = tpu.memref_slice %arg6[%dma_start3A_996, %dma_start3A_997, %dma_start3A_1005, %dma_start3A_1006] : memref<16x4x8x128xf32, #tpu.memory_space<vmem>> -> memref<1x1x8x128xf32, #tpu.memory_space<vmem>>
      %dma_start3A_1008 = tpu.memref_squeeze %dma_start3A_1007 : memref<1x1x8x128xf32, #tpu.memory_space<vmem>> -> memref<8x128xf32, #tpu.memory_space<vmem>>
      %dma_start3A_1009 = arith.constant 0 : i32
      %dma_start3A_1010 = tpu.memref_slice %arg2[%dma_start3A_995, %dma_start3A_1009, %multiple_of3A_994] : memref<4x8x1000001xf32, #tpu.memory_space<hbm>> -> memref<1x8x128xf32, #tpu.memory_space<hbm>>
      %dma_start3A_1011 = tpu.memref_squeeze %dma_start3A_1010 : memref<1x8x128xf32, #tpu.memory_space<hbm>> -> memref<8x128xf32, #tpu.memory_space<hbm>>
      tpu.enqueue_dma source(%dma_start3A_1011 : memref<8x128xf32, #tpu.memory_space<hbm>>) target(%dma_start3A_1008 : memref<8x128xf32, #tpu.memory_space<vmem>>) target_semaphore(%arg8 : memref<!tpu.dma_semaphore, #tpu.memory_space<semaphore_mem>>)
      %slice3A_1012 = vector.extract_strided_slice %and3A_15 {offsets = [12], sizes = [1], strides = [1]} : vector<16xi32> to vector<1xi32>
      %squeeze3A_1013 = vector.extract %slice3A_1012[0] : i32 from vector<1xi32>
      %multiple_of3A_1014 = tpu.assume_multiple %squeeze3A_1013, 128 : i32
      %dma_start3A_1015 = arith.constant 2 : i32
      %dma_start3A_1016 = arith.constant 12 : i32
      %dma_start3A_1017 = arith.constant 2 : i32
      %dma_start3A_1018 = arith.constant 0 : i32
      %dma_start3A_1019 = arith.constant 0 : i32
      %dma_start3A_1020 = tpu.memref_slice %arg6[%dma_start3A_1016, %dma_start3A_1017, %dma_start3A_1018, %dma_start3A_1019] : memref<16x4x8x128xf32, #tpu.memory_space<vmem>> -> memref<1x1x8x128xf32, #tpu.memory_space<vmem>>
      %dma_start3A_1021 = tpu.memref_squeeze %dma_start3A_1020 : memref<1x1x8x128xf32, #tpu.memory_space<vmem>> -> memref<8x128xf32, #tpu.memory_space<vmem>>
      %dma_start3A_1022 = arith.constant 0 : i32
      %dma_start3A_1023 = tpu.memref_slice %arg2[%dma_start3A_1015, %dma_start3A_1022, %multiple_of3A_1014] : memref<4x8x1000001xf32, #tpu.memory_space<hbm>> -> memref<1x8x128xf32, #tpu.memory_space<hbm>>
      %dma_start3A_1024 = tpu.memref_squeeze %dma_start3A_1023 : memref<1x8x128xf32, #tpu.memory_space<hbm>> -> memref<8x128xf32, #tpu.memory_space<hbm>>
      %dma_start3A_1025 = arith.constant 0 : i32
      %dma_start3A_1026 = arith.constant 0 : i32
      %dma_start3A_1027 = tpu.memref_slice %arg6[%dma_start3A_1016, %dma_start3A_1017, %dma_start3A_1025, %dma_start3A_1026] : memref<16x4x8x128xf32, #tpu.memory_space<vmem>> -> memref<1x1x8x128xf32, #tpu.memory_space<vmem>>
      %dma_start3A_1028 = tpu.memref_squeeze %dma_start3A_1027 : memref<1x1x8x128xf32, #tpu.memory_space<vmem>> -> memref<8x128xf32, #tpu.memory_space<vmem>>
      %dma_start3A_1029 = arith.constant 0 : i32
      %dma_start3A_1030 = tpu.memref_slice %arg2[%dma_start3A_1015, %dma_start3A_1029, %multiple_of3A_1014] : memref<4x8x1000001xf32, #tpu.memory_space<hbm>> -> memref<1x8x128xf32, #tpu.memory_space<hbm>>
      %dma_start3A_1031 = tpu.memref_squeeze %dma_start3A_1030 : memref<1x8x128xf32, #tpu.memory_space<hbm>> -> memref<8x128xf32, #tpu.memory_space<hbm>>
      tpu.enqueue_dma source(%dma_start3A_1031 : memref<8x128xf32, #tpu.memory_space<hbm>>) target(%dma_start3A_1028 : memref<8x128xf32, #tpu.memory_space<vmem>>) target_semaphore(%arg8 : memref<!tpu.dma_semaphore, #tpu.memory_space<semaphore_mem>>)
      %slice3A_1032 = vector.extract_strided_slice %and3A_15 {offsets = [12], sizes = [1], strides = [1]} : vector<16xi32> to vector<1xi32>
      %squeeze3A_1033 = vector.extract %slice3A_1032[0] : i32 from vector<1xi32>
      %multiple_of3A_1034 = tpu.assume_multiple %squeeze3A_1033, 128 : i32
      %dma_start3A_1035 = arith.constant 3 : i32
      %dma_start3A_1036 = arith.constant 12 : i32
      %dma_start3A_1037 = arith.constant 3 : i32
      %dma_start3A_1038 = arith.constant 0 : i32
      %dma_start3A_1039 = arith.constant 0 : i32
      %dma_start3A_1040 = tpu.memref_slice %arg6[%dma_start3A_1036, %dma_start3A_1037, %dma_start3A_1038, %dma_start3A_1039] : memref<16x4x8x128xf32, #tpu.memory_space<vmem>> -> memref<1x1x8x128xf32, #tpu.memory_space<vmem>>
      %dma_start3A_1041 = tpu.memref_squeeze %dma_start3A_1040 : memref<1x1x8x128xf32, #tpu.memory_space<vmem>> -> memref<8x128xf32, #tpu.memory_space<vmem>>
      %dma_start3A_1042 = arith.constant 0 : i32
      %dma_start3A_1043 = tpu.memref_slice %arg2[%dma_start3A_1035, %dma_start3A_1042, %multiple_of3A_1034] : memref<4x8x1000001xf32, #tpu.memory_space<hbm>> -> memref<1x8x128xf32, #tpu.memory_space<hbm>>
      %dma_start3A_1044 = tpu.memref_squeeze %dma_start3A_1043 : memref<1x8x128xf32, #tpu.memory_space<hbm>> -> memref<8x128xf32, #tpu.memory_space<hbm>>
      %dma_start3A_1045 = arith.constant 0 : i32
      %dma_start3A_1046 = arith.constant 0 : i32
      %dma_start3A_1047 = tpu.memref_slice %arg6[%dma_start3A_1036, %dma_start3A_1037, %dma_start3A_1045, %dma_start3A_1046] : memref<16x4x8x128xf32, #tpu.memory_space<vmem>> -> memref<1x1x8x128xf32, #tpu.memory_space<vmem>>
      %dma_start3A_1048 = tpu.memref_squeeze %dma_start3A_1047 : memref<1x1x8x128xf32, #tpu.memory_space<vmem>> -> memref<8x128xf32, #tpu.memory_space<vmem>>
      %dma_start3A_1049 = arith.constant 0 : i32
      %dma_start3A_1050 = tpu.memref_slice %arg2[%dma_start3A_1035, %dma_start3A_1049, %multiple_of3A_1034] : memref<4x8x1000001xf32, #tpu.memory_space<hbm>> -> memref<1x8x128xf32, #tpu.memory_space<hbm>>
      %dma_start3A_1051 = tpu.memref_squeeze %dma_start3A_1050 : memref<1x8x128xf32, #tpu.memory_space<hbm>> -> memref<8x128xf32, #tpu.memory_space<hbm>>
      tpu.enqueue_dma source(%dma_start3A_1051 : memref<8x128xf32, #tpu.memory_space<hbm>>) target(%dma_start3A_1048 : memref<8x128xf32, #tpu.memory_space<vmem>>) target_semaphore(%arg8 : memref<!tpu.dma_semaphore, #tpu.memory_space<semaphore_mem>>)
      %slice3A_1052 = vector.extract_strided_slice %and3A_15 {offsets = [13], sizes = [1], strides = [1]} : vector<16xi32> to vector<1xi32>
      %squeeze3A_1053 = vector.extract %slice3A_1052[0] : i32 from vector<1xi32>
      %multiple_of3A_1054 = tpu.assume_multiple %squeeze3A_1053, 128 : i32
      %dma_start3A_1055 = arith.constant 0 : i32
      %dma_start3A_1056 = arith.constant 13 : i32
      %dma_start3A_1057 = arith.constant 0 : i32
      %dma_start3A_1058 = arith.constant 0 : i32
      %dma_start3A_1059 = arith.constant 0 : i32
      %dma_start3A_1060 = tpu.memref_slice %arg6[%dma_start3A_1056, %dma_start3A_1057, %dma_start3A_1058, %dma_start3A_1059] : memref<16x4x8x128xf32, #tpu.memory_space<vmem>> -> memref<1x1x8x128xf32, #tpu.memory_space<vmem>>
      %dma_start3A_1061 = tpu.memref_squeeze %dma_start3A_1060 : memref<1x1x8x128xf32, #tpu.memory_space<vmem>> -> memref<8x128xf32, #tpu.memory_space<vmem>>
      %dma_start3A_1062 = arith.constant 0 : i32
      %dma_start3A_1063 = tpu.memref_slice %arg2[%dma_start3A_1055, %dma_start3A_1062, %multiple_of3A_1054] : memref<4x8x1000001xf32, #tpu.memory_space<hbm>> -> memref<1x8x128xf32, #tpu.memory_space<hbm>>
      %dma_start3A_1064 = tpu.memref_squeeze %dma_start3A_1063 : memref<1x8x128xf32, #tpu.memory_space<hbm>> -> memref<8x128xf32, #tpu.memory_space<hbm>>
      %dma_start3A_1065 = arith.constant 0 : i32
      %dma_start3A_1066 = arith.constant 0 : i32
      %dma_start3A_1067 = tpu.memref_slice %arg6[%dma_start3A_1056, %dma_start3A_1057, %dma_start3A_1065, %dma_start3A_1066] : memref<16x4x8x128xf32, #tpu.memory_space<vmem>> -> memref<1x1x8x128xf32, #tpu.memory_space<vmem>>
      %dma_start3A_1068 = tpu.memref_squeeze %dma_start3A_1067 : memref<1x1x8x128xf32, #tpu.memory_space<vmem>> -> memref<8x128xf32, #tpu.memory_space<vmem>>
      %dma_start3A_1069 = arith.constant 0 : i32
      %dma_start3A_1070 = tpu.memref_slice %arg2[%dma_start3A_1055, %dma_start3A_1069, %multiple_of3A_1054] : memref<4x8x1000001xf32, #tpu.memory_space<hbm>> -> memref<1x8x128xf32, #tpu.memory_space<hbm>>
      %dma_start3A_1071 = tpu.memref_squeeze %dma_start3A_1070 : memref<1x8x128xf32, #tpu.memory_space<hbm>> -> memref<8x128xf32, #tpu.memory_space<hbm>>
      tpu.enqueue_dma source(%dma_start3A_1071 : memref<8x128xf32, #tpu.memory_space<hbm>>) target(%dma_start3A_1068 : memref<8x128xf32, #tpu.memory_space<vmem>>) target_semaphore(%arg8 : memref<!tpu.dma_semaphore, #tpu.memory_space<semaphore_mem>>)
      %slice3A_1072 = vector.extract_strided_slice %and3A_15 {offsets = [13], sizes = [1], strides = [1]} : vector<16xi32> to vector<1xi32>
      %squeeze3A_1073 = vector.extract %slice3A_1072[0] : i32 from vector<1xi32>
      %multiple_of3A_1074 = tpu.assume_multiple %squeeze3A_1073, 128 : i32
      %dma_start3A_1075 = arith.constant 1 : i32
      %dma_start3A_1076 = arith.constant 13 : i32
      %dma_start3A_1077 = arith.constant 1 : i32
      %dma_start3A_1078 = arith.constant 0 : i32
      %dma_start3A_1079 = arith.constant 0 : i32
      %dma_start3A_1080 = tpu.memref_slice %arg6[%dma_start3A_1076, %dma_start3A_1077, %dma_start3A_1078, %dma_start3A_1079] : memref<16x4x8x128xf32, #tpu.memory_space<vmem>> -> memref<1x1x8x128xf32, #tpu.memory_space<vmem>>
      %dma_start3A_1081 = tpu.memref_squeeze %dma_start3A_1080 : memref<1x1x8x128xf32, #tpu.memory_space<vmem>> -> memref<8x128xf32, #tpu.memory_space<vmem>>
      %dma_start3A_1082 = arith.constant 0 : i32
      %dma_start3A_1083 = tpu.memref_slice %arg2[%dma_start3A_1075, %dma_start3A_1082, %multiple_of3A_1074] : memref<4x8x1000001xf32, #tpu.memory_space<hbm>> -> memref<1x8x128xf32, #tpu.memory_space<hbm>>
      %dma_start3A_1084 = tpu.memref_squeeze %dma_start3A_1083 : memref<1x8x128xf32, #tpu.memory_space<hbm>> -> memref<8x128xf32, #tpu.memory_space<hbm>>
      %dma_start3A_1085 = arith.constant 0 : i32
      %dma_start3A_1086 = arith.constant 0 : i32
      %dma_start3A_1087 = tpu.memref_slice %arg6[%dma_start3A_1076, %dma_start3A_1077, %dma_start3A_1085, %dma_start3A_1086] : memref<16x4x8x128xf32, #tpu.memory_space<vmem>> -> memref<1x1x8x128xf32, #tpu.memory_space<vmem>>
      %dma_start3A_1088 = tpu.memref_squeeze %dma_start3A_1087 : memref<1x1x8x128xf32, #tpu.memory_space<vmem>> -> memref<8x128xf32, #tpu.memory_space<vmem>>
      %dma_start3A_1089 = arith.constant 0 : i32
      %dma_start3A_1090 = tpu.memref_slice %arg2[%dma_start3A_1075, %dma_start3A_1089, %multiple_of3A_1074] : memref<4x8x1000001xf32, #tpu.memory_space<hbm>> -> memref<1x8x128xf32, #tpu.memory_space<hbm>>
      %dma_start3A_1091 = tpu.memref_squeeze %dma_start3A_1090 : memref<1x8x128xf32, #tpu.memory_space<hbm>> -> memref<8x128xf32, #tpu.memory_space<hbm>>
      tpu.enqueue_dma source(%dma_start3A_1091 : memref<8x128xf32, #tpu.memory_space<hbm>>) target(%dma_start3A_1088 : memref<8x128xf32, #tpu.memory_space<vmem>>) target_semaphore(%arg8 : memref<!tpu.dma_semaphore, #tpu.memory_space<semaphore_mem>>)
      %slice3A_1092 = vector.extract_strided_slice %and3A_15 {offsets = [13], sizes = [1], strides = [1]} : vector<16xi32> to vector<1xi32>
      %squeeze3A_1093 = vector.extract %slice3A_1092[0] : i32 from vector<1xi32>
      %multiple_of3A_1094 = tpu.assume_multiple %squeeze3A_1093, 128 : i32
      %dma_start3A_1095 = arith.constant 2 : i32
      %dma_start3A_1096 = arith.constant 13 : i32
      %dma_start3A_1097 = arith.constant 2 : i32
      %dma_start3A_1098 = arith.constant 0 : i32
      %dma_start3A_1099 = arith.constant 0 : i32
      %dma_start3A_1100 = tpu.memref_slice %arg6[%dma_start3A_1096, %dma_start3A_1097, %dma_start3A_1098, %dma_start3A_1099] : memref<16x4x8x128xf32, #tpu.memory_space<vmem>> -> memref<1x1x8x128xf32, #tpu.memory_space<vmem>>
      %dma_start3A_1101 = tpu.memref_squeeze %dma_start3A_1100 : memref<1x1x8x128xf32, #tpu.memory_space<vmem>> -> memref<8x128xf32, #tpu.memory_space<vmem>>
      %dma_start3A_1102 = arith.constant 0 : i32
      %dma_start3A_1103 = tpu.memref_slice %arg2[%dma_start3A_1095, %dma_start3A_1102, %multiple_of3A_1094] : memref<4x8x1000001xf32, #tpu.memory_space<hbm>> -> memref<1x8x128xf32, #tpu.memory_space<hbm>>
      %dma_start3A_1104 = tpu.memref_squeeze %dma_start3A_1103 : memref<1x8x128xf32, #tpu.memory_space<hbm>> -> memref<8x128xf32, #tpu.memory_space<hbm>>
      %dma_start3A_1105 = arith.constant 0 : i32
      %dma_start3A_1106 = arith.constant 0 : i32
      %dma_start3A_1107 = tpu.memref_slice %arg6[%dma_start3A_1096, %dma_start3A_1097, %dma_start3A_1105, %dma_start3A_1106] : memref<16x4x8x128xf32, #tpu.memory_space<vmem>> -> memref<1x1x8x128xf32, #tpu.memory_space<vmem>>
      %dma_start3A_1108 = tpu.memref_squeeze %dma_start3A_1107 : memref<1x1x8x128xf32, #tpu.memory_space<vmem>> -> memref<8x128xf32, #tpu.memory_space<vmem>>
      %dma_start3A_1109 = arith.constant 0 : i32
      %dma_start3A_1110 = tpu.memref_slice %arg2[%dma_start3A_1095, %dma_start3A_1109, %multiple_of3A_1094] : memref<4x8x1000001xf32, #tpu.memory_space<hbm>> -> memref<1x8x128xf32, #tpu.memory_space<hbm>>
      %dma_start3A_1111 = tpu.memref_squeeze %dma_start3A_1110 : memref<1x8x128xf32, #tpu.memory_space<hbm>> -> memref<8x128xf32, #tpu.memory_space<hbm>>
      tpu.enqueue_dma source(%dma_start3A_1111 : memref<8x128xf32, #tpu.memory_space<hbm>>) target(%dma_start3A_1108 : memref<8x128xf32, #tpu.memory_space<vmem>>) target_semaphore(%arg8 : memref<!tpu.dma_semaphore, #tpu.memory_space<semaphore_mem>>)
      %slice3A_1112 = vector.extract_strided_slice %and3A_15 {offsets = [13], sizes = [1], strides = [1]} : vector<16xi32> to vector<1xi32>
      %squeeze3A_1113 = vector.extract %slice3A_1112[0] : i32 from vector<1xi32>
      %multiple_of3A_1114 = tpu.assume_multiple %squeeze3A_1113, 128 : i32
      %dma_start3A_1115 = arith.constant 3 : i32
      %dma_start3A_1116 = arith.constant 13 : i32
      %dma_start3A_1117 = arith.constant 3 : i32
      %dma_start3A_1118 = arith.constant 0 : i32
      %dma_start3A_1119 = arith.constant 0 : i32
      %dma_start3A_1120 = tpu.memref_slice %arg6[%dma_start3A_1116, %dma_start3A_1117, %dma_start3A_1118, %dma_start3A_1119] : memref<16x4x8x128xf32, #tpu.memory_space<vmem>> -> memref<1x1x8x128xf32, #tpu.memory_space<vmem>>
      %dma_start3A_1121 = tpu.memref_squeeze %dma_start3A_1120 : memref<1x1x8x128xf32, #tpu.memory_space<vmem>> -> memref<8x128xf32, #tpu.memory_space<vmem>>
      %dma_start3A_1122 = arith.constant 0 : i32
      %dma_start3A_1123 = tpu.memref_slice %arg2[%dma_start3A_1115, %dma_start3A_1122, %multiple_of3A_1114] : memref<4x8x1000001xf32, #tpu.memory_space<hbm>> -> memref<1x8x128xf32, #tpu.memory_space<hbm>>
      %dma_start3A_1124 = tpu.memref_squeeze %dma_start3A_1123 : memref<1x8x128xf32, #tpu.memory_space<hbm>> -> memref<8x128xf32, #tpu.memory_space<hbm>>
      %dma_start3A_1125 = arith.constant 0 : i32
      %dma_start3A_1126 = arith.constant 0 : i32
      %dma_start3A_1127 = tpu.memref_slice %arg6[%dma_start3A_1116, %dma_start3A_1117, %dma_start3A_1125, %dma_start3A_1126] : memref<16x4x8x128xf32, #tpu.memory_space<vmem>> -> memref<1x1x8x128xf32, #tpu.memory_space<vmem>>
      %dma_start3A_1128 = tpu.memref_squeeze %dma_start3A_1127 : memref<1x1x8x128xf32, #tpu.memory_space<vmem>> -> memref<8x128xf32, #tpu.memory_space<vmem>>
      %dma_start3A_1129 = arith.constant 0 : i32
      %dma_start3A_1130 = tpu.memref_slice %arg2[%dma_start3A_1115, %dma_start3A_1129, %multiple_of3A_1114] : memref<4x8x1000001xf32, #tpu.memory_space<hbm>> -> memref<1x8x128xf32, #tpu.memory_space<hbm>>
      %dma_start3A_1131 = tpu.memref_squeeze %dma_start3A_1130 : memref<1x8x128xf32, #tpu.memory_space<hbm>> -> memref<8x128xf32, #tpu.memory_space<hbm>>
      tpu.enqueue_dma source(%dma_start3A_1131 : memref<8x128xf32, #tpu.memory_space<hbm>>) target(%dma_start3A_1128 : memref<8x128xf32, #tpu.memory_space<vmem>>) target_semaphore(%arg8 : memref<!tpu.dma_semaphore, #tpu.memory_space<semaphore_mem>>)
      %slice3A_1132 = vector.extract_strided_slice %and3A_15 {offsets = [14], sizes = [1], strides = [1]} : vector<16xi32> to vector<1xi32>
      %squeeze3A_1133 = vector.extract %slice3A_1132[0] : i32 from vector<1xi32>
      %multiple_of3A_1134 = tpu.assume_multiple %squeeze3A_1133, 128 : i32
      %dma_start3A_1135 = arith.constant 0 : i32
      %dma_start3A_1136 = arith.constant 14 : i32
      %dma_start3A_1137 = arith.constant 0 : i32
      %dma_start3A_1138 = arith.constant 0 : i32
      %dma_start3A_1139 = arith.constant 0 : i32
      %dma_start3A_1140 = tpu.memref_slice %arg6[%dma_start3A_1136, %dma_start3A_1137, %dma_start3A_1138, %dma_start3A_1139] : memref<16x4x8x128xf32, #tpu.memory_space<vmem>> -> memref<1x1x8x128xf32, #tpu.memory_space<vmem>>
      %dma_start3A_1141 = tpu.memref_squeeze %dma_start3A_1140 : memref<1x1x8x128xf32, #tpu.memory_space<vmem>> -> memref<8x128xf32, #tpu.memory_space<vmem>>
      %dma_start3A_1142 = arith.constant 0 : i32
      %dma_start3A_1143 = tpu.memref_slice %arg2[%dma_start3A_1135, %dma_start3A_1142, %multiple_of3A_1134] : memref<4x8x1000001xf32, #tpu.memory_space<hbm>> -> memref<1x8x128xf32, #tpu.memory_space<hbm>>
      %dma_start3A_1144 = tpu.memref_squeeze %dma_start3A_1143 : memref<1x8x128xf32, #tpu.memory_space<hbm>> -> memref<8x128xf32, #tpu.memory_space<hbm>>
      %dma_start3A_1145 = arith.constant 0 : i32
      %dma_start3A_1146 = arith.constant 0 : i32
      %dma_start3A_1147 = tpu.memref_slice %arg6[%dma_start3A_1136, %dma_start3A_1137, %dma_start3A_1145, %dma_start3A_1146] : memref<16x4x8x128xf32, #tpu.memory_space<vmem>> -> memref<1x1x8x128xf32, #tpu.memory_space<vmem>>
      %dma_start3A_1148 = tpu.memref_squeeze %dma_start3A_1147 : memref<1x1x8x128xf32, #tpu.memory_space<vmem>> -> memref<8x128xf32, #tpu.memory_space<vmem>>
      %dma_start3A_1149 = arith.constant 0 : i32
      %dma_start3A_1150 = tpu.memref_slice %arg2[%dma_start3A_1135, %dma_start3A_1149, %multiple_of3A_1134] : memref<4x8x1000001xf32, #tpu.memory_space<hbm>> -> memref<1x8x128xf32, #tpu.memory_space<hbm>>
      %dma_start3A_1151 = tpu.memref_squeeze %dma_start3A_1150 : memref<1x8x128xf32, #tpu.memory_space<hbm>> -> memref<8x128xf32, #tpu.memory_space<hbm>>
      tpu.enqueue_dma source(%dma_start3A_1151 : memref<8x128xf32, #tpu.memory_space<hbm>>) target(%dma_start3A_1148 : memref<8x128xf32, #tpu.memory_space<vmem>>) target_semaphore(%arg8 : memref<!tpu.dma_semaphore, #tpu.memory_space<semaphore_mem>>)
      %slice3A_1152 = vector.extract_strided_slice %and3A_15 {offsets = [14], sizes = [1], strides = [1]} : vector<16xi32> to vector<1xi32>
      %squeeze3A_1153 = vector.extract %slice3A_1152[0] : i32 from vector<1xi32>
      %multiple_of3A_1154 = tpu.assume_multiple %squeeze3A_1153, 128 : i32
      %dma_start3A_1155 = arith.constant 1 : i32
      %dma_start3A_1156 = arith.constant 14 : i32
      %dma_start3A_1157 = arith.constant 1 : i32
      %dma_start3A_1158 = arith.constant 0 : i32
      %dma_start3A_1159 = arith.constant 0 : i32
      %dma_start3A_1160 = tpu.memref_slice %arg6[%dma_start3A_1156, %dma_start3A_1157, %dma_start3A_1158, %dma_start3A_1159] : memref<16x4x8x128xf32, #tpu.memory_space<vmem>> -> memref<1x1x8x128xf32, #tpu.memory_space<vmem>>
      %dma_start3A_1161 = tpu.memref_squeeze %dma_start3A_1160 : memref<1x1x8x128xf32, #tpu.memory_space<vmem>> -> memref<8x128xf32, #tpu.memory_space<vmem>>
      %dma_start3A_1162 = arith.constant 0 : i32
      %dma_start3A_1163 = tpu.memref_slice %arg2[%dma_start3A_1155, %dma_start3A_1162, %multiple_of3A_1154] : memref<4x8x1000001xf32, #tpu.memory_space<hbm>> -> memref<1x8x128xf32, #tpu.memory_space<hbm>>
      %dma_start3A_1164 = tpu.memref_squeeze %dma_start3A_1163 : memref<1x8x128xf32, #tpu.memory_space<hbm>> -> memref<8x128xf32, #tpu.memory_space<hbm>>
      %dma_start3A_1165 = arith.constant 0 : i32
      %dma_start3A_1166 = arith.constant 0 : i32
      %dma_start3A_1167 = tpu.memref_slice %arg6[%dma_start3A_1156, %dma_start3A_1157, %dma_start3A_1165, %dma_start3A_1166] : memref<16x4x8x128xf32, #tpu.memory_space<vmem>> -> memref<1x1x8x128xf32, #tpu.memory_space<vmem>>
      %dma_start3A_1168 = tpu.memref_squeeze %dma_start3A_1167 : memref<1x1x8x128xf32, #tpu.memory_space<vmem>> -> memref<8x128xf32, #tpu.memory_space<vmem>>
      %dma_start3A_1169 = arith.constant 0 : i32
      %dma_start3A_1170 = tpu.memref_slice %arg2[%dma_start3A_1155, %dma_start3A_1169, %multiple_of3A_1154] : memref<4x8x1000001xf32, #tpu.memory_space<hbm>> -> memref<1x8x128xf32, #tpu.memory_space<hbm>>
      %dma_start3A_1171 = tpu.memref_squeeze %dma_start3A_1170 : memref<1x8x128xf32, #tpu.memory_space<hbm>> -> memref<8x128xf32, #tpu.memory_space<hbm>>
      tpu.enqueue_dma source(%dma_start3A_1171 : memref<8x128xf32, #tpu.memory_space<hbm>>) target(%dma_start3A_1168 : memref<8x128xf32, #tpu.memory_space<vmem>>) target_semaphore(%arg8 : memref<!tpu.dma_semaphore, #tpu.memory_space<semaphore_mem>>)
      %slice3A_1172 = vector.extract_strided_slice %and3A_15 {offsets = [14], sizes = [1], strides = [1]} : vector<16xi32> to vector<1xi32>
      %squeeze3A_1173 = vector.extract %slice3A_1172[0] : i32 from vector<1xi32>
      %multiple_of3A_1174 = tpu.assume_multiple %squeeze3A_1173, 128 : i32
      %dma_start3A_1175 = arith.constant 2 : i32
      %dma_start3A_1176 = arith.constant 14 : i32
      %dma_start3A_1177 = arith.constant 2 : i32
      %dma_start3A_1178 = arith.constant 0 : i32
      %dma_start3A_1179 = arith.constant 0 : i32
      %dma_start3A_1180 = tpu.memref_slice %arg6[%dma_start3A_1176, %dma_start3A_1177, %dma_start3A_1178, %dma_start3A_1179] : memref<16x4x8x128xf32, #tpu.memory_space<vmem>> -> memref<1x1x8x128xf32, #tpu.memory_space<vmem>>
      %dma_start3A_1181 = tpu.memref_squeeze %dma_start3A_1180 : memref<1x1x8x128xf32, #tpu.memory_space<vmem>> -> memref<8x128xf32, #tpu.memory_space<vmem>>
      %dma_start3A_1182 = arith.constant 0 : i32
      %dma_start3A_1183 = tpu.memref_slice %arg2[%dma_start3A_1175, %dma_start3A_1182, %multiple_of3A_1174] : memref<4x8x1000001xf32, #tpu.memory_space<hbm>> -> memref<1x8x128xf32, #tpu.memory_space<hbm>>
      %dma_start3A_1184 = tpu.memref_squeeze %dma_start3A_1183 : memref<1x8x128xf32, #tpu.memory_space<hbm>> -> memref<8x128xf32, #tpu.memory_space<hbm>>
      %dma_start3A_1185 = arith.constant 0 : i32
      %dma_start3A_1186 = arith.constant 0 : i32
      %dma_start3A_1187 = tpu.memref_slice %arg6[%dma_start3A_1176, %dma_start3A_1177, %dma_start3A_1185, %dma_start3A_1186] : memref<16x4x8x128xf32, #tpu.memory_space<vmem>> -> memref<1x1x8x128xf32, #tpu.memory_space<vmem>>
      %dma_start3A_1188 = tpu.memref_squeeze %dma_start3A_1187 : memref<1x1x8x128xf32, #tpu.memory_space<vmem>> -> memref<8x128xf32, #tpu.memory_space<vmem>>
      %dma_start3A_1189 = arith.constant 0 : i32
      %dma_start3A_1190 = tpu.memref_slice %arg2[%dma_start3A_1175, %dma_start3A_1189, %multiple_of3A_1174] : memref<4x8x1000001xf32, #tpu.memory_space<hbm>> -> memref<1x8x128xf32, #tpu.memory_space<hbm>>
      %dma_start3A_1191 = tpu.memref_squeeze %dma_start3A_1190 : memref<1x8x128xf32, #tpu.memory_space<hbm>> -> memref<8x128xf32, #tpu.memory_space<hbm>>
      tpu.enqueue_dma source(%dma_start3A_1191 : memref<8x128xf32, #tpu.memory_space<hbm>>) target(%dma_start3A_1188 : memref<8x128xf32, #tpu.memory_space<vmem>>) target_semaphore(%arg8 : memref<!tpu.dma_semaphore, #tpu.memory_space<semaphore_mem>>)
      %slice3A_1192 = vector.extract_strided_slice %and3A_15 {offsets = [14], sizes = [1], strides = [1]} : vector<16xi32> to vector<1xi32>
      %squeeze3A_1193 = vector.extract %slice3A_1192[0] : i32 from vector<1xi32>
      %multiple_of3A_1194 = tpu.assume_multiple %squeeze3A_1193, 128 : i32
      %dma_start3A_1195 = arith.constant 3 : i32
      %dma_start3A_1196 = arith.constant 14 : i32
      %dma_start3A_1197 = arith.constant 3 : i32
      %dma_start3A_1198 = arith.constant 0 : i32
      %dma_start3A_1199 = arith.constant 0 : i32
      %dma_start3A_1200 = tpu.memref_slice %arg6[%dma_start3A_1196, %dma_start3A_1197, %dma_start3A_1198, %dma_start3A_1199] : memref<16x4x8x128xf32, #tpu.memory_space<vmem>> -> memref<1x1x8x128xf32, #tpu.memory_space<vmem>>
      %dma_start3A_1201 = tpu.memref_squeeze %dma_start3A_1200 : memref<1x1x8x128xf32, #tpu.memory_space<vmem>> -> memref<8x128xf32, #tpu.memory_space<vmem>>
      %dma_start3A_1202 = arith.constant 0 : i32
      %dma_start3A_1203 = tpu.memref_slice %arg2[%dma_start3A_1195, %dma_start3A_1202, %multiple_of3A_1194] : memref<4x8x1000001xf32, #tpu.memory_space<hbm>> -> memref<1x8x128xf32, #tpu.memory_space<hbm>>
      %dma_start3A_1204 = tpu.memref_squeeze %dma_start3A_1203 : memref<1x8x128xf32, #tpu.memory_space<hbm>> -> memref<8x128xf32, #tpu.memory_space<hbm>>
      %dma_start3A_1205 = arith.constant 0 : i32
      %dma_start3A_1206 = arith.constant 0 : i32
      %dma_start3A_1207 = tpu.memref_slice %arg6[%dma_start3A_1196, %dma_start3A_1197, %dma_start3A_1205, %dma_start3A_1206] : memref<16x4x8x128xf32, #tpu.memory_space<vmem>> -> memref<1x1x8x128xf32, #tpu.memory_space<vmem>>
      %dma_start3A_1208 = tpu.memref_squeeze %dma_start3A_1207 : memref<1x1x8x128xf32, #tpu.memory_space<vmem>> -> memref<8x128xf32, #tpu.memory_space<vmem>>
      %dma_start3A_1209 = arith.constant 0 : i32
      %dma_start3A_1210 = tpu.memref_slice %arg2[%dma_start3A_1195, %dma_start3A_1209, %multiple_of3A_1194] : memref<4x8x1000001xf32, #tpu.memory_space<hbm>> -> memref<1x8x128xf32, #tpu.memory_space<hbm>>
      %dma_start3A_1211 = tpu.memref_squeeze %dma_start3A_1210 : memref<1x8x128xf32, #tpu.memory_space<hbm>> -> memref<8x128xf32, #tpu.memory_space<hbm>>
      tpu.enqueue_dma source(%dma_start3A_1211 : memref<8x128xf32, #tpu.memory_space<hbm>>) target(%dma_start3A_1208 : memref<8x128xf32, #tpu.memory_space<vmem>>) target_semaphore(%arg8 : memref<!tpu.dma_semaphore, #tpu.memory_space<semaphore_mem>>)
      %slice3A_1212 = vector.extract_strided_slice %and3A_15 {offsets = [15], sizes = [1], strides = [1]} : vector<16xi32> to vector<1xi32>
      %squeeze3A_1213 = vector.extract %slice3A_1212[0] : i32 from vector<1xi32>
      %multiple_of3A_1214 = tpu.assume_multiple %squeeze3A_1213, 128 : i32
      %dma_start3A_1215 = arith.constant 0 : i32
      %dma_start3A_1216 = arith.constant 15 : i32
      %dma_start3A_1217 = arith.constant 0 : i32
      %dma_start3A_1218 = arith.constant 0 : i32
      %dma_start3A_1219 = arith.constant 0 : i32
      %dma_start3A_1220 = tpu.memref_slice %arg6[%dma_start3A_1216, %dma_start3A_1217, %dma_start3A_1218, %dma_start3A_1219] : memref<16x4x8x128xf32, #tpu.memory_space<vmem>> -> memref<1x1x8x128xf32, #tpu.memory_space<vmem>>
      %dma_start3A_1221 = tpu.memref_squeeze %dma_start3A_1220 : memref<1x1x8x128xf32, #tpu.memory_space<vmem>> -> memref<8x128xf32, #tpu.memory_space<vmem>>
      %dma_start3A_1222 = arith.constant 0 : i32
      %dma_start3A_1223 = tpu.memref_slice %arg2[%dma_start3A_1215, %dma_start3A_1222, %multiple_of3A_1214] : memref<4x8x1000001xf32, #tpu.memory_space<hbm>> -> memref<1x8x128xf32, #tpu.memory_space<hbm>>
      %dma_start3A_1224 = tpu.memref_squeeze %dma_start3A_1223 : memref<1x8x128xf32, #tpu.memory_space<hbm>> -> memref<8x128xf32, #tpu.memory_space<hbm>>
      %dma_start3A_1225 = arith.constant 0 : i32
      %dma_start3A_1226 = arith.constant 0 : i32
      %dma_start3A_1227 = tpu.memref_slice %arg6[%dma_start3A_1216, %dma_start3A_1217, %dma_start3A_1225, %dma_start3A_1226] : memref<16x4x8x128xf32, #tpu.memory_space<vmem>> -> memref<1x1x8x128xf32, #tpu.memory_space<vmem>>
      %dma_start3A_1228 = tpu.memref_squeeze %dma_start3A_1227 : memref<1x1x8x128xf32, #tpu.memory_space<vmem>> -> memref<8x128xf32, #tpu.memory_space<vmem>>
      %dma_start3A_1229 = arith.constant 0 : i32
      %dma_start3A_1230 = tpu.memref_slice %arg2[%dma_start3A_1215, %dma_start3A_1229, %multiple_of3A_1214] : memref<4x8x1000001xf32, #tpu.memory_space<hbm>> -> memref<1x8x128xf32, #tpu.memory_space<hbm>>
      %dma_start3A_1231 = tpu.memref_squeeze %dma_start3A_1230 : memref<1x8x128xf32, #tpu.memory_space<hbm>> -> memref<8x128xf32, #tpu.memory_space<hbm>>
      tpu.enqueue_dma source(%dma_start3A_1231 : memref<8x128xf32, #tpu.memory_space<hbm>>) target(%dma_start3A_1228 : memref<8x128xf32, #tpu.memory_space<vmem>>) target_semaphore(%arg8 : memref<!tpu.dma_semaphore, #tpu.memory_space<semaphore_mem>>)
      %slice3A_1232 = vector.extract_strided_slice %and3A_15 {offsets = [15], sizes = [1], strides = [1]} : vector<16xi32> to vector<1xi32>
      %squeeze3A_1233 = vector.extract %slice3A_1232[0] : i32 from vector<1xi32>
      %multiple_of3A_1234 = tpu.assume_multiple %squeeze3A_1233, 128 : i32
      %dma_start3A_1235 = arith.constant 1 : i32
      %dma_start3A_1236 = arith.constant 15 : i32
      %dma_start3A_1237 = arith.constant 1 : i32
      %dma_start3A_1238 = arith.constant 0 : i32
      %dma_start3A_1239 = arith.constant 0 : i32
      %dma_start3A_1240 = tpu.memref_slice %arg6[%dma_start3A_1236, %dma_start3A_1237, %dma_start3A_1238, %dma_start3A_1239] : memref<16x4x8x128xf32, #tpu.memory_space<vmem>> -> memref<1x1x8x128xf32, #tpu.memory_space<vmem>>
      %dma_start3A_1241 = tpu.memref_squeeze %dma_start3A_1240 : memref<1x1x8x128xf32, #tpu.memory_space<vmem>> -> memref<8x128xf32, #tpu.memory_space<vmem>>
      %dma_start3A_1242 = arith.constant 0 : i32
      %dma_start3A_1243 = tpu.memref_slice %arg2[%dma_start3A_1235, %dma_start3A_1242, %multiple_of3A_1234] : memref<4x8x1000001xf32, #tpu.memory_space<hbm>> -> memref<1x8x128xf32, #tpu.memory_space<hbm>>
      %dma_start3A_1244 = tpu.memref_squeeze %dma_start3A_1243 : memref<1x8x128xf32, #tpu.memory_space<hbm>> -> memref<8x128xf32, #tpu.memory_space<hbm>>
      %dma_start3A_1245 = arith.constant 0 : i32
      %dma_start3A_1246 = arith.constant 0 : i32
      %dma_start3A_1247 = tpu.memref_slice %arg6[%dma_start3A_1236, %dma_start3A_1237, %dma_start3A_1245, %dma_start3A_1246] : memref<16x4x8x128xf32, #tpu.memory_space<vmem>> -> memref<1x1x8x128xf32, #tpu.memory_space<vmem>>
      %dma_start3A_1248 = tpu.memref_squeeze %dma_start3A_1247 : memref<1x1x8x128xf32, #tpu.memory_space<vmem>> -> memref<8x128xf32, #tpu.memory_space<vmem>>
      %dma_start3A_1249 = arith.constant 0 : i32
      %dma_start3A_1250 = tpu.memref_slice %arg2[%dma_start3A_1235, %dma_start3A_1249, %multiple_of3A_1234] : memref<4x8x1000001xf32, #tpu.memory_space<hbm>> -> memref<1x8x128xf32, #tpu.memory_space<hbm>>
      %dma_start3A_1251 = tpu.memref_squeeze %dma_start3A_1250 : memref<1x8x128xf32, #tpu.memory_space<hbm>> -> memref<8x128xf32, #tpu.memory_space<hbm>>
      tpu.enqueue_dma source(%dma_start3A_1251 : memref<8x128xf32, #tpu.memory_space<hbm>>) target(%dma_start3A_1248 : memref<8x128xf32, #tpu.memory_space<vmem>>) target_semaphore(%arg8 : memref<!tpu.dma_semaphore, #tpu.memory_space<semaphore_mem>>)
      %slice3A_1252 = vector.extract_strided_slice %and3A_15 {offsets = [15], sizes = [1], strides = [1]} : vector<16xi32> to vector<1xi32>
      %squeeze3A_1253 = vector.extract %slice3A_1252[0] : i32 from vector<1xi32>
      %multiple_of3A_1254 = tpu.assume_multiple %squeeze3A_1253, 128 : i32
      %dma_start3A_1255 = arith.constant 2 : i32
      %dma_start3A_1256 = arith.constant 15 : i32
      %dma_start3A_1257 = arith.constant 2 : i32
      %dma_start3A_1258 = arith.constant 0 : i32
      %dma_start3A_1259 = arith.constant 0 : i32
      %dma_start3A_1260 = tpu.memref_slice %arg6[%dma_start3A_1256, %dma_start3A_1257, %dma_start3A_1258, %dma_start3A_1259] : memref<16x4x8x128xf32, #tpu.memory_space<vmem>> -> memref<1x1x8x128xf32, #tpu.memory_space<vmem>>
      %dma_start3A_1261 = tpu.memref_squeeze %dma_start3A_1260 : memref<1x1x8x128xf32, #tpu.memory_space<vmem>> -> memref<8x128xf32, #tpu.memory_space<vmem>>
      %dma_start3A_1262 = arith.constant 0 : i32
      %dma_start3A_1263 = tpu.memref_slice %arg2[%dma_start3A_1255, %dma_start3A_1262, %multiple_of3A_1254] : memref<4x8x1000001xf32, #tpu.memory_space<hbm>> -> memref<1x8x128xf32, #tpu.memory_space<hbm>>
      %dma_start3A_1264 = tpu.memref_squeeze %dma_start3A_1263 : memref<1x8x128xf32, #tpu.memory_space<hbm>> -> memref<8x128xf32, #tpu.memory_space<hbm>>
      %dma_start3A_1265 = arith.constant 0 : i32
      %dma_start3A_1266 = arith.constant 0 : i32
      %dma_start3A_1267 = tpu.memref_slice %arg6[%dma_start3A_1256, %dma_start3A_1257, %dma_start3A_1265, %dma_start3A_1266] : memref<16x4x8x128xf32, #tpu.memory_space<vmem>> -> memref<1x1x8x128xf32, #tpu.memory_space<vmem>>
      %dma_start3A_1268 = tpu.memref_squeeze %dma_start3A_1267 : memref<1x1x8x128xf32, #tpu.memory_space<vmem>> -> memref<8x128xf32, #tpu.memory_space<vmem>>
      %dma_start3A_1269 = arith.constant 0 : i32
      %dma_start3A_1270 = tpu.memref_slice %arg2[%dma_start3A_1255, %dma_start3A_1269, %multiple_of3A_1254] : memref<4x8x1000001xf32, #tpu.memory_space<hbm>> -> memref<1x8x128xf32, #tpu.memory_space<hbm>>
      %dma_start3A_1271 = tpu.memref_squeeze %dma_start3A_1270 : memref<1x8x128xf32, #tpu.memory_space<hbm>> -> memref<8x128xf32, #tpu.memory_space<hbm>>
      tpu.enqueue_dma source(%dma_start3A_1271 : memref<8x128xf32, #tpu.memory_space<hbm>>) target(%dma_start3A_1268 : memref<8x128xf32, #tpu.memory_space<vmem>>) target_semaphore(%arg8 : memref<!tpu.dma_semaphore, #tpu.memory_space<semaphore_mem>>)
      %slice3A_1272 = vector.extract_strided_slice %and3A_15 {offsets = [15], sizes = [1], strides = [1]} : vector<16xi32> to vector<1xi32>
      %squeeze3A_1273 = vector.extract %slice3A_1272[0] : i32 from vector<1xi32>
      %multiple_of3A_1274 = tpu.assume_multiple %squeeze3A_1273, 128 : i32
      %dma_start3A_1275 = arith.constant 3 : i32
      %dma_start3A_1276 = arith.constant 15 : i32
      %dma_start3A_1277 = arith.constant 3 : i32
      %dma_start3A_1278 = arith.constant 0 : i32
      %dma_start3A_1279 = arith.constant 0 : i32
      %dma_start3A_1280 = tpu.memref_slice %arg6[%dma_start3A_1276, %dma_start3A_1277, %dma_start3A_1278, %dma_start3A_1279] : memref<16x4x8x128xf32, #tpu.memory_space<vmem>> -> memref<1x1x8x128xf32, #tpu.memory_space<vmem>>
      %dma_start3A_1281 = tpu.memref_squeeze %dma_start3A_1280 : memref<1x1x8x128xf32, #tpu.memory_space<vmem>> -> memref<8x128xf32, #tpu.memory_space<vmem>>
      %dma_start3A_1282 = arith.constant 0 : i32
      %dma_start3A_1283 = tpu.memref_slice %arg2[%dma_start3A_1275, %dma_start3A_1282, %multiple_of3A_1274] : memref<4x8x1000001xf32, #tpu.memory_space<hbm>> -> memref<1x8x128xf32, #tpu.memory_space<hbm>>
      %dma_start3A_1284 = tpu.memref_squeeze %dma_start3A_1283 : memref<1x8x128xf32, #tpu.memory_space<hbm>> -> memref<8x128xf32, #tpu.memory_space<hbm>>
      %dma_start3A_1285 = arith.constant 0 : i32
      %dma_start3A_1286 = arith.constant 0 : i32
      %dma_start3A_1287 = tpu.memref_slice %arg6[%dma_start3A_1276, %dma_start3A_1277, %dma_start3A_1285, %dma_start3A_1286] : memref<16x4x8x128xf32, #tpu.memory_space<vmem>> -> memref<1x1x8x128xf32, #tpu.memory_space<vmem>>
      %dma_start3A_1288 = tpu.memref_squeeze %dma_start3A_1287 : memref<1x1x8x128xf32, #tpu.memory_space<vmem>> -> memref<8x128xf32, #tpu.memory_space<vmem>>
      %dma_start3A_1289 = arith.constant 0 : i32
      %dma_start3A_1290 = tpu.memref_slice %arg2[%dma_start3A_1275, %dma_start3A_1289, %multiple_of3A_1274] : memref<4x8x1000001xf32, #tpu.memory_space<hbm>> -> memref<1x8x128xf32, #tpu.memory_space<hbm>>
      %dma_start3A_1291 = tpu.memref_squeeze %dma_start3A_1290 : memref<1x8x128xf32, #tpu.memory_space<hbm>> -> memref<8x128xf32, #tpu.memory_space<hbm>>
      tpu.enqueue_dma source(%dma_start3A_1291 : memref<8x128xf32, #tpu.memory_space<hbm>>) target(%dma_start3A_1288 : memref<8x128xf32, #tpu.memory_space<vmem>>) target_semaphore(%arg8 : memref<!tpu.dma_semaphore, #tpu.memory_space<semaphore_mem>>)
      %dma_wait3A = arith.constant 0 : i32
      %dma_wait3A_1292 = arith.constant 0 : i32
      %dma_wait3A_1293 = arith.constant 0 : i32
      %dma_wait3A_1294 = arith.constant 0 : i32
      %dma_wait3A_1295 = tpu.memref_slice %arg6[%dma_wait3A, %dma_wait3A_1292, %dma_wait3A_1293, %dma_wait3A_1294] : memref<16x4x8x128xf32, #tpu.memory_space<vmem>> -> memref<1x4x8x128xf32, #tpu.memory_space<vmem>>
      %dma_wait3A_1296 = tpu.memref_squeeze %dma_wait3A_1295 : memref<1x4x8x128xf32, #tpu.memory_space<vmem>> -> memref<4x8x128xf32, #tpu.memory_space<vmem>>
      %dma_wait3A_1297 = arith.constant 0 : i32
      %dma_wait3A_1298 = arith.constant 0 : i32
      %dma_wait3A_1299 = arith.constant 0 : i32
      %dma_wait3A_1300 = tpu.memref_slice %arg2[%dma_wait3A_1297, %dma_wait3A_1298, %dma_wait3A_1299] : memref<4x8x1000001xf32, #tpu.memory_space<hbm>> -> memref<4x8x128xf32, #tpu.memory_space<hbm>>
      %dma_wait3A_1301 = arith.constant 0 : i32
      %dma_wait3A_1302 = arith.constant 0 : i32
      %dma_wait3A_1303 = arith.constant 0 : i32
      %dma_wait3A_1304 = tpu.memref_slice %arg6[%dma_wait3A, %dma_wait3A_1301, %dma_wait3A_1302, %dma_wait3A_1303] : memref<16x4x8x128xf32, #tpu.memory_space<vmem>> -> memref<1x4x8x128xf32, #tpu.memory_space<vmem>>
      %dma_wait3A_1305 = tpu.memref_squeeze %dma_wait3A_1304 : memref<1x4x8x128xf32, #tpu.memory_space<vmem>> -> memref<4x8x128xf32, #tpu.memory_space<vmem>>
      %dma_wait3A_1306 = arith.constant 0 : i32
      %dma_wait3A_1307 = arith.constant 0 : i32
      %dma_wait3A_1308 = arith.constant 0 : i32
      %dma_wait3A_1309 = tpu.memref_slice %arg2[%dma_wait3A_1306, %dma_wait3A_1307, %dma_wait3A_1308] : memref<4x8x1000001xf32, #tpu.memory_space<hbm>> -> memref<4x8x128xf32, #tpu.memory_space<hbm>>
      tpu.wait_dma2 semaphore(%arg8 : memref<!tpu.dma_semaphore, #tpu.memory_space<semaphore_mem>>) src(%dma_wait3A_1309 : memref<4x8x128xf32, #tpu.memory_space<hbm>>) dst(%dma_wait3A_1305 : memref<4x8x128xf32, #tpu.memory_space<vmem>>)
      %dma_wait3A_1310 = arith.constant 1 : i32
      %dma_wait3A_1311 = arith.constant 0 : i32
      %dma_wait3A_1312 = arith.constant 0 : i32
      %dma_wait3A_1313 = arith.constant 0 : i32
      %dma_wait3A_1314 = tpu.memref_slice %arg6[%dma_wait3A_1310, %dma_wait3A_1311, %dma_wait3A_1312, %dma_wait3A_1313] : memref<16x4x8x128xf32, #tpu.memory_space<vmem>> -> memref<1x4x8x128xf32, #tpu.memory_space<vmem>>
      %dma_wait3A_1315 = tpu.memref_squeeze %dma_wait3A_1314 : memref<1x4x8x128xf32, #tpu.memory_space<vmem>> -> memref<4x8x128xf32, #tpu.memory_space<vmem>>
      %dma_wait3A_1316 = arith.constant 0 : i32
      %dma_wait3A_1317 = arith.constant 0 : i32
      %dma_wait3A_1318 = arith.constant 0 : i32
      %dma_wait3A_1319 = tpu.memref_slice %arg2[%dma_wait3A_1316, %dma_wait3A_1317, %dma_wait3A_1318] : memref<4x8x1000001xf32, #tpu.memory_space<hbm>> -> memref<4x8x128xf32, #tpu.memory_space<hbm>>
      %dma_wait3A_1320 = arith.constant 0 : i32
      %dma_wait3A_1321 = arith.constant 0 : i32
      %dma_wait3A_1322 = arith.constant 0 : i32
      %dma_wait3A_1323 = tpu.memref_slice %arg6[%dma_wait3A_1310, %dma_wait3A_1320, %dma_wait3A_1321, %dma_wait3A_1322] : memref<16x4x8x128xf32, #tpu.memory_space<vmem>> -> memref<1x4x8x128xf32, #tpu.memory_space<vmem>>
      %dma_wait3A_1324 = tpu.memref_squeeze %dma_wait3A_1323 : memref<1x4x8x128xf32, #tpu.memory_space<vmem>> -> memref<4x8x128xf32, #tpu.memory_space<vmem>>
      %dma_wait3A_1325 = arith.constant 0 : i32
      %dma_wait3A_1326 = arith.constant 0 : i32
      %dma_wait3A_1327 = arith.constant 0 : i32
      %dma_wait3A_1328 = tpu.memref_slice %arg2[%dma_wait3A_1325, %dma_wait3A_1326, %dma_wait3A_1327] : memref<4x8x1000001xf32, #tpu.memory_space<hbm>> -> memref<4x8x128xf32, #tpu.memory_space<hbm>>
      tpu.wait_dma2 semaphore(%arg8 : memref<!tpu.dma_semaphore, #tpu.memory_space<semaphore_mem>>) src(%dma_wait3A_1328 : memref<4x8x128xf32, #tpu.memory_space<hbm>>) dst(%dma_wait3A_1324 : memref<4x8x128xf32, #tpu.memory_space<vmem>>)
      %dma_wait3A_1329 = arith.constant 2 : i32
      %dma_wait3A_1330 = arith.constant 0 : i32
      %dma_wait3A_1331 = arith.constant 0 : i32
      %dma_wait3A_1332 = arith.constant 0 : i32
      %dma_wait3A_1333 = tpu.memref_slice %arg6[%dma_wait3A_1329, %dma_wait3A_1330, %dma_wait3A_1331, %dma_wait3A_1332] : memref<16x4x8x128xf32, #tpu.memory_space<vmem>> -> memref<1x4x8x128xf32, #tpu.memory_space<vmem>>
      %dma_wait3A_1334 = tpu.memref_squeeze %dma_wait3A_1333 : memref<1x4x8x128xf32, #tpu.memory_space<vmem>> -> memref<4x8x128xf32, #tpu.memory_space<vmem>>
      %dma_wait3A_1335 = arith.constant 0 : i32
      %dma_wait3A_1336 = arith.constant 0 : i32
      %dma_wait3A_1337 = arith.constant 0 : i32
      %dma_wait3A_1338 = tpu.memref_slice %arg2[%dma_wait3A_1335, %dma_wait3A_1336, %dma_wait3A_1337] : memref<4x8x1000001xf32, #tpu.memory_space<hbm>> -> memref<4x8x128xf32, #tpu.memory_space<hbm>>
      %dma_wait3A_1339 = arith.constant 0 : i32
      %dma_wait3A_1340 = arith.constant 0 : i32
      %dma_wait3A_1341 = arith.constant 0 : i32
      %dma_wait3A_1342 = tpu.memref_slice %arg6[%dma_wait3A_1329, %dma_wait3A_1339, %dma_wait3A_1340, %dma_wait3A_1341] : memref<16x4x8x128xf32, #tpu.memory_space<vmem>> -> memref<1x4x8x128xf32, #tpu.memory_space<vmem>>
      %dma_wait3A_1343 = tpu.memref_squeeze %dma_wait3A_1342 : memref<1x4x8x128xf32, #tpu.memory_space<vmem>> -> memref<4x8x128xf32, #tpu.memory_space<vmem>>
      %dma_wait3A_1344 = arith.constant 0 : i32
      %dma_wait3A_1345 = arith.constant 0 : i32
      %dma_wait3A_1346 = arith.constant 0 : i32
      %dma_wait3A_1347 = tpu.memref_slice %arg2[%dma_wait3A_1344, %dma_wait3A_1345, %dma_wait3A_1346] : memref<4x8x1000001xf32, #tpu.memory_space<hbm>> -> memref<4x8x128xf32, #tpu.memory_space<hbm>>
      tpu.wait_dma2 semaphore(%arg8 : memref<!tpu.dma_semaphore, #tpu.memory_space<semaphore_mem>>) src(%dma_wait3A_1347 : memref<4x8x128xf32, #tpu.memory_space<hbm>>) dst(%dma_wait3A_1343 : memref<4x8x128xf32, #tpu.memory_space<vmem>>)
      %dma_wait3A_1348 = arith.constant 3 : i32
      %dma_wait3A_1349 = arith.constant 0 : i32
      %dma_wait3A_1350 = arith.constant 0 : i32
      %dma_wait3A_1351 = arith.constant 0 : i32
      %dma_wait3A_1352 = tpu.memref_slice %arg6[%dma_wait3A_1348, %dma_wait3A_1349, %dma_wait3A_1350, %dma_wait3A_1351] : memref<16x4x8x128xf32, #tpu.memory_space<vmem>> -> memref<1x4x8x128xf32, #tpu.memory_space<vmem>>
      %dma_wait3A_1353 = tpu.memref_squeeze %dma_wait3A_1352 : memref<1x4x8x128xf32, #tpu.memory_space<vmem>> -> memref<4x8x128xf32, #tpu.memory_space<vmem>>
      %dma_wait3A_1354 = arith.constant 0 : i32
      %dma_wait3A_1355 = arith.constant 0 : i32
      %dma_wait3A_1356 = arith.constant 0 : i32
      %dma_wait3A_1357 = tpu.memref_slice %arg2[%dma_wait3A_1354, %dma_wait3A_1355, %dma_wait3A_1356] : memref<4x8x1000001xf32, #tpu.memory_space<hbm>> -> memref<4x8x128xf32, #tpu.memory_space<hbm>>
      %dma_wait3A_1358 = arith.constant 0 : i32
      %dma_wait3A_1359 = arith.constant 0 : i32
      %dma_wait3A_1360 = arith.constant 0 : i32
      %dma_wait3A_1361 = tpu.memref_slice %arg6[%dma_wait3A_1348, %dma_wait3A_1358, %dma_wait3A_1359, %dma_wait3A_1360] : memref<16x4x8x128xf32, #tpu.memory_space<vmem>> -> memref<1x4x8x128xf32, #tpu.memory_space<vmem>>
      %dma_wait3A_1362 = tpu.memref_squeeze %dma_wait3A_1361 : memref<1x4x8x128xf32, #tpu.memory_space<vmem>> -> memref<4x8x128xf32, #tpu.memory_space<vmem>>
      %dma_wait3A_1363 = arith.constant 0 : i32
      %dma_wait3A_1364 = arith.constant 0 : i32
      %dma_wait3A_1365 = arith.constant 0 : i32
      %dma_wait3A_1366 = tpu.memref_slice %arg2[%dma_wait3A_1363, %dma_wait3A_1364, %dma_wait3A_1365] : memref<4x8x1000001xf32, #tpu.memory_space<hbm>> -> memref<4x8x128xf32, #tpu.memory_space<hbm>>
      tpu.wait_dma2 semaphore(%arg8 : memref<!tpu.dma_semaphore, #tpu.memory_space<semaphore_mem>>) src(%dma_wait3A_1366 : memref<4x8x128xf32, #tpu.memory_space<hbm>>) dst(%dma_wait3A_1362 : memref<4x8x128xf32, #tpu.memory_space<vmem>>)
      %dma_wait3A_1367 = arith.constant 4 : i32
      %dma_wait3A_1368 = arith.constant 0 : i32
      %dma_wait3A_1369 = arith.constant 0 : i32
      %dma_wait3A_1370 = arith.constant 0 : i32
      %dma_wait3A_1371 = tpu.memref_slice %arg6[%dma_wait3A_1367, %dma_wait3A_1368, %dma_wait3A_1369, %dma_wait3A_1370] : memref<16x4x8x128xf32, #tpu.memory_space<vmem>> -> memref<1x4x8x128xf32, #tpu.memory_space<vmem>>
      %dma_wait3A_1372 = tpu.memref_squeeze %dma_wait3A_1371 : memref<1x4x8x128xf32, #tpu.memory_space<vmem>> -> memref<4x8x128xf32, #tpu.memory_space<vmem>>
      %dma_wait3A_1373 = arith.constant 0 : i32
      %dma_wait3A_1374 = arith.constant 0 : i32
      %dma_wait3A_1375 = arith.constant 0 : i32
      %dma_wait3A_1376 = tpu.memref_slice %arg2[%dma_wait3A_1373, %dma_wait3A_1374, %dma_wait3A_1375] : memref<4x8x1000001xf32, #tpu.memory_space<hbm>> -> memref<4x8x128xf32, #tpu.memory_space<hbm>>
      %dma_wait3A_1377 = arith.constant 0 : i32
      %dma_wait3A_1378 = arith.constant 0 : i32
      %dma_wait3A_1379 = arith.constant 0 : i32
      %dma_wait3A_1380 = tpu.memref_slice %arg6[%dma_wait3A_1367, %dma_wait3A_1377, %dma_wait3A_1378, %dma_wait3A_1379] : memref<16x4x8x128xf32, #tpu.memory_space<vmem>> -> memref<1x4x8x128xf32, #tpu.memory_space<vmem>>
      %dma_wait3A_1381 = tpu.memref_squeeze %dma_wait3A_1380 : memref<1x4x8x128xf32, #tpu.memory_space<vmem>> -> memref<4x8x128xf32, #tpu.memory_space<vmem>>
      %dma_wait3A_1382 = arith.constant 0 : i32
      %dma_wait3A_1383 = arith.constant 0 : i32
      %dma_wait3A_1384 = arith.constant 0 : i32
      %dma_wait3A_1385 = tpu.memref_slice %arg2[%dma_wait3A_1382, %dma_wait3A_1383, %dma_wait3A_1384] : memref<4x8x1000001xf32, #tpu.memory_space<hbm>> -> memref<4x8x128xf32, #tpu.memory_space<hbm>>
      tpu.wait_dma2 semaphore(%arg8 : memref<!tpu.dma_semaphore, #tpu.memory_space<semaphore_mem>>) src(%dma_wait3A_1385 : memref<4x8x128xf32, #tpu.memory_space<hbm>>) dst(%dma_wait3A_1381 : memref<4x8x128xf32, #tpu.memory_space<vmem>>)
      %dma_wait3A_1386 = arith.constant 5 : i32
      %dma_wait3A_1387 = arith.constant 0 : i32
      %dma_wait3A_1388 = arith.constant 0 : i32
      %dma_wait3A_1389 = arith.constant 0 : i32
      %dma_wait3A_1390 = tpu.memref_slice %arg6[%dma_wait3A_1386, %dma_wait3A_1387, %dma_wait3A_1388, %dma_wait3A_1389] : memref<16x4x8x128xf32, #tpu.memory_space<vmem>> -> memref<1x4x8x128xf32, #tpu.memory_space<vmem>>
      %dma_wait3A_1391 = tpu.memref_squeeze %dma_wait3A_1390 : memref<1x4x8x128xf32, #tpu.memory_space<vmem>> -> memref<4x8x128xf32, #tpu.memory_space<vmem>>
      %dma_wait3A_1392 = arith.constant 0 : i32
      %dma_wait3A_1393 = arith.constant 0 : i32
      %dma_wait3A_1394 = arith.constant 0 : i32
      %dma_wait3A_1395 = tpu.memref_slice %arg2[%dma_wait3A_1392, %dma_wait3A_1393, %dma_wait3A_1394] : memref<4x8x1000001xf32, #tpu.memory_space<hbm>> -> memref<4x8x128xf32, #tpu.memory_space<hbm>>
      %dma_wait3A_1396 = arith.constant 0 : i32
      %dma_wait3A_1397 = arith.constant 0 : i32
      %dma_wait3A_1398 = arith.constant 0 : i32
      %dma_wait3A_1399 = tpu.memref_slice %arg6[%dma_wait3A_1386, %dma_wait3A_1396, %dma_wait3A_1397, %dma_wait3A_1398] : memref<16x4x8x128xf32, #tpu.memory_space<vmem>> -> memref<1x4x8x128xf32, #tpu.memory_space<vmem>>
      %dma_wait3A_1400 = tpu.memref_squeeze %dma_wait3A_1399 : memref<1x4x8x128xf32, #tpu.memory_space<vmem>> -> memref<4x8x128xf32, #tpu.memory_space<vmem>>
      %dma_wait3A_1401 = arith.constant 0 : i32
      %dma_wait3A_1402 = arith.constant 0 : i32
      %dma_wait3A_1403 = arith.constant 0 : i32
      %dma_wait3A_1404 = tpu.memref_slice %arg2[%dma_wait3A_1401, %dma_wait3A_1402, %dma_wait3A_1403] : memref<4x8x1000001xf32, #tpu.memory_space<hbm>> -> memref<4x8x128xf32, #tpu.memory_space<hbm>>
      tpu.wait_dma2 semaphore(%arg8 : memref<!tpu.dma_semaphore, #tpu.memory_space<semaphore_mem>>) src(%dma_wait3A_1404 : memref<4x8x128xf32, #tpu.memory_space<hbm>>) dst(%dma_wait3A_1400 : memref<4x8x128xf32, #tpu.memory_space<vmem>>)
      %dma_wait3A_1405 = arith.constant 6 : i32
      %dma_wait3A_1406 = arith.constant 0 : i32
      %dma_wait3A_1407 = arith.constant 0 : i32
      %dma_wait3A_1408 = arith.constant 0 : i32
      %dma_wait3A_1409 = tpu.memref_slice %arg6[%dma_wait3A_1405, %dma_wait3A_1406, %dma_wait3A_1407, %dma_wait3A_1408] : memref<16x4x8x128xf32, #tpu.memory_space<vmem>> -> memref<1x4x8x128xf32, #tpu.memory_space<vmem>>
      %dma_wait3A_1410 = tpu.memref_squeeze %dma_wait3A_1409 : memref<1x4x8x128xf32, #tpu.memory_space<vmem>> -> memref<4x8x128xf32, #tpu.memory_space<vmem>>
      %dma_wait3A_1411 = arith.constant 0 : i32
      %dma_wait3A_1412 = arith.constant 0 : i32
      %dma_wait3A_1413 = arith.constant 0 : i32
      %dma_wait3A_1414 = tpu.memref_slice %arg2[%dma_wait3A_1411, %dma_wait3A_1412, %dma_wait3A_1413] : memref<4x8x1000001xf32, #tpu.memory_space<hbm>> -> memref<4x8x128xf32, #tpu.memory_space<hbm>>
      %dma_wait3A_1415 = arith.constant 0 : i32
      %dma_wait3A_1416 = arith.constant 0 : i32
      %dma_wait3A_1417 = arith.constant 0 : i32
      %dma_wait3A_1418 = tpu.memref_slice %arg6[%dma_wait3A_1405, %dma_wait3A_1415, %dma_wait3A_1416, %dma_wait3A_1417] : memref<16x4x8x128xf32, #tpu.memory_space<vmem>> -> memref<1x4x8x128xf32, #tpu.memory_space<vmem>>
      %dma_wait3A_1419 = tpu.memref_squeeze %dma_wait3A_1418 : memref<1x4x8x128xf32, #tpu.memory_space<vmem>> -> memref<4x8x128xf32, #tpu.memory_space<vmem>>
      %dma_wait3A_1420 = arith.constant 0 : i32
      %dma_wait3A_1421 = arith.constant 0 : i32
      %dma_wait3A_1422 = arith.constant 0 : i32
      %dma_wait3A_1423 = tpu.memref_slice %arg2[%dma_wait3A_1420, %dma_wait3A_1421, %dma_wait3A_1422] : memref<4x8x1000001xf32, #tpu.memory_space<hbm>> -> memref<4x8x128xf32, #tpu.memory_space<hbm>>
      tpu.wait_dma2 semaphore(%arg8 : memref<!tpu.dma_semaphore, #tpu.memory_space<semaphore_mem>>) src(%dma_wait3A_1423 : memref<4x8x128xf32, #tpu.memory_space<hbm>>) dst(%dma_wait3A_1419 : memref<4x8x128xf32, #tpu.memory_space<vmem>>)
      %dma_wait3A_1424 = arith.constant 7 : i32
      %dma_wait3A_1425 = arith.constant 0 : i32
      %dma_wait3A_1426 = arith.constant 0 : i32
      %dma_wait3A_1427 = arith.constant 0 : i32
      %dma_wait3A_1428 = tpu.memref_slice %arg6[%dma_wait3A_1424, %dma_wait3A_1425, %dma_wait3A_1426, %dma_wait3A_1427] : memref<16x4x8x128xf32, #tpu.memory_space<vmem>> -> memref<1x4x8x128xf32, #tpu.memory_space<vmem>>
      %dma_wait3A_1429 = tpu.memref_squeeze %dma_wait3A_1428 : memref<1x4x8x128xf32, #tpu.memory_space<vmem>> -> memref<4x8x128xf32, #tpu.memory_space<vmem>>
      %dma_wait3A_1430 = arith.constant 0 : i32
      %dma_wait3A_1431 = arith.constant 0 : i32
      %dma_wait3A_1432 = arith.constant 0 : i32
      %dma_wait3A_1433 = tpu.memref_slice %arg2[%dma_wait3A_1430, %dma_wait3A_1431, %dma_wait3A_1432] : memref<4x8x1000001xf32, #tpu.memory_space<hbm>> -> memref<4x8x128xf32, #tpu.memory_space<hbm>>
      %dma_wait3A_1434 = arith.constant 0 : i32
      %dma_wait3A_1435 = arith.constant 0 : i32
      %dma_wait3A_1436 = arith.constant 0 : i32
      %dma_wait3A_1437 = tpu.memref_slice %arg6[%dma_wait3A_1424, %dma_wait3A_1434, %dma_wait3A_1435, %dma_wait3A_1436] : memref<16x4x8x128xf32, #tpu.memory_space<vmem>> -> memref<1x4x8x128xf32, #tpu.memory_space<vmem>>
      %dma_wait3A_1438 = tpu.memref_squeeze %dma_wait3A_1437 : memref<1x4x8x128xf32, #tpu.memory_space<vmem>> -> memref<4x8x128xf32, #tpu.memory_space<vmem>>
      %dma_wait3A_1439 = arith.constant 0 : i32
      %dma_wait3A_1440 = arith.constant 0 : i32
      %dma_wait3A_1441 = arith.constant 0 : i32
      %dma_wait3A_1442 = tpu.memref_slice %arg2[%dma_wait3A_1439, %dma_wait3A_1440, %dma_wait3A_1441] : memref<4x8x1000001xf32, #tpu.memory_space<hbm>> -> memref<4x8x128xf32, #tpu.memory_space<hbm>>
      tpu.wait_dma2 semaphore(%arg8 : memref<!tpu.dma_semaphore, #tpu.memory_space<semaphore_mem>>) src(%dma_wait3A_1442 : memref<4x8x128xf32, #tpu.memory_space<hbm>>) dst(%dma_wait3A_1438 : memref<4x8x128xf32, #tpu.memory_space<vmem>>)
      %dma_wait3A_1443 = arith.constant 8 : i32
      %dma_wait3A_1444 = arith.constant 0 : i32
      %dma_wait3A_1445 = arith.constant 0 : i32
      %dma_wait3A_1446 = arith.constant 0 : i32
      %dma_wait3A_1447 = tpu.memref_slice %arg6[%dma_wait3A_1443, %dma_wait3A_1444, %dma_wait3A_1445, %dma_wait3A_1446] : memref<16x4x8x128xf32, #tpu.memory_space<vmem>> -> memref<1x4x8x128xf32, #tpu.memory_space<vmem>>
      %dma_wait3A_1448 = tpu.memref_squeeze %dma_wait3A_1447 : memref<1x4x8x128xf32, #tpu.memory_space<vmem>> -> memref<4x8x128xf32, #tpu.memory_space<vmem>>
      %dma_wait3A_1449 = arith.constant 0 : i32
      %dma_wait3A_1450 = arith.constant 0 : i32
      %dma_wait3A_1451 = arith.constant 0 : i32
      %dma_wait3A_1452 = tpu.memref_slice %arg2[%dma_wait3A_1449, %dma_wait3A_1450, %dma_wait3A_1451] : memref<4x8x1000001xf32, #tpu.memory_space<hbm>> -> memref<4x8x128xf32, #tpu.memory_space<hbm>>
      %dma_wait3A_1453 = arith.constant 0 : i32
      %dma_wait3A_1454 = arith.constant 0 : i32
      %dma_wait3A_1455 = arith.constant 0 : i32
      %dma_wait3A_1456 = tpu.memref_slice %arg6[%dma_wait3A_1443, %dma_wait3A_1453, %dma_wait3A_1454, %dma_wait3A_1455] : memref<16x4x8x128xf32, #tpu.memory_space<vmem>> -> memref<1x4x8x128xf32, #tpu.memory_space<vmem>>
      %dma_wait3A_1457 = tpu.memref_squeeze %dma_wait3A_1456 : memref<1x4x8x128xf32, #tpu.memory_space<vmem>> -> memref<4x8x128xf32, #tpu.memory_space<vmem>>
      %dma_wait3A_1458 = arith.constant 0 : i32
      %dma_wait3A_1459 = arith.constant 0 : i32
      %dma_wait3A_1460 = arith.constant 0 : i32
      %dma_wait3A_1461 = tpu.memref_slice %arg2[%dma_wait3A_1458, %dma_wait3A_1459, %dma_wait3A_1460] : memref<4x8x1000001xf32, #tpu.memory_space<hbm>> -> memref<4x8x128xf32, #tpu.memory_space<hbm>>
      tpu.wait_dma2 semaphore(%arg8 : memref<!tpu.dma_semaphore, #tpu.memory_space<semaphore_mem>>) src(%dma_wait3A_1461 : memref<4x8x128xf32, #tpu.memory_space<hbm>>) dst(%dma_wait3A_1457 : memref<4x8x128xf32, #tpu.memory_space<vmem>>)
      %dma_wait3A_1462 = arith.constant 9 : i32
      %dma_wait3A_1463 = arith.constant 0 : i32
      %dma_wait3A_1464 = arith.constant 0 : i32
      %dma_wait3A_1465 = arith.constant 0 : i32
      %dma_wait3A_1466 = tpu.memref_slice %arg6[%dma_wait3A_1462, %dma_wait3A_1463, %dma_wait3A_1464, %dma_wait3A_1465] : memref<16x4x8x128xf32, #tpu.memory_space<vmem>> -> memref<1x4x8x128xf32, #tpu.memory_space<vmem>>
      %dma_wait3A_1467 = tpu.memref_squeeze %dma_wait3A_1466 : memref<1x4x8x128xf32, #tpu.memory_space<vmem>> -> memref<4x8x128xf32, #tpu.memory_space<vmem>>
      %dma_wait3A_1468 = arith.constant 0 : i32
      %dma_wait3A_1469 = arith.constant 0 : i32
      %dma_wait3A_1470 = arith.constant 0 : i32
      %dma_wait3A_1471 = tpu.memref_slice %arg2[%dma_wait3A_1468, %dma_wait3A_1469, %dma_wait3A_1470] : memref<4x8x1000001xf32, #tpu.memory_space<hbm>> -> memref<4x8x128xf32, #tpu.memory_space<hbm>>
      %dma_wait3A_1472 = arith.constant 0 : i32
      %dma_wait3A_1473 = arith.constant 0 : i32
      %dma_wait3A_1474 = arith.constant 0 : i32
      %dma_wait3A_1475 = tpu.memref_slice %arg6[%dma_wait3A_1462, %dma_wait3A_1472, %dma_wait3A_1473, %dma_wait3A_1474] : memref<16x4x8x128xf32, #tpu.memory_space<vmem>> -> memref<1x4x8x128xf32, #tpu.memory_space<vmem>>
      %dma_wait3A_1476 = tpu.memref_squeeze %dma_wait3A_1475 : memref<1x4x8x128xf32, #tpu.memory_space<vmem>> -> memref<4x8x128xf32, #tpu.memory_space<vmem>>
      %dma_wait3A_1477 = arith.constant 0 : i32
      %dma_wait3A_1478 = arith.constant 0 : i32
      %dma_wait3A_1479 = arith.constant 0 : i32
      %dma_wait3A_1480 = tpu.memref_slice %arg2[%dma_wait3A_1477, %dma_wait3A_1478, %dma_wait3A_1479] : memref<4x8x1000001xf32, #tpu.memory_space<hbm>> -> memref<4x8x128xf32, #tpu.memory_space<hbm>>
      tpu.wait_dma2 semaphore(%arg8 : memref<!tpu.dma_semaphore, #tpu.memory_space<semaphore_mem>>) src(%dma_wait3A_1480 : memref<4x8x128xf32, #tpu.memory_space<hbm>>) dst(%dma_wait3A_1476 : memref<4x8x128xf32, #tpu.memory_space<vmem>>)
      %dma_wait3A_1481 = arith.constant 10 : i32
      %dma_wait3A_1482 = arith.constant 0 : i32
      %dma_wait3A_1483 = arith.constant 0 : i32
      %dma_wait3A_1484 = arith.constant 0 : i32
      %dma_wait3A_1485 = tpu.memref_slice %arg6[%dma_wait3A_1481, %dma_wait3A_1482, %dma_wait3A_1483, %dma_wait3A_1484] : memref<16x4x8x128xf32, #tpu.memory_space<vmem>> -> memref<1x4x8x128xf32, #tpu.memory_space<vmem>>
      %dma_wait3A_1486 = tpu.memref_squeeze %dma_wait3A_1485 : memref<1x4x8x128xf32, #tpu.memory_space<vmem>> -> memref<4x8x128xf32, #tpu.memory_space<vmem>>
      %dma_wait3A_1487 = arith.constant 0 : i32
      %dma_wait3A_1488 = arith.constant 0 : i32
      %dma_wait3A_1489 = arith.constant 0 : i32
      %dma_wait3A_1490 = tpu.memref_slice %arg2[%dma_wait3A_1487, %dma_wait3A_1488, %dma_wait3A_1489] : memref<4x8x1000001xf32, #tpu.memory_space<hbm>> -> memref<4x8x128xf32, #tpu.memory_space<hbm>>
      %dma_wait3A_1491 = arith.constant 0 : i32
      %dma_wait3A_1492 = arith.constant 0 : i32
      %dma_wait3A_1493 = arith.constant 0 : i32
      %dma_wait3A_1494 = tpu.memref_slice %arg6[%dma_wait3A_1481, %dma_wait3A_1491, %dma_wait3A_1492, %dma_wait3A_1493] : memref<16x4x8x128xf32, #tpu.memory_space<vmem>> -> memref<1x4x8x128xf32, #tpu.memory_space<vmem>>
      %dma_wait3A_1495 = tpu.memref_squeeze %dma_wait3A_1494 : memref<1x4x8x128xf32, #tpu.memory_space<vmem>> -> memref<4x8x128xf32, #tpu.memory_space<vmem>>
      %dma_wait3A_1496 = arith.constant 0 : i32
      %dma_wait3A_1497 = arith.constant 0 : i32
      %dma_wait3A_1498 = arith.constant 0 : i32
      %dma_wait3A_1499 = tpu.memref_slice %arg2[%dma_wait3A_1496, %dma_wait3A_1497, %dma_wait3A_1498] : memref<4x8x1000001xf32, #tpu.memory_space<hbm>> -> memref<4x8x128xf32, #tpu.memory_space<hbm>>
      tpu.wait_dma2 semaphore(%arg8 : memref<!tpu.dma_semaphore, #tpu.memory_space<semaphore_mem>>) src(%dma_wait3A_1499 : memref<4x8x128xf32, #tpu.memory_space<hbm>>) dst(%dma_wait3A_1495 : memref<4x8x128xf32, #tpu.memory_space<vmem>>)
      %dma_wait3A_1500 = arith.constant 11 : i32
      %dma_wait3A_1501 = arith.constant 0 : i32
      %dma_wait3A_1502 = arith.constant 0 : i32
      %dma_wait3A_1503 = arith.constant 0 : i32
      %dma_wait3A_1504 = tpu.memref_slice %arg6[%dma_wait3A_1500, %dma_wait3A_1501, %dma_wait3A_1502, %dma_wait3A_1503] : memref<16x4x8x128xf32, #tpu.memory_space<vmem>> -> memref<1x4x8x128xf32, #tpu.memory_space<vmem>>
      %dma_wait3A_1505 = tpu.memref_squeeze %dma_wait3A_1504 : memref<1x4x8x128xf32, #tpu.memory_space<vmem>> -> memref<4x8x128xf32, #tpu.memory_space<vmem>>
      %dma_wait3A_1506 = arith.constant 0 : i32
      %dma_wait3A_1507 = arith.constant 0 : i32
      %dma_wait3A_1508 = arith.constant 0 : i32
      %dma_wait3A_1509 = tpu.memref_slice %arg2[%dma_wait3A_1506, %dma_wait3A_1507, %dma_wait3A_1508] : memref<4x8x1000001xf32, #tpu.memory_space<hbm>> -> memref<4x8x128xf32, #tpu.memory_space<hbm>>
      %dma_wait3A_1510 = arith.constant 0 : i32
      %dma_wait3A_1511 = arith.constant 0 : i32
      %dma_wait3A_1512 = arith.constant 0 : i32
      %dma_wait3A_1513 = tpu.memref_slice %arg6[%dma_wait3A_1500, %dma_wait3A_1510, %dma_wait3A_1511, %dma_wait3A_1512] : memref<16x4x8x128xf32, #tpu.memory_space<vmem>> -> memref<1x4x8x128xf32, #tpu.memory_space<vmem>>
      %dma_wait3A_1514 = tpu.memref_squeeze %dma_wait3A_1513 : memref<1x4x8x128xf32, #tpu.memory_space<vmem>> -> memref<4x8x128xf32, #tpu.memory_space<vmem>>
      %dma_wait3A_1515 = arith.constant 0 : i32
      %dma_wait3A_1516 = arith.constant 0 : i32
      %dma_wait3A_1517 = arith.constant 0 : i32
      %dma_wait3A_1518 = tpu.memref_slice %arg2[%dma_wait3A_1515, %dma_wait3A_1516, %dma_wait3A_1517] : memref<4x8x1000001xf32, #tpu.memory_space<hbm>> -> memref<4x8x128xf32, #tpu.memory_space<hbm>>
      tpu.wait_dma2 semaphore(%arg8 : memref<!tpu.dma_semaphore, #tpu.memory_space<semaphore_mem>>) src(%dma_wait3A_1518 : memref<4x8x128xf32, #tpu.memory_space<hbm>>) dst(%dma_wait3A_1514 : memref<4x8x128xf32, #tpu.memory_space<vmem>>)
      %dma_wait3A_1519 = arith.constant 12 : i32
      %dma_wait3A_1520 = arith.constant 0 : i32
      %dma_wait3A_1521 = arith.constant 0 : i32
      %dma_wait3A_1522 = arith.constant 0 : i32
      %dma_wait3A_1523 = tpu.memref_slice %arg6[%dma_wait3A_1519, %dma_wait3A_1520, %dma_wait3A_1521, %dma_wait3A_1522] : memref<16x4x8x128xf32, #tpu.memory_space<vmem>> -> memref<1x4x8x128xf32, #tpu.memory_space<vmem>>
      %dma_wait3A_1524 = tpu.memref_squeeze %dma_wait3A_1523 : memref<1x4x8x128xf32, #tpu.memory_space<vmem>> -> memref<4x8x128xf32, #tpu.memory_space<vmem>>
      %dma_wait3A_1525 = arith.constant 0 : i32
      %dma_wait3A_1526 = arith.constant 0 : i32
      %dma_wait3A_1527 = arith.constant 0 : i32
      %dma_wait3A_1528 = tpu.memref_slice %arg2[%dma_wait3A_1525, %dma_wait3A_1526, %dma_wait3A_1527] : memref<4x8x1000001xf32, #tpu.memory_space<hbm>> -> memref<4x8x128xf32, #tpu.memory_space<hbm>>
      %dma_wait3A_1529 = arith.constant 0 : i32
      %dma_wait3A_1530 = arith.constant 0 : i32
      %dma_wait3A_1531 = arith.constant 0 : i32
      %dma_wait3A_1532 = tpu.memref_slice %arg6[%dma_wait3A_1519, %dma_wait3A_1529, %dma_wait3A_1530, %dma_wait3A_1531] : memref<16x4x8x128xf32, #tpu.memory_space<vmem>> -> memref<1x4x8x128xf32, #tpu.memory_space<vmem>>
      %dma_wait3A_1533 = tpu.memref_squeeze %dma_wait3A_1532 : memref<1x4x8x128xf32, #tpu.memory_space<vmem>> -> memref<4x8x128xf32, #tpu.memory_space<vmem>>
      %dma_wait3A_1534 = arith.constant 0 : i32
      %dma_wait3A_1535 = arith.constant 0 : i32
      %dma_wait3A_1536 = arith.constant 0 : i32
      %dma_wait3A_1537 = tpu.memref_slice %arg2[%dma_wait3A_1534, %dma_wait3A_1535, %dma_wait3A_1536] : memref<4x8x1000001xf32, #tpu.memory_space<hbm>> -> memref<4x8x128xf32, #tpu.memory_space<hbm>>
      tpu.wait_dma2 semaphore(%arg8 : memref<!tpu.dma_semaphore, #tpu.memory_space<semaphore_mem>>) src(%dma_wait3A_1537 : memref<4x8x128xf32, #tpu.memory_space<hbm>>) dst(%dma_wait3A_1533 : memref<4x8x128xf32, #tpu.memory_space<vmem>>)
      %dma_wait3A_1538 = arith.constant 13 : i32
      %dma_wait3A_1539 = arith.constant 0 : i32
      %dma_wait3A_1540 = arith.constant 0 : i32
      %dma_wait3A_1541 = arith.constant 0 : i32
      %dma_wait3A_1542 = tpu.memref_slice %arg6[%dma_wait3A_1538, %dma_wait3A_1539, %dma_wait3A_1540, %dma_wait3A_1541] : memref<16x4x8x128xf32, #tpu.memory_space<vmem>> -> memref<1x4x8x128xf32, #tpu.memory_space<vmem>>
      %dma_wait3A_1543 = tpu.memref_squeeze %dma_wait3A_1542 : memref<1x4x8x128xf32, #tpu.memory_space<vmem>> -> memref<4x8x128xf32, #tpu.memory_space<vmem>>
      %dma_wait3A_1544 = arith.constant 0 : i32
      %dma_wait3A_1545 = arith.constant 0 : i32
      %dma_wait3A_1546 = arith.constant 0 : i32
      %dma_wait3A_1547 = tpu.memref_slice %arg2[%dma_wait3A_1544, %dma_wait3A_1545, %dma_wait3A_1546] : memref<4x8x1000001xf32, #tpu.memory_space<hbm>> -> memref<4x8x128xf32, #tpu.memory_space<hbm>>
      %dma_wait3A_1548 = arith.constant 0 : i32
      %dma_wait3A_1549 = arith.constant 0 : i32
      %dma_wait3A_1550 = arith.constant 0 : i32
      %dma_wait3A_1551 = tpu.memref_slice %arg6[%dma_wait3A_1538, %dma_wait3A_1548, %dma_wait3A_1549, %dma_wait3A_1550] : memref<16x4x8x128xf32, #tpu.memory_space<vmem>> -> memref<1x4x8x128xf32, #tpu.memory_space<vmem>>
      %dma_wait3A_1552 = tpu.memref_squeeze %dma_wait3A_1551 : memref<1x4x8x128xf32, #tpu.memory_space<vmem>> -> memref<4x8x128xf32, #tpu.memory_space<vmem>>
      %dma_wait3A_1553 = arith.constant 0 : i32
      %dma_wait3A_1554 = arith.constant 0 : i32
      %dma_wait3A_1555 = arith.constant 0 : i32
      %dma_wait3A_1556 = tpu.memref_slice %arg2[%dma_wait3A_1553, %dma_wait3A_1554, %dma_wait3A_1555] : memref<4x8x1000001xf32, #tpu.memory_space<hbm>> -> memref<4x8x128xf32, #tpu.memory_space<hbm>>
      tpu.wait_dma2 semaphore(%arg8 : memref<!tpu.dma_semaphore, #tpu.memory_space<semaphore_mem>>) src(%dma_wait3A_1556 : memref<4x8x128xf32, #tpu.memory_space<hbm>>) dst(%dma_wait3A_1552 : memref<4x8x128xf32, #tpu.memory_space<vmem>>)
      %dma_wait3A_1557 = arith.constant 14 : i32
      %dma_wait3A_1558 = arith.constant 0 : i32
      %dma_wait3A_1559 = arith.constant 0 : i32
      %dma_wait3A_1560 = arith.constant 0 : i32
      %dma_wait3A_1561 = tpu.memref_slice %arg6[%dma_wait3A_1557, %dma_wait3A_1558, %dma_wait3A_1559, %dma_wait3A_1560] : memref<16x4x8x128xf32, #tpu.memory_space<vmem>> -> memref<1x4x8x128xf32, #tpu.memory_space<vmem>>
      %dma_wait3A_1562 = tpu.memref_squeeze %dma_wait3A_1561 : memref<1x4x8x128xf32, #tpu.memory_space<vmem>> -> memref<4x8x128xf32, #tpu.memory_space<vmem>>
      %dma_wait3A_1563 = arith.constant 0 : i32
      %dma_wait3A_1564 = arith.constant 0 : i32
      %dma_wait3A_1565 = arith.constant 0 : i32
      %dma_wait3A_1566 = tpu.memref_slice %arg2[%dma_wait3A_1563, %dma_wait3A_1564, %dma_wait3A_1565] : memref<4x8x1000001xf32, #tpu.memory_space<hbm>> -> memref<4x8x128xf32, #tpu.memory_space<hbm>>
      %dma_wait3A_1567 = arith.constant 0 : i32
      %dma_wait3A_1568 = arith.constant 0 : i32
      %dma_wait3A_1569 = arith.constant 0 : i32
      %dma_wait3A_1570 = tpu.memref_slice %arg6[%dma_wait3A_1557, %dma_wait3A_1567, %dma_wait3A_1568, %dma_wait3A_1569] : memref<16x4x8x128xf32, #tpu.memory_space<vmem>> -> memref<1x4x8x128xf32, #tpu.memory_space<vmem>>
      %dma_wait3A_1571 = tpu.memref_squeeze %dma_wait3A_1570 : memref<1x4x8x128xf32, #tpu.memory_space<vmem>> -> memref<4x8x128xf32, #tpu.memory_space<vmem>>
      %dma_wait3A_1572 = arith.constant 0 : i32
      %dma_wait3A_1573 = arith.constant 0 : i32
      %dma_wait3A_1574 = arith.constant 0 : i32
      %dma_wait3A_1575 = tpu.memref_slice %arg2[%dma_wait3A_1572, %dma_wait3A_1573, %dma_wait3A_1574] : memref<4x8x1000001xf32, #tpu.memory_space<hbm>> -> memref<4x8x128xf32, #tpu.memory_space<hbm>>
      tpu.wait_dma2 semaphore(%arg8 : memref<!tpu.dma_semaphore, #tpu.memory_space<semaphore_mem>>) src(%dma_wait3A_1575 : memref<4x8x128xf32, #tpu.memory_space<hbm>>) dst(%dma_wait3A_1571 : memref<4x8x128xf32, #tpu.memory_space<vmem>>)
      %dma_wait3A_1576 = arith.constant 15 : i32
      %dma_wait3A_1577 = arith.constant 0 : i32
      %dma_wait3A_1578 = arith.constant 0 : i32
      %dma_wait3A_1579 = arith.constant 0 : i32
      %dma_wait3A_1580 = tpu.memref_slice %arg6[%dma_wait3A_1576, %dma_wait3A_1577, %dma_wait3A_1578, %dma_wait3A_1579] : memref<16x4x8x128xf32, #tpu.memory_space<vmem>> -> memref<1x4x8x128xf32, #tpu.memory_space<vmem>>
      %dma_wait3A_1581 = tpu.memref_squeeze %dma_wait3A_1580 : memref<1x4x8x128xf32, #tpu.memory_space<vmem>> -> memref<4x8x128xf32, #tpu.memory_space<vmem>>
      %dma_wait3A_1582 = arith.constant 0 : i32
      %dma_wait3A_1583 = arith.constant 0 : i32
      %dma_wait3A_1584 = arith.constant 0 : i32
      %dma_wait3A_1585 = tpu.memref_slice %arg2[%dma_wait3A_1582, %dma_wait3A_1583, %dma_wait3A_1584] : memref<4x8x1000001xf32, #tpu.memory_space<hbm>> -> memref<4x8x128xf32, #tpu.memory_space<hbm>>
      %dma_wait3A_1586 = arith.constant 0 : i32
      %dma_wait3A_1587 = arith.constant 0 : i32
      %dma_wait3A_1588 = arith.constant 0 : i32
      %dma_wait3A_1589 = tpu.memref_slice %arg6[%dma_wait3A_1576, %dma_wait3A_1586, %dma_wait3A_1587, %dma_wait3A_1588] : memref<16x4x8x128xf32, #tpu.memory_space<vmem>> -> memref<1x4x8x128xf32, #tpu.memory_space<vmem>>
      %dma_wait3A_1590 = tpu.memref_squeeze %dma_wait3A_1589 : memref<1x4x8x128xf32, #tpu.memory_space<vmem>> -> memref<4x8x128xf32, #tpu.memory_space<vmem>>
      %dma_wait3A_1591 = arith.constant 0 : i32
      %dma_wait3A_1592 = arith.constant 0 : i32
      %dma_wait3A_1593 = arith.constant 0 : i32
      %dma_wait3A_1594 = tpu.memref_slice %arg2[%dma_wait3A_1591, %dma_wait3A_1592, %dma_wait3A_1593] : memref<4x8x1000001xf32, #tpu.memory_space<hbm>> -> memref<4x8x128xf32, #tpu.memory_space<hbm>>
      tpu.wait_dma2 semaphore(%arg8 : memref<!tpu.dma_semaphore, #tpu.memory_space<semaphore_mem>>) src(%dma_wait3A_1594 : memref<4x8x128xf32, #tpu.memory_space<hbm>>) dst(%dma_wait3A_1590 : memref<4x8x128xf32, #tpu.memory_space<vmem>>)
      %and3A_1595 = arith.constant 127 : i32
      %and3A_1596 = vector.broadcast %and3A_1595 : i32 to vector<16xi32>
      %and3A_1597 = arith.andi %get3A_13, %and3A_1596 : vector<16xi32>
      %iota3A = tpu.iota {dimensions = array<i32: 0>} : vector<16xi32>
      %broadcast_in_dim3A = arith.constant 0 : i32
      %broadcast_in_dim3A_1598 = vector.broadcast %broadcast_in_dim3A : i32 to vector<16xi32>
      %broadcast_in_dim3A_1599 = arith.constant 0 : i32
      %broadcast_in_dim3A_1600 = vector.broadcast %broadcast_in_dim3A_1599 : i32 to vector<16xi32>
      %gather3A = tpu.vector_load_idx %arg6[%iota3A, %broadcast_in_dim3A_1598, %broadcast_in_dim3A_1600, %and3A_1597] : memref<16x4x8x128xf32, #tpu.memory_space<vmem>>[vector<16xi32>, vector<16xi32>, vector<16xi32>, vector<16xi32>], vector<16xf32>,
      %mul3A_1601 = arith.constant 16 : i32
      %mul3A_1602 = arith.muli %scan3A_9, %mul3A_1601 : i32
      %swap3A = arith.constant 0 : i32
      %swap3A_1603 = arith.index_cast %swap3A : i32 to index
      %swap3A_1604 = arith.index_cast %mul3A_1602 : i32 to index
      %swap3A_1605 = tpu.vector_load %arg7[%swap3A_1603, %swap3A_1604] {strides = array<i32>} : memref<32x512xf32, #tpu.memory_space<vmem>>, vector<16xf32>,
      tpu.vector_store %arg7[%swap3A_1603, %swap3A_1604], %gather3A {strides = array<i32>} : memref<32x512xf32, #tpu.memory_space<vmem>>, vector<16xf32>,
      %broadcast_in_dim3A_1606 = arith.constant 0 : i32
      %broadcast_in_dim3A_1607 = vector.broadcast %broadcast_in_dim3A_1606 : i32 to vector<16xi32>
      %broadcast_in_dim3A_1608 = arith.constant 1 : i32
      %broadcast_in_dim3A_1609 = vector.broadcast %broadcast_in_dim3A_1608 : i32 to vector<16xi32>
      %gather3A_1610 = tpu.vector_load_idx %arg6[%iota3A, %broadcast_in_dim3A_1607, %broadcast_in_dim3A_1609, %and3A_1597] : memref<16x4x8x128xf32, #tpu.memory_space<vmem>>[vector<16xi32>, vector<16xi32>, vector<16xi32>, vector<16xi32>], vector<16xf32>,
      %mul3A_1611 = arith.constant 16 : i32
      %mul3A_1612 = arith.muli %scan3A_9, %mul3A_1611 : i32
      %swap3A_1613 = arith.constant 1 : i32
      %swap3A_1614 = arith.index_cast %swap3A_1613 : i32 to index
      %swap3A_1615 = arith.index_cast %mul3A_1612 : i32 to index
      %swap3A_1616 = tpu.vector_load %arg7[%swap3A_1614, %swap3A_1615] {strides = array<i32>} : memref<32x512xf32, #tpu.memory_space<vmem>>, vector<16xf32>,
      tpu.vector_store %arg7[%swap3A_1614, %swap3A_1615], %gather3A_1610 {strides = array<i32>} : memref<32x512xf32, #tpu.memory_space<vmem>>, vector<16xf32>,
      %broadcast_in_dim3A_1617 = arith.constant 0 : i32
      %broadcast_in_dim3A_1618 = vector.broadcast %broadcast_in_dim3A_1617 : i32 to vector<16xi32>
      %broadcast_in_dim3A_1619 = arith.constant 2 : i32
      %broadcast_in_dim3A_1620 = vector.broadcast %broadcast_in_dim3A_1619 : i32 to vector<16xi32>
      %gather3A_1621 = tpu.vector_load_idx %arg6[%iota3A, %broadcast_in_dim3A_1618, %broadcast_in_dim3A_1620, %and3A_1597] : memref<16x4x8x128xf32, #tpu.memory_space<vmem>>[vector<16xi32>, vector<16xi32>, vector<16xi32>, vector<16xi32>], vector<16xf32>,
      %mul3A_1622 = arith.constant 16 : i32
      %mul3A_1623 = arith.muli %scan3A_9, %mul3A_1622 : i32
      %swap3A_1624 = arith.constant 2 : i32
      %swap3A_1625 = arith.index_cast %swap3A_1624 : i32 to index
      %swap3A_1626 = arith.index_cast %mul3A_1623 : i32 to index
      %swap3A_1627 = tpu.vector_load %arg7[%swap3A_1625, %swap3A_1626] {strides = array<i32>} : memref<32x512xf32, #tpu.memory_space<vmem>>, vector<16xf32>,
      tpu.vector_store %arg7[%swap3A_1625, %swap3A_1626], %gather3A_1621 {strides = array<i32>} : memref<32x512xf32, #tpu.memory_space<vmem>>, vector<16xf32>,
      %broadcast_in_dim3A_1628 = arith.constant 0 : i32
      %broadcast_in_dim3A_1629 = vector.broadcast %broadcast_in_dim3A_1628 : i32 to vector<16xi32>
      %broadcast_in_dim3A_1630 = arith.constant 3 : i32
      %broadcast_in_dim3A_1631 = vector.broadcast %broadcast_in_dim3A_1630 : i32 to vector<16xi32>
      %gather3A_1632 = tpu.vector_load_idx %arg6[%iota3A, %broadcast_in_dim3A_1629, %broadcast_in_dim3A_1631, %and3A_1597] : memref<16x4x8x128xf32, #tpu.memory_space<vmem>>[vector<16xi32>, vector<16xi32>, vector<16xi32>, vector<16xi32>], vector<16xf32>,
      %mul3A_1633 = arith.constant 16 : i32
      %mul3A_1634 = arith.muli %scan3A_9, %mul3A_1633 : i32
      %swap3A_1635 = arith.constant 3 : i32
      %swap3A_1636 = arith.index_cast %swap3A_1635 : i32 to index
      %swap3A_1637 = arith.index_cast %mul3A_1634 : i32 to index
      %swap3A_1638 = tpu.vector_load %arg7[%swap3A_1636, %swap3A_1637] {strides = array<i32>} : memref<32x512xf32, #tpu.memory_space<vmem>>, vector<16xf32>,
      tpu.vector_store %arg7[%swap3A_1636, %swap3A_1637], %gather3A_1632 {strides = array<i32>} : memref<32x512xf32, #tpu.memory_space<vmem>>, vector<16xf32>,
      %broadcast_in_dim3A_1639 = arith.constant 0 : i32
      %broadcast_in_dim3A_1640 = vector.broadcast %broadcast_in_dim3A_1639 : i32 to vector<16xi32>
      %broadcast_in_dim3A_1641 = arith.constant 4 : i32
      %broadcast_in_dim3A_1642 = vector.broadcast %broadcast_in_dim3A_1641 : i32 to vector<16xi32>
      %gather3A_1643 = tpu.vector_load_idx %arg6[%iota3A, %broadcast_in_dim3A_1640, %broadcast_in_dim3A_1642, %and3A_1597] : memref<16x4x8x128xf32, #tpu.memory_space<vmem>>[vector<16xi32>, vector<16xi32>, vector<16xi32>, vector<16xi32>], vector<16xf32>,
      %mul3A_1644 = arith.constant 16 : i32
      %mul3A_1645 = arith.muli %scan3A_9, %mul3A_1644 : i32
      %swap3A_1646 = arith.constant 4 : i32
      %swap3A_1647 = arith.index_cast %swap3A_1646 : i32 to index
      %swap3A_1648 = arith.index_cast %mul3A_1645 : i32 to index
      %swap3A_1649 = tpu.vector_load %arg7[%swap3A_1647, %swap3A_1648] {strides = array<i32>} : memref<32x512xf32, #tpu.memory_space<vmem>>, vector<16xf32>,
      tpu.vector_store %arg7[%swap3A_1647, %swap3A_1648], %gather3A_1643 {strides = array<i32>} : memref<32x512xf32, #tpu.memory_space<vmem>>, vector<16xf32>,
      %broadcast_in_dim3A_1650 = arith.constant 0 : i32
      %broadcast_in_dim3A_1651 = vector.broadcast %broadcast_in_dim3A_1650 : i32 to vector<16xi32>
      %broadcast_in_dim3A_1652 = arith.constant 5 : i32
      %broadcast_in_dim3A_1653 = vector.broadcast %broadcast_in_dim3A_1652 : i32 to vector<16xi32>
      %gather3A_1654 = tpu.vector_load_idx %arg6[%iota3A, %broadcast_in_dim3A_1651, %broadcast_in_dim3A_1653, %and3A_1597] : memref<16x4x8x128xf32, #tpu.memory_space<vmem>>[vector<16xi32>, vector<16xi32>, vector<16xi32>, vector<16xi32>], vector<16xf32>,
      %mul3A_1655 = arith.constant 16 : i32
      %mul3A_1656 = arith.muli %scan3A_9, %mul3A_1655 : i32
      %swap3A_1657 = arith.constant 5 : i32
      %swap3A_1658 = arith.index_cast %swap3A_1657 : i32 to index
      %swap3A_1659 = arith.index_cast %mul3A_1656 : i32 to index
      %swap3A_1660 = tpu.vector_load %arg7[%swap3A_1658, %swap3A_1659] {strides = array<i32>} : memref<32x512xf32, #tpu.memory_space<vmem>>, vector<16xf32>,
      tpu.vector_store %arg7[%swap3A_1658, %swap3A_1659], %gather3A_1654 {strides = array<i32>} : memref<32x512xf32, #tpu.memory_space<vmem>>, vector<16xf32>,
      %broadcast_in_dim3A_1661 = arith.constant 0 : i32
      %broadcast_in_dim3A_1662 = vector.broadcast %broadcast_in_dim3A_1661 : i32 to vector<16xi32>
      %broadcast_in_dim3A_1663 = arith.constant 6 : i32
      %broadcast_in_dim3A_1664 = vector.broadcast %broadcast_in_dim3A_1663 : i32 to vector<16xi32>
      %gather3A_1665 = tpu.vector_load_idx %arg6[%iota3A, %broadcast_in_dim3A_1662, %broadcast_in_dim3A_1664, %and3A_1597] : memref<16x4x8x128xf32, #tpu.memory_space<vmem>>[vector<16xi32>, vector<16xi32>, vector<16xi32>, vector<16xi32>], vector<16xf32>,
      %mul3A_1666 = arith.constant 16 : i32
      %mul3A_1667 = arith.muli %scan3A_9, %mul3A_1666 : i32
      %swap3A_1668 = arith.constant 6 : i32
      %swap3A_1669 = arith.index_cast %swap3A_1668 : i32 to index
      %swap3A_1670 = arith.index_cast %mul3A_1667 : i32 to index
      %swap3A_1671 = tpu.vector_load %arg7[%swap3A_1669, %swap3A_1670] {strides = array<i32>} : memref<32x512xf32, #tpu.memory_space<vmem>>, vector<16xf32>,
      tpu.vector_store %arg7[%swap3A_1669, %swap3A_1670], %gather3A_1665 {strides = array<i32>} : memref<32x512xf32, #tpu.memory_space<vmem>>, vector<16xf32>,
      %broadcast_in_dim3A_1672 = arith.constant 0 : i32
      %broadcast_in_dim3A_1673 = vector.broadcast %broadcast_in_dim3A_1672 : i32 to vector<16xi32>
      %broadcast_in_dim3A_1674 = arith.constant 7 : i32
      %broadcast_in_dim3A_1675 = vector.broadcast %broadcast_in_dim3A_1674 : i32 to vector<16xi32>
      %gather3A_1676 = tpu.vector_load_idx %arg6[%iota3A, %broadcast_in_dim3A_1673, %broadcast_in_dim3A_1675, %and3A_1597] : memref<16x4x8x128xf32, #tpu.memory_space<vmem>>[vector<16xi32>, vector<16xi32>, vector<16xi32>, vector<16xi32>], vector<16xf32>,
      %mul3A_1677 = arith.constant 16 : i32
      %mul3A_1678 = arith.muli %scan3A_9, %mul3A_1677 : i32
      %swap3A_1679 = arith.constant 7 : i32
      %swap3A_1680 = arith.index_cast %swap3A_1679 : i32 to index
      %swap3A_1681 = arith.index_cast %mul3A_1678 : i32 to index
      %swap3A_1682 = tpu.vector_load %arg7[%swap3A_1680, %swap3A_1681] {strides = array<i32>} : memref<32x512xf32, #tpu.memory_space<vmem>>, vector<16xf32>,
      tpu.vector_store %arg7[%swap3A_1680, %swap3A_1681], %gather3A_1676 {strides = array<i32>} : memref<32x512xf32, #tpu.memory_space<vmem>>, vector<16xf32>,
      %broadcast_in_dim3A_1683 = arith.constant 1 : i32
      %broadcast_in_dim3A_1684 = vector.broadcast %broadcast_in_dim3A_1683 : i32 to vector<16xi32>
      %broadcast_in_dim3A_1685 = arith.constant 0 : i32
      %broadcast_in_dim3A_1686 = vector.broadcast %broadcast_in_dim3A_1685 : i32 to vector<16xi32>
      %gather3A_1687 = tpu.vector_load_idx %arg6[%iota3A, %broadcast_in_dim3A_1684, %broadcast_in_dim3A_1686, %and3A_1597] : memref<16x4x8x128xf32, #tpu.memory_space<vmem>>[vector<16xi32>, vector<16xi32>, vector<16xi32>, vector<16xi32>], vector<16xf32>,
      %mul3A_1688 = arith.constant 16 : i32
      %mul3A_1689 = arith.muli %scan3A_9, %mul3A_1688 : i32
      %swap3A_1690 = arith.constant 8 : i32
      %swap3A_1691 = arith.index_cast %swap3A_1690 : i32 to index
      %swap3A_1692 = arith.index_cast %mul3A_1689 : i32 to index
      %swap3A_1693 = tpu.vector_load %arg7[%swap3A_1691, %swap3A_1692] {strides = array<i32>} : memref<32x512xf32, #tpu.memory_space<vmem>>, vector<16xf32>,
      tpu.vector_store %arg7[%swap3A_1691, %swap3A_1692], %gather3A_1687 {strides = array<i32>} : memref<32x512xf32, #tpu.memory_space<vmem>>, vector<16xf32>,
      %broadcast_in_dim3A_1694 = arith.constant 1 : i32
      %broadcast_in_dim3A_1695 = vector.broadcast %broadcast_in_dim3A_1694 : i32 to vector<16xi32>
      %broadcast_in_dim3A_1696 = arith.constant 1 : i32
      %broadcast_in_dim3A_1697 = vector.broadcast %broadcast_in_dim3A_1696 : i32 to vector<16xi32>
      %gather3A_1698 = tpu.vector_load_idx %arg6[%iota3A, %broadcast_in_dim3A_1695, %broadcast_in_dim3A_1697, %and3A_1597] : memref<16x4x8x128xf32, #tpu.memory_space<vmem>>[vector<16xi32>, vector<16xi32>, vector<16xi32>, vector<16xi32>], vector<16xf32>,
      %mul3A_1699 = arith.constant 16 : i32
      %mul3A_1700 = arith.muli %scan3A_9, %mul3A_1699 : i32
      %swap3A_1701 = arith.constant 9 : i32
      %swap3A_1702 = arith.index_cast %swap3A_1701 : i32 to index
      %swap3A_1703 = arith.index_cast %mul3A_1700 : i32 to index
      %swap3A_1704 = tpu.vector_load %arg7[%swap3A_1702, %swap3A_1703] {strides = array<i32>} : memref<32x512xf32, #tpu.memory_space<vmem>>, vector<16xf32>,
      tpu.vector_store %arg7[%swap3A_1702, %swap3A_1703], %gather3A_1698 {strides = array<i32>} : memref<32x512xf32, #tpu.memory_space<vmem>>, vector<16xf32>,
      %broadcast_in_dim3A_1705 = arith.constant 1 : i32
      %broadcast_in_dim3A_1706 = vector.broadcast %broadcast_in_dim3A_1705 : i32 to vector<16xi32>
      %broadcast_in_dim3A_1707 = arith.constant 2 : i32
      %broadcast_in_dim3A_1708 = vector.broadcast %broadcast_in_dim3A_1707 : i32 to vector<16xi32>
      %gather3A_1709 = tpu.vector_load_idx %arg6[%iota3A, %broadcast_in_dim3A_1706, %broadcast_in_dim3A_1708, %and3A_1597] : memref<16x4x8x128xf32, #tpu.memory_space<vmem>>[vector<16xi32>, vector<16xi32>, vector<16xi32>, vector<16xi32>], vector<16xf32>,
      %mul3A_1710 = arith.constant 16 : i32
      %mul3A_1711 = arith.muli %scan3A_9, %mul3A_1710 : i32
      %swap3A_1712 = arith.constant 10 : i32
      %swap3A_1713 = arith.index_cast %swap3A_1712 : i32 to index
      %swap3A_1714 = arith.index_cast %mul3A_1711 : i32 to index
      %swap3A_1715 = tpu.vector_load %arg7[%swap3A_1713, %swap3A_1714] {strides = array<i32>} : memref<32x512xf32, #tpu.memory_space<vmem>>, vector<16xf32>,
      tpu.vector_store %arg7[%swap3A_1713, %swap3A_1714], %gather3A_1709 {strides = array<i32>} : memref<32x512xf32, #tpu.memory_space<vmem>>, vector<16xf32>,
      %broadcast_in_dim3A_1716 = arith.constant 1 : i32
      %broadcast_in_dim3A_1717 = vector.broadcast %broadcast_in_dim3A_1716 : i32 to vector<16xi32>
      %broadcast_in_dim3A_1718 = arith.constant 3 : i32
      %broadcast_in_dim3A_1719 = vector.broadcast %broadcast_in_dim3A_1718 : i32 to vector<16xi32>
      %gather3A_1720 = tpu.vector_load_idx %arg6[%iota3A, %broadcast_in_dim3A_1717, %broadcast_in_dim3A_1719, %and3A_1597] : memref<16x4x8x128xf32, #tpu.memory_space<vmem>>[vector<16xi32>, vector<16xi32>, vector<16xi32>, vector<16xi32>], vector<16xf32>,
      %mul3A_1721 = arith.constant 16 : i32
      %mul3A_1722 = arith.muli %scan3A_9, %mul3A_1721 : i32
      %swap3A_1723 = arith.constant 11 : i32
      %swap3A_1724 = arith.index_cast %swap3A_1723 : i32 to index
      %swap3A_1725 = arith.index_cast %mul3A_1722 : i32 to index
      %swap3A_1726 = tpu.vector_load %arg7[%swap3A_1724, %swap3A_1725] {strides = array<i32>} : memref<32x512xf32, #tpu.memory_space<vmem>>, vector<16xf32>,
      tpu.vector_store %arg7[%swap3A_1724, %swap3A_1725], %gather3A_1720 {strides = array<i32>} : memref<32x512xf32, #tpu.memory_space<vmem>>, vector<16xf32>,
      %broadcast_in_dim3A_1727 = arith.constant 1 : i32
      %broadcast_in_dim3A_1728 = vector.broadcast %broadcast_in_dim3A_1727 : i32 to vector<16xi32>
      %broadcast_in_dim3A_1729 = arith.constant 4 : i32
      %broadcast_in_dim3A_1730 = vector.broadcast %broadcast_in_dim3A_1729 : i32 to vector<16xi32>
      %gather3A_1731 = tpu.vector_load_idx %arg6[%iota3A, %broadcast_in_dim3A_1728, %broadcast_in_dim3A_1730, %and3A_1597] : memref<16x4x8x128xf32, #tpu.memory_space<vmem>>[vector<16xi32>, vector<16xi32>, vector<16xi32>, vector<16xi32>], vector<16xf32>,
      %mul3A_1732 = arith.constant 16 : i32
      %mul3A_1733 = arith.muli %scan3A_9, %mul3A_1732 : i32
      %swap3A_1734 = arith.constant 12 : i32
      %swap3A_1735 = arith.index_cast %swap3A_1734 : i32 to index
      %swap3A_1736 = arith.index_cast %mul3A_1733 : i32 to index
      %swap3A_1737 = tpu.vector_load %arg7[%swap3A_1735, %swap3A_1736] {strides = array<i32>} : memref<32x512xf32, #tpu.memory_space<vmem>>, vector<16xf32>,
      tpu.vector_store %arg7[%swap3A_1735, %swap3A_1736], %gather3A_1731 {strides = array<i32>} : memref<32x512xf32, #tpu.memory_space<vmem>>, vector<16xf32>,
      %broadcast_in_dim3A_1738 = arith.constant 1 : i32
      %broadcast_in_dim3A_1739 = vector.broadcast %broadcast_in_dim3A_1738 : i32 to vector<16xi32>
      %broadcast_in_dim3A_1740 = arith.constant 5 : i32
      %broadcast_in_dim3A_1741 = vector.broadcast %broadcast_in_dim3A_1740 : i32 to vector<16xi32>
      %gather3A_1742 = tpu.vector_load_idx %arg6[%iota3A, %broadcast_in_dim3A_1739, %broadcast_in_dim3A_1741, %and3A_1597] : memref<16x4x8x128xf32, #tpu.memory_space<vmem>>[vector<16xi32>, vector<16xi32>, vector<16xi32>, vector<16xi32>], vector<16xf32>,
      %mul3A_1743 = arith.constant 16 : i32
      %mul3A_1744 = arith.muli %scan3A_9, %mul3A_1743 : i32
      %swap3A_1745 = arith.constant 13 : i32
      %swap3A_1746 = arith.index_cast %swap3A_1745 : i32 to index
      %swap3A_1747 = arith.index_cast %mul3A_1744 : i32 to index
      %swap3A_1748 = tpu.vector_load %arg7[%swap3A_1746, %swap3A_1747] {strides = array<i32>} : memref<32x512xf32, #tpu.memory_space<vmem>>, vector<16xf32>,
      tpu.vector_store %arg7[%swap3A_1746, %swap3A_1747], %gather3A_1742 {strides = array<i32>} : memref<32x512xf32, #tpu.memory_space<vmem>>, vector<16xf32>,
      %broadcast_in_dim3A_1749 = arith.constant 1 : i32
      %broadcast_in_dim3A_1750 = vector.broadcast %broadcast_in_dim3A_1749 : i32 to vector<16xi32>
      %broadcast_in_dim3A_1751 = arith.constant 6 : i32
      %broadcast_in_dim3A_1752 = vector.broadcast %broadcast_in_dim3A_1751 : i32 to vector<16xi32>
      %gather3A_1753 = tpu.vector_load_idx %arg6[%iota3A, %broadcast_in_dim3A_1750, %broadcast_in_dim3A_1752, %and3A_1597] : memref<16x4x8x128xf32, #tpu.memory_space<vmem>>[vector<16xi32>, vector<16xi32>, vector<16xi32>, vector<16xi32>], vector<16xf32>,
      %mul3A_1754 = arith.constant 16 : i32
      %mul3A_1755 = arith.muli %scan3A_9, %mul3A_1754 : i32
      %swap3A_1756 = arith.constant 14 : i32
      %swap3A_1757 = arith.index_cast %swap3A_1756 : i32 to index
      %swap3A_1758 = arith.index_cast %mul3A_1755 : i32 to index
      %swap3A_1759 = tpu.vector_load %arg7[%swap3A_1757, %swap3A_1758] {strides = array<i32>} : memref<32x512xf32, #tpu.memory_space<vmem>>, vector<16xf32>,
      tpu.vector_store %arg7[%swap3A_1757, %swap3A_1758], %gather3A_1753 {strides = array<i32>} : memref<32x512xf32, #tpu.memory_space<vmem>>, vector<16xf32>,
      %broadcast_in_dim3A_1760 = arith.constant 1 : i32
      %broadcast_in_dim3A_1761 = vector.broadcast %broadcast_in_dim3A_1760 : i32 to vector<16xi32>
      %broadcast_in_dim3A_1762 = arith.constant 7 : i32
      %broadcast_in_dim3A_1763 = vector.broadcast %broadcast_in_dim3A_1762 : i32 to vector<16xi32>
      %gather3A_1764 = tpu.vector_load_idx %arg6[%iota3A, %broadcast_in_dim3A_1761, %broadcast_in_dim3A_1763, %and3A_1597] : memref<16x4x8x128xf32, #tpu.memory_space<vmem>>[vector<16xi32>, vector<16xi32>, vector<16xi32>, vector<16xi32>], vector<16xf32>,
      %mul3A_1765 = arith.constant 16 : i32
      %mul3A_1766 = arith.muli %scan3A_9, %mul3A_1765 : i32
      %swap3A_1767 = arith.constant 15 : i32
      %swap3A_1768 = arith.index_cast %swap3A_1767 : i32 to index
      %swap3A_1769 = arith.index_cast %mul3A_1766 : i32 to index
      %swap3A_1770 = tpu.vector_load %arg7[%swap3A_1768, %swap3A_1769] {strides = array<i32>} : memref<32x512xf32, #tpu.memory_space<vmem>>, vector<16xf32>,
      tpu.vector_store %arg7[%swap3A_1768, %swap3A_1769], %gather3A_1764 {strides = array<i32>} : memref<32x512xf32, #tpu.memory_space<vmem>>, vector<16xf32>,
      %broadcast_in_dim3A_1771 = arith.constant 2 : i32
      %broadcast_in_dim3A_1772 = vector.broadcast %broadcast_in_dim3A_1771 : i32 to vector<16xi32>
      %broadcast_in_dim3A_1773 = arith.constant 0 : i32
      %broadcast_in_dim3A_1774 = vector.broadcast %broadcast_in_dim3A_1773 : i32 to vector<16xi32>
      %gather3A_1775 = tpu.vector_load_idx %arg6[%iota3A, %broadcast_in_dim3A_1772, %broadcast_in_dim3A_1774, %and3A_1597] : memref<16x4x8x128xf32, #tpu.memory_space<vmem>>[vector<16xi32>, vector<16xi32>, vector<16xi32>, vector<16xi32>], vector<16xf32>,
      %mul3A_1776 = arith.constant 16 : i32
      %mul3A_1777 = arith.muli %scan3A_9, %mul3A_1776 : i32
      %swap3A_1778 = arith.constant 16 : i32
      %swap3A_1779 = arith.index_cast %swap3A_1778 : i32 to index
      %swap3A_1780 = arith.index_cast %mul3A_1777 : i32 to index
      %swap3A_1781 = tpu.vector_load %arg7[%swap3A_1779, %swap3A_1780] {strides = array<i32>} : memref<32x512xf32, #tpu.memory_space<vmem>>, vector<16xf32>,
      tpu.vector_store %arg7[%swap3A_1779, %swap3A_1780], %gather3A_1775 {strides = array<i32>} : memref<32x512xf32, #tpu.memory_space<vmem>>, vector<16xf32>,
      %broadcast_in_dim3A_1782 = arith.constant 2 : i32
      %broadcast_in_dim3A_1783 = vector.broadcast %broadcast_in_dim3A_1782 : i32 to vector<16xi32>
      %broadcast_in_dim3A_1784 = arith.constant 1 : i32
      %broadcast_in_dim3A_1785 = vector.broadcast %broadcast_in_dim3A_1784 : i32 to vector<16xi32>
      %gather3A_1786 = tpu.vector_load_idx %arg6[%iota3A, %broadcast_in_dim3A_1783, %broadcast_in_dim3A_1785, %and3A_1597] : memref<16x4x8x128xf32, #tpu.memory_space<vmem>>[vector<16xi32>, vector<16xi32>, vector<16xi32>, vector<16xi32>], vector<16xf32>,
      %mul3A_1787 = arith.constant 16 : i32
      %mul3A_1788 = arith.muli %scan3A_9, %mul3A_1787 : i32
      %swap3A_1789 = arith.constant 17 : i32
      %swap3A_1790 = arith.index_cast %swap3A_1789 : i32 to index
      %swap3A_1791 = arith.index_cast %mul3A_1788 : i32 to index
      %swap3A_1792 = tpu.vector_load %arg7[%swap3A_1790, %swap3A_1791] {strides = array<i32>} : memref<32x512xf32, #tpu.memory_space<vmem>>, vector<16xf32>,
      tpu.vector_store %arg7[%swap3A_1790, %swap3A_1791], %gather3A_1786 {strides = array<i32>} : memref<32x512xf32, #tpu.memory_space<vmem>>, vector<16xf32>,
      %broadcast_in_dim3A_1793 = arith.constant 2 : i32
      %broadcast_in_dim3A_1794 = vector.broadcast %broadcast_in_dim3A_1793 : i32 to vector<16xi32>
      %broadcast_in_dim3A_1795 = arith.constant 2 : i32
      %broadcast_in_dim3A_1796 = vector.broadcast %broadcast_in_dim3A_1795 : i32 to vector<16xi32>
      %gather3A_1797 = tpu.vector_load_idx %arg6[%iota3A, %broadcast_in_dim3A_1794, %broadcast_in_dim3A_1796, %and3A_1597] : memref<16x4x8x128xf32, #tpu.memory_space<vmem>>[vector<16xi32>, vector<16xi32>, vector<16xi32>, vector<16xi32>], vector<16xf32>,
      %mul3A_1798 = arith.constant 16 : i32
      %mul3A_1799 = arith.muli %scan3A_9, %mul3A_1798 : i32
      %swap3A_1800 = arith.constant 18 : i32
      %swap3A_1801 = arith.index_cast %swap3A_1800 : i32 to index
      %swap3A_1802 = arith.index_cast %mul3A_1799 : i32 to index
      %swap3A_1803 = tpu.vector_load %arg7[%swap3A_1801, %swap3A_1802] {strides = array<i32>} : memref<32x512xf32, #tpu.memory_space<vmem>>, vector<16xf32>,
      tpu.vector_store %arg7[%swap3A_1801, %swap3A_1802], %gather3A_1797 {strides = array<i32>} : memref<32x512xf32, #tpu.memory_space<vmem>>, vector<16xf32>,
      %broadcast_in_dim3A_1804 = arith.constant 2 : i32
      %broadcast_in_dim3A_1805 = vector.broadcast %broadcast_in_dim3A_1804 : i32 to vector<16xi32>
      %broadcast_in_dim3A_1806 = arith.constant 3 : i32
      %broadcast_in_dim3A_1807 = vector.broadcast %broadcast_in_dim3A_1806 : i32 to vector<16xi32>
      %gather3A_1808 = tpu.vector_load_idx %arg6[%iota3A, %broadcast_in_dim3A_1805, %broadcast_in_dim3A_1807, %and3A_1597] : memref<16x4x8x128xf32, #tpu.memory_space<vmem>>[vector<16xi32>, vector<16xi32>, vector<16xi32>, vector<16xi32>], vector<16xf32>,
      %mul3A_1809 = arith.constant 16 : i32
      %mul3A_1810 = arith.muli %scan3A_9, %mul3A_1809 : i32
      %swap3A_1811 = arith.constant 19 : i32
      %swap3A_1812 = arith.index_cast %swap3A_1811 : i32 to index
      %swap3A_1813 = arith.index_cast %mul3A_1810 : i32 to index
      %swap3A_1814 = tpu.vector_load %arg7[%swap3A_1812, %swap3A_1813] {strides = array<i32>} : memref<32x512xf32, #tpu.memory_space<vmem>>, vector<16xf32>,
      tpu.vector_store %arg7[%swap3A_1812, %swap3A_1813], %gather3A_1808 {strides = array<i32>} : memref<32x512xf32, #tpu.memory_space<vmem>>, vector<16xf32>,
      %broadcast_in_dim3A_1815 = arith.constant 2 : i32
      %broadcast_in_dim3A_1816 = vector.broadcast %broadcast_in_dim3A_1815 : i32 to vector<16xi32>
      %broadcast_in_dim3A_1817 = arith.constant 4 : i32
      %broadcast_in_dim3A_1818 = vector.broadcast %broadcast_in_dim3A_1817 : i32 to vector<16xi32>
      %gather3A_1819 = tpu.vector_load_idx %arg6[%iota3A, %broadcast_in_dim3A_1816, %broadcast_in_dim3A_1818, %and3A_1597] : memref<16x4x8x128xf32, #tpu.memory_space<vmem>>[vector<16xi32>, vector<16xi32>, vector<16xi32>, vector<16xi32>], vector<16xf32>,
      %mul3A_1820 = arith.constant 16 : i32
      %mul3A_1821 = arith.muli %scan3A_9, %mul3A_1820 : i32
      %swap3A_1822 = arith.constant 20 : i32
      %swap3A_1823 = arith.index_cast %swap3A_1822 : i32 to index
      %swap3A_1824 = arith.index_cast %mul3A_1821 : i32 to index
      %swap3A_1825 = tpu.vector_load %arg7[%swap3A_1823, %swap3A_1824] {strides = array<i32>} : memref<32x512xf32, #tpu.memory_space<vmem>>, vector<16xf32>,
      tpu.vector_store %arg7[%swap3A_1823, %swap3A_1824], %gather3A_1819 {strides = array<i32>} : memref<32x512xf32, #tpu.memory_space<vmem>>, vector<16xf32>,
      %broadcast_in_dim3A_1826 = arith.constant 2 : i32
      %broadcast_in_dim3A_1827 = vector.broadcast %broadcast_in_dim3A_1826 : i32 to vector<16xi32>
      %broadcast_in_dim3A_1828 = arith.constant 5 : i32
      %broadcast_in_dim3A_1829 = vector.broadcast %broadcast_in_dim3A_1828 : i32 to vector<16xi32>
      %gather3A_1830 = tpu.vector_load_idx %arg6[%iota3A, %broadcast_in_dim3A_1827, %broadcast_in_dim3A_1829, %and3A_1597] : memref<16x4x8x128xf32, #tpu.memory_space<vmem>>[vector<16xi32>, vector<16xi32>, vector<16xi32>, vector<16xi32>], vector<16xf32>,
      %mul3A_1831 = arith.constant 16 : i32
      %mul3A_1832 = arith.muli %scan3A_9, %mul3A_1831 : i32
      %swap3A_1833 = arith.constant 21 : i32
      %swap3A_1834 = arith.index_cast %swap3A_1833 : i32 to index
      %swap3A_1835 = arith.index_cast %mul3A_1832 : i32 to index
      %swap3A_1836 = tpu.vector_load %arg7[%swap3A_1834, %swap3A_1835] {strides = array<i32>} : memref<32x512xf32, #tpu.memory_space<vmem>>, vector<16xf32>,
      tpu.vector_store %arg7[%swap3A_1834, %swap3A_1835], %gather3A_1830 {strides = array<i32>} : memref<32x512xf32, #tpu.memory_space<vmem>>, vector<16xf32>,
      %broadcast_in_dim3A_1837 = arith.constant 2 : i32
      %broadcast_in_dim3A_1838 = vector.broadcast %broadcast_in_dim3A_1837 : i32 to vector<16xi32>
      %broadcast_in_dim3A_1839 = arith.constant 6 : i32
      %broadcast_in_dim3A_1840 = vector.broadcast %broadcast_in_dim3A_1839 : i32 to vector<16xi32>
      %gather3A_1841 = tpu.vector_load_idx %arg6[%iota3A, %broadcast_in_dim3A_1838, %broadcast_in_dim3A_1840, %and3A_1597] : memref<16x4x8x128xf32, #tpu.memory_space<vmem>>[vector<16xi32>, vector<16xi32>, vector<16xi32>, vector<16xi32>], vector<16xf32>,
      %mul3A_1842 = arith.constant 16 : i32
      %mul3A_1843 = arith.muli %scan3A_9, %mul3A_1842 : i32
      %swap3A_1844 = arith.constant 22 : i32
      %swap3A_1845 = arith.index_cast %swap3A_1844 : i32 to index
      %swap3A_1846 = arith.index_cast %mul3A_1843 : i32 to index
      %swap3A_1847 = tpu.vector_load %arg7[%swap3A_1845, %swap3A_1846] {strides = array<i32>} : memref<32x512xf32, #tpu.memory_space<vmem>>, vector<16xf32>,
      tpu.vector_store %arg7[%swap3A_1845, %swap3A_1846], %gather3A_1841 {strides = array<i32>} : memref<32x512xf32, #tpu.memory_space<vmem>>, vector<16xf32>,
      %broadcast_in_dim3A_1848 = arith.constant 2 : i32
      %broadcast_in_dim3A_1849 = vector.broadcast %broadcast_in_dim3A_1848 : i32 to vector<16xi32>
      %broadcast_in_dim3A_1850 = arith.constant 7 : i32
      %broadcast_in_dim3A_1851 = vector.broadcast %broadcast_in_dim3A_1850 : i32 to vector<16xi32>
      %gather3A_1852 = tpu.vector_load_idx %arg6[%iota3A, %broadcast_in_dim3A_1849, %broadcast_in_dim3A_1851, %and3A_1597] : memref<16x4x8x128xf32, #tpu.memory_space<vmem>>[vector<16xi32>, vector<16xi32>, vector<16xi32>, vector<16xi32>], vector<16xf32>,
      %mul3A_1853 = arith.constant 16 : i32
      %mul3A_1854 = arith.muli %scan3A_9, %mul3A_1853 : i32
      %swap3A_1855 = arith.constant 23 : i32
      %swap3A_1856 = arith.index_cast %swap3A_1855 : i32 to index
      %swap3A_1857 = arith.index_cast %mul3A_1854 : i32 to index
      %swap3A_1858 = tpu.vector_load %arg7[%swap3A_1856, %swap3A_1857] {strides = array<i32>} : memref<32x512xf32, #tpu.memory_space<vmem>>, vector<16xf32>,
      tpu.vector_store %arg7[%swap3A_1856, %swap3A_1857], %gather3A_1852 {strides = array<i32>} : memref<32x512xf32, #tpu.memory_space<vmem>>, vector<16xf32>,
      %broadcast_in_dim3A_1859 = arith.constant 3 : i32
      %broadcast_in_dim3A_1860 = vector.broadcast %broadcast_in_dim3A_1859 : i32 to vector<16xi32>
      %broadcast_in_dim3A_1861 = arith.constant 0 : i32
      %broadcast_in_dim3A_1862 = vector.broadcast %broadcast_in_dim3A_1861 : i32 to vector<16xi32>
      %gather3A_1863 = tpu.vector_load_idx %arg6[%iota3A, %broadcast_in_dim3A_1860, %broadcast_in_dim3A_1862, %and3A_1597] : memref<16x4x8x128xf32, #tpu.memory_space<vmem>>[vector<16xi32>, vector<16xi32>, vector<16xi32>, vector<16xi32>], vector<16xf32>,
      %mul3A_1864 = arith.constant 16 : i32
      %mul3A_1865 = arith.muli %scan3A_9, %mul3A_1864 : i32
      %swap3A_1866 = arith.constant 24 : i32
      %swap3A_1867 = arith.index_cast %swap3A_1866 : i32 to index
      %swap3A_1868 = arith.index_cast %mul3A_1865 : i32 to index
      %swap3A_1869 = tpu.vector_load %arg7[%swap3A_1867, %swap3A_1868] {strides = array<i32>} : memref<32x512xf32, #tpu.memory_space<vmem>>, vector<16xf32>,
      tpu.vector_store %arg7[%swap3A_1867, %swap3A_1868], %gather3A_1863 {strides = array<i32>} : memref<32x512xf32, #tpu.memory_space<vmem>>, vector<16xf32>,
      %broadcast_in_dim3A_1870 = arith.constant 3 : i32
      %broadcast_in_dim3A_1871 = vector.broadcast %broadcast_in_dim3A_1870 : i32 to vector<16xi32>
      %broadcast_in_dim3A_1872 = arith.constant 1 : i32
      %broadcast_in_dim3A_1873 = vector.broadcast %broadcast_in_dim3A_1872 : i32 to vector<16xi32>
      %gather3A_1874 = tpu.vector_load_idx %arg6[%iota3A, %broadcast_in_dim3A_1871, %broadcast_in_dim3A_1873, %and3A_1597] : memref<16x4x8x128xf32, #tpu.memory_space<vmem>>[vector<16xi32>, vector<16xi32>, vector<16xi32>, vector<16xi32>], vector<16xf32>,
      %mul3A_1875 = arith.constant 16 : i32
      %mul3A_1876 = arith.muli %scan3A_9, %mul3A_1875 : i32
      %swap3A_1877 = arith.constant 25 : i32
      %swap3A_1878 = arith.index_cast %swap3A_1877 : i32 to index
      %swap3A_1879 = arith.index_cast %mul3A_1876 : i32 to index
      %swap3A_1880 = tpu.vector_load %arg7[%swap3A_1878, %swap3A_1879] {strides = array<i32>} : memref<32x512xf32, #tpu.memory_space<vmem>>, vector<16xf32>,
      tpu.vector_store %arg7[%swap3A_1878, %swap3A_1879], %gather3A_1874 {strides = array<i32>} : memref<32x512xf32, #tpu.memory_space<vmem>>, vector<16xf32>,
      %broadcast_in_dim3A_1881 = arith.constant 3 : i32
      %broadcast_in_dim3A_1882 = vector.broadcast %broadcast_in_dim3A_1881 : i32 to vector<16xi32>
      %broadcast_in_dim3A_1883 = arith.constant 2 : i32
      %broadcast_in_dim3A_1884 = vector.broadcast %broadcast_in_dim3A_1883 : i32 to vector<16xi32>
      %gather3A_1885 = tpu.vector_load_idx %arg6[%iota3A, %broadcast_in_dim3A_1882, %broadcast_in_dim3A_1884, %and3A_1597] : memref<16x4x8x128xf32, #tpu.memory_space<vmem>>[vector<16xi32>, vector<16xi32>, vector<16xi32>, vector<16xi32>], vector<16xf32>,
      %mul3A_1886 = arith.constant 16 : i32
      %mul3A_1887 = arith.muli %scan3A_9, %mul3A_1886 : i32
      %swap3A_1888 = arith.constant 26 : i32
      %swap3A_1889 = arith.index_cast %swap3A_1888 : i32 to index
      %swap3A_1890 = arith.index_cast %mul3A_1887 : i32 to index
      %swap3A_1891 = tpu.vector_load %arg7[%swap3A_1889, %swap3A_1890] {strides = array<i32>} : memref<32x512xf32, #tpu.memory_space<vmem>>, vector<16xf32>,
      tpu.vector_store %arg7[%swap3A_1889, %swap3A_1890], %gather3A_1885 {strides = array<i32>} : memref<32x512xf32, #tpu.memory_space<vmem>>, vector<16xf32>,
      %broadcast_in_dim3A_1892 = arith.constant 3 : i32
      %broadcast_in_dim3A_1893 = vector.broadcast %broadcast_in_dim3A_1892 : i32 to vector<16xi32>
      %broadcast_in_dim3A_1894 = arith.constant 3 : i32
      %broadcast_in_dim3A_1895 = vector.broadcast %broadcast_in_dim3A_1894 : i32 to vector<16xi32>
      %gather3A_1896 = tpu.vector_load_idx %arg6[%iota3A, %broadcast_in_dim3A_1893, %broadcast_in_dim3A_1895, %and3A_1597] : memref<16x4x8x128xf32, #tpu.memory_space<vmem>>[vector<16xi32>, vector<16xi32>, vector<16xi32>, vector<16xi32>], vector<16xf32>,
      %mul3A_1897 = arith.constant 16 : i32
      %mul3A_1898 = arith.muli %scan3A_9, %mul3A_1897 : i32
      %swap3A_1899 = arith.constant 27 : i32
      %swap3A_1900 = arith.index_cast %swap3A_1899 : i32 to index
      %swap3A_1901 = arith.index_cast %mul3A_1898 : i32 to index
      %swap3A_1902 = tpu.vector_load %arg7[%swap3A_1900, %swap3A_1901] {strides = array<i32>} : memref<32x512xf32, #tpu.memory_space<vmem>>, vector<16xf32>,
      tpu.vector_store %arg7[%swap3A_1900, %swap3A_1901], %gather3A_1896 {strides = array<i32>} : memref<32x512xf32, #tpu.memory_space<vmem>>, vector<16xf32>,
      %broadcast_in_dim3A_1903 = arith.constant 3 : i32
      %broadcast_in_dim3A_1904 = vector.broadcast %broadcast_in_dim3A_1903 : i32 to vector<16xi32>
      %broadcast_in_dim3A_1905 = arith.constant 4 : i32
      %broadcast_in_dim3A_1906 = vector.broadcast %broadcast_in_dim3A_1905 : i32 to vector<16xi32>
      %gather3A_1907 = tpu.vector_load_idx %arg6[%iota3A, %broadcast_in_dim3A_1904, %broadcast_in_dim3A_1906, %and3A_1597] : memref<16x4x8x128xf32, #tpu.memory_space<vmem>>[vector<16xi32>, vector<16xi32>, vector<16xi32>, vector<16xi32>], vector<16xf32>,
      %mul3A_1908 = arith.constant 16 : i32
      %mul3A_1909 = arith.muli %scan3A_9, %mul3A_1908 : i32
      %swap3A_1910 = arith.constant 28 : i32
      %swap3A_1911 = arith.index_cast %swap3A_1910 : i32 to index
      %swap3A_1912 = arith.index_cast %mul3A_1909 : i32 to index
      %swap3A_1913 = tpu.vector_load %arg7[%swap3A_1911, %swap3A_1912] {strides = array<i32>} : memref<32x512xf32, #tpu.memory_space<vmem>>, vector<16xf32>,
      tpu.vector_store %arg7[%swap3A_1911, %swap3A_1912], %gather3A_1907 {strides = array<i32>} : memref<32x512xf32, #tpu.memory_space<vmem>>, vector<16xf32>,
      %broadcast_in_dim3A_1914 = arith.constant 3 : i32
      %broadcast_in_dim3A_1915 = vector.broadcast %broadcast_in_dim3A_1914 : i32 to vector<16xi32>
      %broadcast_in_dim3A_1916 = arith.constant 5 : i32
      %broadcast_in_dim3A_1917 = vector.broadcast %broadcast_in_dim3A_1916 : i32 to vector<16xi32>
      %gather3A_1918 = tpu.vector_load_idx %arg6[%iota3A, %broadcast_in_dim3A_1915, %broadcast_in_dim3A_1917, %and3A_1597] : memref<16x4x8x128xf32, #tpu.memory_space<vmem>>[vector<16xi32>, vector<16xi32>, vector<16xi32>, vector<16xi32>], vector<16xf32>,
      %mul3A_1919 = arith.constant 16 : i32
      %mul3A_1920 = arith.muli %scan3A_9, %mul3A_1919 : i32
      %swap3A_1921 = arith.constant 29 : i32
      %swap3A_1922 = arith.index_cast %swap3A_1921 : i32 to index
      %swap3A_1923 = arith.index_cast %mul3A_1920 : i32 to index
      %swap3A_1924 = tpu.vector_load %arg7[%swap3A_1922, %swap3A_1923] {strides = array<i32>} : memref<32x512xf32, #tpu.memory_space<vmem>>, vector<16xf32>,
      tpu.vector_store %arg7[%swap3A_1922, %swap3A_1923], %gather3A_1918 {strides = array<i32>} : memref<32x512xf32, #tpu.memory_space<vmem>>, vector<16xf32>,
      %broadcast_in_dim3A_1925 = arith.constant 3 : i32
      %broadcast_in_dim3A_1926 = vector.broadcast %broadcast_in_dim3A_1925 : i32 to vector<16xi32>
      %broadcast_in_dim3A_1927 = arith.constant 6 : i32
      %broadcast_in_dim3A_1928 = vector.broadcast %broadcast_in_dim3A_1927 : i32 to vector<16xi32>
      %gather3A_1929 = tpu.vector_load_idx %arg6[%iota3A, %broadcast_in_dim3A_1926, %broadcast_in_dim3A_1928, %and3A_1597] : memref<16x4x8x128xf32, #tpu.memory_space<vmem>>[vector<16xi32>, vector<16xi32>, vector<16xi32>, vector<16xi32>], vector<16xf32>,
      %mul3A_1930 = arith.constant 16 : i32
      %mul3A_1931 = arith.muli %scan3A_9, %mul3A_1930 : i32
      %swap3A_1932 = arith.constant 30 : i32
      %swap3A_1933 = arith.index_cast %swap3A_1932 : i32 to index
      %swap3A_1934 = arith.index_cast %mul3A_1931 : i32 to index
      %swap3A_1935 = tpu.vector_load %arg7[%swap3A_1933, %swap3A_1934] {strides = array<i32>} : memref<32x512xf32, #tpu.memory_space<vmem>>, vector<16xf32>,
      tpu.vector_store %arg7[%swap3A_1933, %swap3A_1934], %gather3A_1929 {strides = array<i32>} : memref<32x512xf32, #tpu.memory_space<vmem>>, vector<16xf32>,
      %broadcast_in_dim3A_1936 = arith.constant 3 : i32
      %broadcast_in_dim3A_1937 = vector.broadcast %broadcast_in_dim3A_1936 : i32 to vector<16xi32>
      %broadcast_in_dim3A_1938 = arith.constant 7 : i32
      %broadcast_in_dim3A_1939 = vector.broadcast %broadcast_in_dim3A_1938 : i32 to vector<16xi32>
      %gather3A_1940 = tpu.vector_load_idx %arg6[%iota3A, %broadcast_in_dim3A_1937, %broadcast_in_dim3A_1939, %and3A_1597] : memref<16x4x8x128xf32, #tpu.memory_space<vmem>>[vector<16xi32>, vector<16xi32>, vector<16xi32>, vector<16xi32>], vector<16xf32>,
      %mul3A_1941 = arith.constant 16 : i32
      %mul3A_1942 = arith.muli %scan3A_9, %mul3A_1941 : i32
      %swap3A_1943 = arith.constant 31 : i32
      %swap3A_1944 = arith.index_cast %swap3A_1943 : i32 to index
      %swap3A_1945 = arith.index_cast %mul3A_1942 : i32 to index
      %swap3A_1946 = tpu.vector_load %arg7[%swap3A_1944, %swap3A_1945] {strides = array<i32>} : memref<32x512xf32, #tpu.memory_space<vmem>>, vector<16xf32>,
      tpu.vector_store %arg7[%swap3A_1944, %swap3A_1945], %gather3A_1940 {strides = array<i32>} : memref<32x512xf32, #tpu.memory_space<vmem>>, vector<16xf32>,
      %scan3A_1947 = arith.constant 0 : i32
      scf.yield %scan3A_1947 : i32
    }
    %scan3A_8 = arith.constant 32 : i32
    "tpu.region"() ({
      %run_scoped3A = tpu.sem_alloc : memref<!tpu.dma_semaphore, #tpu.memory_space<semaphore_mem>>
      %dma_start3A = arith.constant 0 : i32
      %dma_start3A_9 = tpu.memref_slice %arg4[%dma_start3A, %mul3A_2] : memref<32x16384xf32, #tpu.memory_space<hbm>> -> memref<32x512xf32, #tpu.memory_space<hbm>>
      %dma_start3A_10 = arith.constant 0 : i32
      %dma_start3A_11 = tpu.memref_slice %arg4[%dma_start3A_10, %mul3A_2] : memref<32x16384xf32, #tpu.memory_space<hbm>> -> memref<32x512xf32, #tpu.memory_space<hbm>>
      tpu.enqueue_dma source(%arg7 : memref<32x512xf32, #tpu.memory_space<vmem>>) target(%dma_start3A_11 : memref<32x512xf32, #tpu.memory_space<hbm>>) target_semaphore(%run_scoped3A : memref<!tpu.dma_semaphore, #tpu.memory_space<semaphore_mem>>)
      %dma_wait3A = arith.constant 0 : i32
      %dma_wait3A_12 = tpu.memref_slice %arg4[%dma_wait3A, %mul3A_2] : memref<32x16384xf32, #tpu.memory_space<hbm>> -> memref<32x512xf32, #tpu.memory_space<hbm>>
      %dma_wait3A_13 = arith.constant 0 : i32
      %dma_wait3A_14 = tpu.memref_slice %arg4[%dma_wait3A_13, %mul3A_2] : memref<32x16384xf32, #tpu.memory_space<hbm>> -> memref<32x512xf32, #tpu.memory_space<hbm>>
      tpu.wait_dma2 semaphore(%run_scoped3A : memref<!tpu.dma_semaphore, #tpu.memory_space<semaphore_mem>>) src(%arg7 : memref<32x512xf32, #tpu.memory_space<vmem>>) dst(%dma_wait3A_14 : memref<32x512xf32, #tpu.memory_space<hbm>>)
      tpu.yield
    }) : () -> ()
    return
  }
}

</mosaic_0001>

<sc_bundles>
// kernel: kernel.3.cloned.1.call-start
scs
__scs_entry_jumppad:
0x0: {  	(pc) =	sbr.rel $0x88, $3  }
0x1: {  	(tag) =	ssettag $0x0;
	lr =	simm.s32 $0x1  }
0x2: {  	[smem:$0x3F9E] =	sst lr;
	_ =	strace $0xD0000000  }
0x3: {  	_ = 	snop  }
0x4: {  	_ = 	snop  }
0x5: {  	_ = 	snop  }
0x6: {  	_ = 	snop  }
0x7: {  	_ = 	snop  }
__scs_overlays_trampoline_lowered:
0x8: {  	[smem:$0x3FAD] =	sst s0  }
0x9: {  	[smem:$0x3FAE] =	sst s1  }
0xa: {  	[smem:$0x3FAF] =	sst s2  }
0xb: {  	[smem:$0x3FB0] =	sst s3  }
0xc: {  	[smem:$0x3FB1] =	sst s4  }
0xd: {  	[smem:$0x3FB2] =	sst s5  }
0xe: {  	[smem:$0x3FB3] =	sst s6  }
0xf: {  	[smem:$0x3FB4] =	sst s7  }
0x10: {  	[smem:$0x3FB5] =	sst s8  }
0x11: {  	[smem:$0x3FB6] =	sst s9;
	s0 =	simm.s32 @!p0 $0x0  }
0x12: {  	s1 =	sld [smem:$0x3F9C];
	s0 =	simm.s32 @p0 $0x1  }
0x13: {  	[smem:$0x3FB7] =	sst s0;
	s0 =	simm.s32 @!p1 $0x0  }
0x14: {  	s2 =	sld [smem:$0x3F9B];
	s0 =	simm.s32 @p1 $0x1  }
0x15: {  	[smem:$0x3FB8] =	sst s0;
	s0 =	simm.s32 @!p2 $0x0  }
0x16: {  	s3 =	sld [smem:$0x3FDB];
	s0 =	simm.s32 @p2 $0x1  }
0x17: {  	s4 =	simm.s32 $0x1BF5;
	[smem:$0x3FBA] =	sst s0  }
0x18: {  	s0 =	sld [smem:$0x3F9D];
	_ =	swait.ge [sflag:s4], $0x0  }
0x19: {  	s7 =	sld [smem:$0x3F9E]  }
0x1a: {  	s8 =	sadd.s32 $0xFFFFE003, lr  }
0x1b: {  	s9 =	sadd.s32 $0xFFFFFEF7, lr;
	s5 =	simm.s32 $0xFFFFFFFF;
	p2 =	slt.u32 s8, $0xFFFFF086  }
0x1c: {  	p1 =	slt.u32 s9, $0xF7A;
	s5 =	simm.s32 @!p2 $0x0  }
0x1d: {  	s5 =	simm.s32 @p1 $0x1;
	p0 =	seq.s32 s7, s2  }
0x1e: {  	s7 =	smul.u32 @!p0 $0xF7A, s2;
	p2 =	seq.s32 @!p0 s5, $0x0  }
0x1f: {  	s9 =	smul.u32 $0xF7A, s1;
	s8 =	simm.s32 @!p0 $0x1BF5;
	p2 =	por !p2, p0  }
0x20: {  	[sflag:s8] =	ssyncset.s32 @!p0 $0xFFFFF086;
	s6 =	sadd.s32 @!p0 s3, s7;
	s7 =	simm.s32 @!p0 $0x108  }
0x21: {  	s3 =	sadd.s32 s3, s9;
	s6 =	sadd.s32 @!p0 $0x88, s6;
	s7 =	simm.s32 @p2 $0x1082  }
0x22: {  	[simem:s7], [sflag:s8] =	dma.local @!p0 [hbm:s6], $0xF7A  }
0x23: {  	s9 =	sor.u32 $0xD0000000, s2;
	s6 =	simm.s32 $0x108;
	_ =	swait.ge @!p0 [sflag:s8], $0x0  }
0x24: {  	s3 =	sadd.s32 $0x88, s3;
	s6 =	simm.s32 @!p1 $0x1082;
	[sflag:s4] =	ssyncset.s32 $0xFFFFF086  }
0x25: {  	[simem:s6], [sflag:s4] =	dma.local [hbm:s3], $0xF7A  }
0x26: {  	[smem:$0x3F9E] =	sst s1;
	(tag) =	ssettag s2;
	_ =	strace s9  }
0x27: {  	s1 =	sld [smem:$0x3FAE]  }
0x28: {  	s2 =	sld [smem:$0x3FAF]  }
0x29: {  	s4 =	sld [smem:$0x3FB1]  }
0x2a: {  	p0 =	seq.s32 s5, $0x0;
	s5 =	sld [smem:$0x3FB2]  }
0x2b: {  	s6 =	sld [smem:$0x3FB3]  }
0x2c: {  	s7 =	sld [smem:$0x3FB4]  }
0x2d: {  	s3 =	simm.s32 $0x108;
	s8 =	sld [smem:$0x3FB5]  }
0x2e: {  	s3 =	simm.s32 @!p0 $0x1082;
	s9 =	sld [smem:$0x3FB6]  }
0x2f: {  	lr =	sadd.s32 s0, s3;
	s0 =	sld [smem:$0x3FAD]  }
0x30: {  	s3 =	sld [smem:$0x3FB0]  }
0x31: {  	[smem:$0x3FB9] =	sst s10  }
0x32: {  	s10 =	sld [smem:$0x3FB7];
	_ =	sdelay $0x3  }
0x33: {  	p0 =	seq.s32 s10, $0x1;
	s10 =	sld [smem:$0x3FB9];
	_ =	sdelay $0x3  }
0x34: {  	[smem:$0x3FB9] =	sst s10  }
0x35: {  	s10 =	sld [smem:$0x3FB8];
	_ =	sdelay $0x3  }
0x36: {  	p1 =	seq.s32 s10, $0x1;
	s10 =	sld [smem:$0x3FB9];
	_ =	sdelay $0x3  }
0x37: {  	[smem:$0x3FB9] =	sst s10  }
0x38: {  	s10 =	sld [smem:$0x3FBA]  }
0x39: {  	_ = 	snop;
	(pc) =	sbr.ind lr, $3  }
0x3a: {  	_ = 	snop  }
0x3b: {  	_ = 	snop  }
0x3c: {  	p2 =	seq.s32 s10, $0x1;
	s10 =	sld [smem:$0x3FB9]  }
0x3d: {  	_ =	shalt  }
0x3e: {  	_ =	shalt  }
0x3f: {  	_ =	shalt  }
0x40: {  	_ =	shalt  }
0x41: {  	_ =	shalt  }
0x42: {  	_ =	shalt  }
0x43: {  	_ =	shalt  }
0x44: {  	_ =	shalt  }
0x45: {  	_ =	shalt  }
0x46: {  	_ =	shalt  }
0x47: {  	_ =	shalt  }
0x48: {  	_ =	shalt  }
0x49: {  	_ =	shalt  }
0x4a: {  	_ =	shalt  }
0x4b: {  	_ =	shalt  }
0x4c: {  	_ =	shalt  }
0x4d: {  	_ =	shalt  }
0x4e: {  	_ =	shalt  }
0x4f: {  	_ =	shalt  }
0x50: {  	_ =	shalt  }
0x51: {  	_ =	shalt  }
0x52: {  	_ =	shalt  }
0x53: {  	_ =	shalt  }
0x54: {  	_ =	shalt  }
0x55: {  	_ =	shalt  }
0x56: {  	_ =	shalt  }
0x57: {  	_ =	shalt  }
0x58: {  	_ =	shalt  }
0x59: {  	_ =	shalt  }
0x5a: {  	_ =	shalt  }
0x5b: {  	_ =	shalt  }
0x5c: {  	_ =	shalt  }
0x5d: {  	_ =	shalt  }
0x5e: {  	_ =	shalt  }
0x5f: {  	_ =	shalt  }
0x60: {  	_ =	shalt  }
0x61: {  	_ =	shalt  }
0x62: {  	_ =	shalt  }
0x63: {  	_ =	shalt  }
0x64: {  	_ =	shalt  }
0x65: {  	_ =	shalt  }
0x66: {  	_ =	shalt  }
0x67: {  	_ =	shalt  }
0x68: {  	_ =	shalt  }
0x69: {  	_ =	shalt  }
0x6a: {  	_ =	shalt  }
0x6b: {  	_ =	shalt  }
0x6c: {  	_ =	shalt  }
0x6d: {  	_ =	shalt  }
0x6e: {  	_ =	shalt  }
0x6f: {  	_ =	shalt  }
0x70: {  	_ =	shalt  }
0x71: {  	_ =	shalt  }
0x72: {  	_ =	shalt  }
0x73: {  	_ =	shalt  }
0x74: {  	_ =	shalt  }
0x75: {  	_ =	shalt  }
0x76: {  	_ =	shalt  }
0x77: {  	_ =	shalt  }
0x78: {  	_ =	shalt  }
0x79: {  	_ =	shalt  }
0x7a: {  	_ =	shalt  }
0x7b: {  	_ =	shalt  }
0x7c: {  	_ =	shalt  }
0x7d: {  	_ =	shalt  }
0x7e: {  	_ =	shalt  }
0x7f: {  	_ =	shalt  }
0x80: {  	_ =	shalt  }
0x81: {  	_ =	shalt  }
0x82: {  	_ =	shalt  }
0x83: {  	_ =	shalt  }
0x84: {  	_ =	shalt  }
0x85: {  	_ =	shalt  }
0x86: {  	_ =	shalt  }
0x87: {  	_ =	shalt  }
.Lfunc_end0:
.L_simem_size_0:
called_computation_lowered:
.L_overlay_start_0:
0x88: {  	s2 =	sld [smem:$0x3FD9]  }
0x89: {  	s3 =	sld [smem:$0x3FFE];
	_ =	sdelay $0x1  }
0x8a: {  	s1 =	srdreg.scid  }
0x8b: {  	s0 =	sand.u32 $0x1, s1  }
0x8c: {  	s17 =	sshll.u32 s0, $0xA;
	s2 =	sadd.s32 s3, s2  }
0x8d: {  	s2 =	sadd.s32 s2, s17  }
0x8e: {  	[smem:$0x3FC5] =	sst s2  }
0x8f: {  	_ = 	snop  }
0x90: {  	s2 =	sld [smem:$0x3FC7]  }
0x91: {  	s18 =	sld [smem:$0x3FD0];
	(tm) =	ssettm $0x1  }
0x92: {  	s4 =	sld [smem:$0x3FFB];
	_ =	sdelay $0x3  }
0x93: {  	_ =	strace s4  }
0x94: {  	s4 =	sld [smem:$0x3FFC];
	_ =	sdelay $0x3  }
0x95: {  	_ =	strace s4  }
0x96: {  	s4 =	sld [smem:$0x3FFD];
	_ =	sdelay $0x3  }
0x97: {  	_ =	strace s4  }
0x98: {  	_ =	strace $0x8FFFFFFF  }
0x99: {  	s19 =	sld [smem:$0x3FDB];
	_ =	sdelay $0x1  }
0x9a: {  	s5 =	simm.s32 $_scs_section_size  }
0x9b: {  	s6 =	simm.s32 $_size__tile_overlayer_lowered;
	s7 =	simm.s32 $_tile_overlayer_lowered  }
0x9c: {  	s22 =	simm.s32 $0x1BFF;
	s21 =	sshll.u32 s7, $0x1;
	s4 =	sadd.s32 s5, s19  }
0x9d: {  	s8 =	simm.s32 $0x0;
	s20 =	sshll.u32 s6, $0x1;
	s6 =	sadd.s32 s21, s4  }
0x9e: {  	[timem:s8], [sflag:s22] =	dma.local [hbm:s6], s20  }
0x9f: {  	_ =	swait.ge [sflag:s22], s20  }
0xa0: {  	s5 =	ssub.s32 $0x0, s20;
	[sflag:s22] =	ssyncset.done $0x0  }
0xa1: {  	[sflag:s22] =	ssyncadd.s32 s5;
	_ =	sdelay $0x1  }
0xa2: {  	s23 =	simm.s32 $0x1B8B  }
0xa3: {  	_ =	swait.ge [sflag:s23], $0x1  }
0xa4: {  	[sflag:s23] =	ssyncset.done $0x0  }
0xa5: {  	s25 =	simm.s32 $0x1B8E;
	s24 =	sld [smem:$0x3FFE];
	[sflag:s23] =	ssyncadd.s32 $0xFFFFFFFF  }
0xa6: {  	s26 =	simm.s32 $execute0_lowered;
	[smem:$0x3FD2] =	sst s25  }
0xa7: {  	s6 =	sshll.u32 s26, $0x1;
	_ =	strace $0x80000046;
	[dreg:$0x1] =	wrdreg $0xFFFFFFFF  }
0xa8: {  	s28 =	simm.s32 $_size_execute0_lowered;
	s4 =	sadd.s32 s4, s6;
	[dreg:$0x0] =	wrdreg $0x0  }
0xa9: {  	s6 =	sshll.u32 s28, $0x1;
	[dreg:$0x2] =	wrdreg s4  }
0xaa: {  	[dreg:$0x3] =	wrdreg s6  }
0xab: {  	[dreg:$0x4] =	wrdreg $0xC0  }
0xac: {  	_ =	task [dreg:s8], $0x5FFFF  }
0xad: {  	[dreg:$0x1] =	wrdreg $0xFFFFFFFF  }
0xae: {  	[dreg:$0x0] =	wrdreg $0x60  }
0xaf: {  	[dreg:$0x2] =	wrdreg s2  }
0xb0: {  	[dreg:$0x3] =	wrdreg s24  }
0xb1: {  	[dreg:$0x4] =	wrdreg s18  }
0xb2: {  	[dreg:$0x5] =	wrdreg $0x9  }
0xb3: {  	_ =	task.clear_ibuf [dreg:s8], $0x6FFFF;
	_ =	strace $0x90000046  }
0xb4: {  	s29 =	simm.s32 $0x9;
	_ =	strace $0x80000048  }
0xb5: {  	_ =	swait.ge [sflag:s29], $0x1  }
0xb6: {  	[sflag:s29] =	ssyncadd.s32 $0xFFFFFFFF  }
0xb7: {  	_ =	strace $0x90000048  }
0xb8: {  	_ =	sfence  }
0xb9: {  	s30 =	sld [smem:$0x0];
	_ =	sdelay $0x2  }
0xba: {  	s31 =	sshll.u32 s1, $0xD;
	s1 =	sshrl.u32 s1, $0x2  }
0xbb: {  	s3 =	sand.u32 $0x4000, s31;
	s1 =	sadd.s32 s1, s30  }
0xbc: {  	s0 =	sor.u32 s3, s0;
	s1 =	sshll.u32 s1, $0x11  }
0xbd: {  	s0 =	sor.u32 s1, s0  }
0xbe: {  	s0 =	sadd.s32 $0x8F2B, s0  }
0xbf: {  	[sflag:s0] =	ssyncadd.remote.s32 $0x1  }
0xc0: {  	_ =	sfence.sel $0xFFFF  }
0xc1: {  	[dreg:$0x0] =	wrdreg $0xFFFFFFFF;
	(pc) =	sbr.abs _section_cstart, $3  }
0xc2: {  	[dreg:$0x1] =	wrdreg $0xFFFFFFFF  }
0xc3: {  	_ =	task.clear_ibuf [dreg:s8], $0x2FFFF;
	_ =	strace $0x9FFFFFFF  }
0xc4: {  	(tm) =	ssettm $0x7FFFFFFF  }
0xc5: {  	_ =	shalt  }
tec
execute0_lowered:
.L_overlay_start_1:
0x0: {  	(tag) =	ssettag $0x1  }
0x1: {  	s1 =	rddreg [dreg:$0x0]  }
0x2: {  	s4 =	rddreg [dreg:$0x1]  }
0x3: {  	s8 =	rddreg [dreg:$0x2]  }
0x4: {  	s0 =	rddreg [dreg:$0x3];
	s2 =	simm.s32 $0x0  }
0x5: {  	s3 =	simm.s32 $0x600;
	[smem:$0x7FF] =	sst s2  }
0x6: {  	s21 =	simm.s32 $0xA00;
	_ =	strace $0x80000047;
	[dreg:$0x4] =	wrdreg s3  }
0x7: {  	s22 =	simm.s32 $0xE00;
	[dreg:$0x5] =	wrdreg s21  }
0x8: {  	s23 =	simm.s32 $0x1200;
	[dreg:$0x6] =	wrdreg s22  }
0x9: {  	s24 =	simm.s32 $0x1600;
	[dreg:$0x7] =	wrdreg s23  }
0xa: {  	s25 =	simm.s32 $0x1A00;
	[dreg:$0x8] =	wrdreg s24  }
0xb: {  	s26 =	simm.s32 $0x1E00;
	[dreg:$0x9] =	wrdreg s25  }
0xc: {  	s28 =	simm.s32 $0x2200;
	[dreg:$0xa] =	wrdreg s26  }
0xd: {  	s29 =	simm.s32 $0x2600;
	[dreg:$0xb] =	wrdreg s28  }
0xe: {  	s30 =	simm.s32 $0x2A00;
	[dreg:$0xc] =	wrdreg s29  }
0xf: {  	s31 =	simm.s32 $0x2E00;
	[dreg:$0xd] =	wrdreg s30  }
0x10: {  	s5 =	simm.s32 $0x3200;
	[dreg:$0xe] =	wrdreg s31  }
0x11: {  	s6 =	simm.s32 $0x3600;
	[dreg:$0xf] =	wrdreg s5  }
0x12: {  	s7 =	simm.s32 $0x3A00;
	[dreg:$0x10] =	wrdreg s6  }
0x13: {  	s9 =	simm.s32 $0x3E00;
	[dreg:$0x11] =	wrdreg s7  }
0x14: {  	s10 =	simm.s32 $0x4200;
	[dreg:$0x12] =	wrdreg s9  }
0x15: {  	s11 =	simm.s32 $0x4600;
	[dreg:$0x13] =	wrdreg s10  }
0x16: {  	s12 =	simm.s32 $0x4A00;
	[dreg:$0x14] =	wrdreg s11  }
0x17: {  	s13 =	simm.s32 $0x4E00;
	[dreg:$0x15] =	wrdreg s12  }
0x18: {  	s14 =	simm.s32 $0x5200;
	[dreg:$0x16] =	wrdreg s13  }
0x19: {  	s15 =	simm.s32 $0x5600;
	[dreg:$0x17] =	wrdreg s14  }
0x1a: {  	s16 =	simm.s32 $0x5A00;
	[dreg:$0x18] =	wrdreg s15  }
0x1b: {  	s17 =	simm.s32 $0x5E00;
	[dreg:$0x19] =	wrdreg s16  }
0x1c: {  	s18 =	simm.s32 $0x6200;
	[dreg:$0x1a] =	wrdreg s17  }
0x1d: {  	s19 =	simm.s32 $0x6600;
	[dreg:$0x1b] =	wrdreg s18  }
0x1e: {  	s20 =	simm.s32 $0x6A00;
	[dreg:$0x1c] =	wrdreg s19  }
0x1f: {  	[dreg:$0x1d] =	wrdreg s20;
	s21 =	simm.s32 $0x6E00  }
0x20: {  	s22 =	simm.s32 $0x7200;
	[dreg:$0x1e] =	wrdreg s21  }
0x21: {  	s23 =	simm.s32 $0x7600;
	[dreg:$0x1f] =	wrdreg s22  }
0x22: {  	s24 =	simm.s32 $0x7A00;
	[smem:$0x7DB] =	sst s23  }
0x23: {  	s25 =	simm.s32 $0x7E00;
	[smem:$0x7DC] =	sst s24  }
0x24: {  	s26 =	simm.s32 $0x8200;
	[smem:$0x7DD] =	sst s25  }
0x25: {  	s28 =	simm.s32 $0x8600;
	[smem:$0x7DE] =	sst s26  }
0x26: {  	s29 =	simm.s32 $0x8A00;
	[smem:$0x7DF] =	sst s28  }
0x27: {  	s30 =	simm.s32 $0x8E00;
	[smem:$0x7E0] =	sst s29  }
0x28: {  	s31 =	simm.s32 $0x9200;
	[smem:$0x7E1] =	sst s30  }
0x29: {  	s5 =	simm.s32 $0x9600;
	[smem:$0x7E2] =	sst s31  }
0x2a: {  	s6 =	simm.s32 $0x9A00;
	[smem:$0x7E3] =	sst s5  }
0x2b: {  	s7 =	simm.s32 $0x9E00;
	[smem:$0x7E4] =	sst s6  }
0x2c: {  	s9 =	simm.s32 $0xA200;
	[smem:$0x7E5] =	sst s7  }
0x2d: {  	s10 =	simm.s32 $0xA600;
	[smem:$0x7E6] =	sst s9  }
0x2e: {  	s11 =	simm.s32 $0xAA00;
	[smem:$0x7E7] =	sst s10  }
0x2f: {  	s12 =	simm.s32 $0xAE00;
	[smem:$0x7E8] =	sst s11  }
0x30: {  	s13 =	simm.s32 $0xB200;
	[smem:$0x7E9] =	sst s12  }
0x31: {  	s14 =	simm.s32 $0xBA00;
	[smem:$0x7EA] =	sst s13  }
0x32: {  	s15 =	simm.s32 $0xBE00;
	[smem:$0x7EC] =	sst s14  }
0x33: {  	s16 =	simm.s32 $0xC200;
	[smem:$0x7ED] =	sst s15  }
0x34: {  	s17 =	simm.s32 $0xC600;
	[smem:$0x7EE] =	sst s16  }
0x35: {  	s18 =	simm.s32 $0xCA00;
	[smem:$0x7EF] =	sst s17  }
0x36: {  	s19 =	simm.s32 $0xCE00;
	[smem:$0x7F0] =	sst s18  }
0x37: {  	s20 =	simm.s32 $0xD200;
	[smem:$0x7F1] =	sst s19  }
0x38: {  	s6 =	simm.s32 $0xB600;
	[smem:$0x7F2] =	sst s20  }
0x39: {  	s21 =	simm.s32 $0xD600;
	[smem:$0x7EB] =	sst s6  }
0x3a: {  	s3 =	stileid.u32;
	s23 =	simm.s32 $0xDA00;
	[smem:$0x7F3] =	sst s21  }
0x3b: {  	v0 =	vlaneseq.u32;
	s5 =	srdreg.scid;
	s24 =	simm.s32 $0xDE00;
	[smem:$0x7F4] =	sst s23  }
0x3c: {  	v0 =	vmul.u32 $0x1000, v0;
	s7 =	sshll.u32 s3, $0xA;
	s25 =	simm.s32 $0xE200;
	[smem:$0x7F5] =	sst s24  }
0x3d: {  	s26 =	simm.s32 $0xE600;
	s11 =	simm.s32 $0xEA00;
	[smem:$0x7F6] =	sst s25  }
0x3e: {  	v1 =	vor.u32 $0x80, v0;
	s28 =	simm.s32 $0xEE00;
	s29 =	simm.s32 $0xF200;
	[smem:$0x7F7] =	sst s26  }
0x3f: {  	v2 =	vor.u32 $0x100, v0;
	v3 =	vor.u32 $0x180, v0;
	v5 =	vor.u32 $0x280, v0;
	s30 =	simm.s32 $0xF600;
	s12 =	simm.s32 $0xFA00;
	[smem:$0x7F8] =	sst s11  }
0x40: {  	v6 =	vor.u32 $0x300, v0;
	v7 =	vor.u32 $0x380, v0;
	v8 =	vor.u32 $0x400, v0;
	s31 =	simm.s32 $0xFE00;
	s13 =	simm.s32 $0x1000;
	[smem:$0x7F9] =	sst s28  }
0x41: {  	v9 =	vor.u32 $0x480, v0;
	v10 =	vor.u32 $0x500, v0;
	v11 =	vor.u32 $0x580, v0;
	s14 =	simm.s32 $0x20000;
	s15 =	simm.s32 $0x10200;
	[smem:$0x7FA] =	sst s29  }
0x42: {  	v12 =	vor.u32 $0x600, v0;
	v13 =	vor.u32 $0x680, v0;
	v14 =	vor.u32 $0x700, v0;
	s16 =	simm.s32 $0x0;
	s5 =	sand.u32 $0x1, s5;
	[smem:$0x7FB] =	sst s30  }
0x43: {  	v4 =	vor.u32 $0x200, v0;
	v15 =	vor.u32 $0x780, v0;
	v16 =	vor.u32 $0x800, v0;
	s6 =	sadd.s32 $0x1E8500, s1;
	s11 =	simm.s32 $0x200;
	[smem:$0x7FC] =	sst s12  }
0x44: {  	v17 =	vor.u32 $0x880, v0;
	v18 =	vor.u32 $0x900, v0;
	v19 =	vor.u32 $0x980, v0;
	[smem:$0x7FD] =	sst s31;
	s9 =	sshll.u32 s5, $0x9;
	s5 =	ssub.s32 $0x2, s5  }
0x45: {  	v20 =	vor.u32 $0xA00, v0;
	v21 =	vor.u32 $0xA80, v0;
	v22 =	vor.u32 $0xB00, v0;
	s12 =	simm.s32 $0x1;
	s9 =	sor.u32 s9, s7;
	s22 =	sshrl.u32 s5, $0x1  }
0x46: {  	v23 =	vor.u32 $0xB80, v0;
	v24 =	vor.u32 $0xC00, v0;
	v25 =	vor.u32 $0xC80, v0;
	s7 =	sshrl.u32 s9, $0x3;
	s10 =	ssub.s32 s5, s22;
	s5 =	sadd.s32 $0xF4280, s1  }
0x47: {  	v26 =	vor.u32 $0xD00, v0;
	v27 =	vor.u32 $0xD80, v0;
	v28 =	vor.u32 $0xE00, v0;
	s8 =	sadd.s32 s8, s9;
	s4 =	sadd.s32 s7, s4;
	s7 =	sadd.s32 $0x2DC780, s1  }
0x48: {  	v29 =	vor.u32 $0xE80, v0;
	v30 =	vor.u32 $0xF00, v0;
	v31 =	vor.u32 $0xF80, v0;
	s9 =	smax.u32 s10, $0x1;
	s10 =	simm.s32 $0x2;
	s4 =	sadd.s32 $0x600, s4  }
.LBB2_1:
0x49: {  	[tilespmem:s2], [sflag:$0x2] =	stream.linear.gather [hbm4b:s4+s2], $0x200, $0x38;
	[tilespmem:$0x14200] =	vst v63  }
0x4a: {  	_ =	swait.ge [sflag:s10], $0x200  }
0x4b: {  	s17 =	simm.s32 $0x0;
	[sflag:s10] =	ssyncset.done $0x0  }
0x4c: {  	s18 =	simm.s32 $0x0;
	s19 =	simm.s32 $0x0;
	[sflag:s10] =	ssyncadd.s32 $0xFFFFFE00  }
.LBB2_2:
0x4d: {  	v32 =	vld [tilespmem:s17+$0x0];
	_ =	sdelay $0x4  }
0x4e: {  	v33 =	vand.u32 $0xFFFFFF80, v32  }
0x4f: {  	(v2sf) =	vpush v33, $0x0;
	_ =	sdelay $0x6  }
0x50: {  	(v2sf) =	vpush v33, $0x1;
	_ =	sdelay $0x7  }
0x51: {  	s20 =	spop (v2sf);
	(v2sf) =	vpush v33, $0x2  }
0x52: {  	s22 =	rddreg [dreg:$0x4];
	s21 =	sadd.s32 s1, s20  }
0x53: {  	[tilespmem:s11], [sflag:$0x1] =	stream.linear.gather [hbm4b:s21+s2], $0x400, $0x38;
	[tilespmem:$0x14200] =	vst v63  }
0x54: {  	s23 =	rddreg [dreg:$0x5];
	s29 =	sadd.s32 s20, s5  }
0x55: {  	[tilespmem:s22], [sflag:$0x1] =	stream.linear.gather [hbm4b:s29+s2], $0x400, $0x38;
	[tilespmem:$0x14200] =	vst v63  }
0x56: {  	s31 =	rddreg [dreg:$0x6];
	s30 =	sadd.s32 s20, s6  }
0x57: {  	[tilespmem:s23], [sflag:$0x1] =	stream.linear.gather [hbm4b:s30+s2], $0x400, $0x38;
	[tilespmem:$0x14200] =	vst v63  }
0x58: {  	s26 =	rddreg [dreg:$0x8];
	s20 =	sadd.s32 s20, s7;
	s24 =	spop (v2sf)  }
0x59: {  	(v2sf) =	vpush v33, $0x3;
	[tilespmem:s31], [sflag:$0x1] =	stream.linear.gather [hbm4b:s20+s2], $0x400, $0x38;
	[tilespmem:$0x14200] =	vst v63  }
0x5a: {  	s25 =	sadd.s32 s1, s24;
	s23 =	rddreg [dreg:$0x7]  }
0x5b: {  	[tilespmem:s23], [sflag:$0x1] =	stream.linear.gather [hbm4b:s25+s2], $0x400, $0x38;
	[tilespmem:$0x14200] =	vst v63  }
0x5c: {  	s28 =	sadd.s32 s24, s5;
	s29 =	rddreg [dreg:$0x9]  }
0x5d: {  	[tilespmem:s26], [sflag:$0x1] =	stream.linear.gather [hbm4b:s28+s2], $0x400, $0x38;
	[tilespmem:$0x14200] =	vst v63  }
0x5e: {  	s30 =	sadd.s32 s24, s6;
	s31 =	rddreg [dreg:$0xa]  }
0x5f: {  	[tilespmem:s29], [sflag:$0x1] =	stream.linear.gather [hbm4b:s30+s2], $0x400, $0x38;
	[tilespmem:$0x14200] =	vst v63  }
0x60: {  	s22 =	sadd.s32 s24, s7;
	s23 =	rddreg [dreg:$0xb];
	s24 =	spop (v2sf)  }
0x61: {  	(v2sf) =	vpush v33, $0x4;
	[tilespmem:s31], [sflag:$0x1] =	stream.linear.gather [hbm4b:s22+s2], $0x400, $0x38;
	[tilespmem:$0x14200] =	vst v63  }
0x62: {  	s26 =	rddreg [dreg:$0xc];
	s25 =	sadd.s32 s1, s24  }
0x63: {  	[tilespmem:s23], [sflag:$0x1] =	stream.linear.gather [hbm4b:s25+s2], $0x400, $0x38;
	[tilespmem:$0x14200] =	vst v63  }
0x64: {  	s29 =	rddreg [dreg:$0xd];
	s28 =	sadd.s32 s24, s5  }
0x65: {  	[tilespmem:s26], [sflag:$0x1] =	stream.linear.gather [hbm4b:s28+s2], $0x400, $0x38;
	[tilespmem:$0x14200] =	vst v63  }
0x66: {  	s30 =	sadd.s32 s24, s6;
	s31 =	rddreg [dreg:$0xe]  }
0x67: {  	[tilespmem:s29], [sflag:$0x1] =	stream.linear.gather [hbm4b:s30+s2], $0x400, $0x38;
	[tilespmem:$0x14200] =	vst v63  }
0x68: {  	s22 =	sadd.s32 s24, s7;
	s24 =	spop (v2sf);
	s23 =	rddreg [dreg:$0xf]  }
0x69: {  	(v2sf) =	vpush v33, $0x5;
	[tilespmem:s31], [sflag:$0x1] =	stream.linear.gather [hbm4b:s22+s2], $0x400, $0x38;
	[tilespmem:$0x14200] =	vst v63  }
0x6a: {  	s25 =	sadd.s32 s1, s24;
	s26 =	rddreg [dreg:$0x10]  }
0x6b: {  	[tilespmem:s23], [sflag:$0x1] =	stream.linear.gather [hbm4b:s25+s2], $0x400, $0x38;
	[tilespmem:$0x14200] =	vst v63  }
0x6c: {  	s28 =	sadd.s32 s24, s5;
	s29 =	rddreg [dreg:$0x11]  }
0x6d: {  	[tilespmem:s26], [sflag:$0x1] =	stream.linear.gather [hbm4b:s28+s2], $0x400, $0x38;
	[tilespmem:$0x14200] =	vst v63  }
0x6e: {  	s30 =	sadd.s32 s24, s6;
	s31 =	rddreg [dreg:$0x12]  }
0x6f: {  	[tilespmem:s29], [sflag:$0x1] =	stream.linear.gather [hbm4b:s30+s2], $0x400, $0x38;
	[tilespmem:$0x14200] =	vst v63  }
0x70: {  	s22 =	sadd.s32 s24, s7;
	s23 =	rddreg [dreg:$0x13];
	s24 =	spop (v2sf)  }
0x71: {  	(v2sf) =	vpush v33, $0x6;
	[tilespmem:s31], [sflag:$0x1] =	stream.linear.gather [hbm4b:s22+s2], $0x400, $0x38;
	[tilespmem:$0x14200] =	vst v63  }
0x72: {  	s26 =	rddreg [dreg:$0x14];
	s25 =	sadd.s32 s1, s24  }
0x73: {  	[tilespmem:s23], [sflag:$0x1] =	stream.linear.gather [hbm4b:s25+s2], $0x400, $0x38;
	[tilespmem:$0x14200] =	vst v63  }
0x74: {  	s29 =	rddreg [dreg:$0x15];
	s28 =	sadd.s32 s24, s5  }
0x75: {  	[tilespmem:s26], [sflag:$0x1] =	stream.linear.gather [hbm4b:s28+s2], $0x400, $0x38;
	[tilespmem:$0x14200] =	vst v63  }
0x76: {  	s30 =	sadd.s32 s24, s6;
	s31 =	rddreg [dreg:$0x16]  }
0x77: {  	[tilespmem:s29], [sflag:$0x1] =	stream.linear.gather [hbm4b:s30+s2], $0x400, $0x38;
	[tilespmem:$0x14200] =	vst v63  }
0x78: {  	s22 =	sadd.s32 s24, s7;
	s24 =	spop (v2sf);
	s23 =	rddreg [dreg:$0x17]  }
0x79: {  	(v2sf) =	vpush v33, $0x7;
	[tilespmem:s31], [sflag:$0x1] =	stream.linear.gather [hbm4b:s22+s2], $0x400, $0x38;
	[tilespmem:$0x14200] =	vst v63  }
0x7a: {  	s25 =	sadd.s32 s1, s24;
	s26 =	rddreg [dreg:$0x18]  }
0x7b: {  	[tilespmem:s23], [sflag:$0x1] =	stream.linear.gather [hbm4b:s25+s2], $0x400, $0x38;
	[tilespmem:$0x14200] =	vst v63  }
0x7c: {  	s28 =	sadd.s32 s24, s5;
	s29 =	rddreg [dreg:$0x19]  }
0x7d: {  	[tilespmem:s26], [sflag:$0x1] =	stream.linear.gather [hbm4b:s28+s2], $0x400, $0x38;
	[tilespmem:$0x14200] =	vst v63  }
0x7e: {  	s30 =	sadd.s32 s24, s6;
	s31 =	rddreg [dreg:$0x1a]  }
0x7f: {  	[tilespmem:s29], [sflag:$0x1] =	stream.linear.gather [hbm4b:s30+s2], $0x400, $0x38;
	[tilespmem:$0x14200] =	vst v63  }
0x80: {  	s22 =	sadd.s32 s24, s7;
	s23 =	rddreg [dreg:$0x1b];
	s24 =	spop (v2sf)  }
0x81: {  	(v2sf) =	vpush v33, $0x8;
	[tilespmem:s31], [sflag:$0x1] =	stream.linear.gather [hbm4b:s22+s2], $0x400, $0x38;
	[tilespmem:$0x14200] =	vst v63  }
0x82: {  	s26 =	rddreg [dreg:$0x1c];
	s25 =	sadd.s32 s1, s24  }
0x83: {  	[tilespmem:s23], [sflag:$0x1] =	stream.linear.gather [hbm4b:s25+s2], $0x400, $0x38;
	[tilespmem:$0x14200] =	vst v63  }
0x84: {  	s28 =	sadd.s32 s24, s5;
	s29 =	rddreg [dreg:$0x1d]  }
0x85: {  	[tilespmem:s26], [sflag:$0x1] =	stream.linear.gather [hbm4b:s28+s2], $0x400, $0x38;
	[tilespmem:$0x14200] =	vst v63  }
0x86: {  	s30 =	sadd.s32 s24, s6;
	s31 =	rddreg [dreg:$0x1e]  }
0x87: {  	[tilespmem:s29], [sflag:$0x1] =	stream.linear.gather [hbm4b:s30+s2], $0x400, $0x38;
	[tilespmem:$0x14200] =	vst v63  }
0x88: {  	s22 =	sadd.s32 s24, s7;
	s24 =	spop (v2sf);
	s23 =	rddreg [dreg:$0x1f]  }
0x89: {  	(v2sf) =	vpush v33, $0x9;
	[tilespmem:s31], [sflag:$0x1] =	stream.linear.gather [hbm4b:s22+s2], $0x400, $0x38;
	[tilespmem:$0x14200] =	vst v63  }
0x8a: {  	s25 =	sadd.s32 s1, s24;
	s26 =	sld [smem:$0x7DB]  }
0x8b: {  	[tilespmem:s23], [sflag:$0x1] =	stream.linear.gather [hbm4b:s25+s2], $0x400, $0x38;
	[tilespmem:$0x14200] =	vst v63  }
0x8c: {  	s28 =	sadd.s32 s24, s5;
	s29 =	sld [smem:$0x7DC]  }
0x8d: {  	[tilespmem:s26], [sflag:$0x1] =	stream.linear.gather [hbm4b:s28+s2], $0x400, $0x38;
	[tilespmem:$0x14200] =	vst v63  }
0x8e: {  	s30 =	sadd.s32 s24, s6;
	s31 =	sld [smem:$0x7DD]  }
0x8f: {  	[tilespmem:s29], [sflag:$0x1] =	stream.linear.gather [hbm4b:s30+s2], $0x400, $0x38;
	[tilespmem:$0x14200] =	vst v63  }
0x90: {  	s22 =	sadd.s32 s24, s7;
	s23 =	sld [smem:$0x7DE];
	s24 =	spop (v2sf)  }
0x91: {  	(v2sf) =	vpush v33, $0xA;
	[tilespmem:s31], [sflag:$0x1] =	stream.linear.gather [hbm4b:s22+s2], $0x400, $0x38;
	[tilespmem:$0x14200] =	vst v63  }
0x92: {  	s26 =	sld [smem:$0x7DF];
	s25 =	sadd.s32 s1, s24  }
0x93: {  	[tilespmem:s23], [sflag:$0x1] =	stream.linear.gather [hbm4b:s25+s2], $0x400, $0x38;
	[tilespmem:$0x14200] =	vst v63  }
0x94: {  	s28 =	sadd.s32 s24, s5;
	s29 =	sld [smem:$0x7E0]  }
0x95: {  	[tilespmem:s26], [sflag:$0x1] =	stream.linear.gather [hbm4b:s28+s2], $0x400, $0x38;
	[tilespmem:$0x14200] =	vst v63  }
0x96: {  	s30 =	sadd.s32 s24, s6;
	s31 =	sld [smem:$0x7E1]  }
0x97: {  	[tilespmem:s29], [sflag:$0x1] =	stream.linear.gather [hbm4b:s30+s2], $0x400, $0x38;
	[tilespmem:$0x14200] =	vst v63  }
0x98: {  	s22 =	sadd.s32 s24, s7;
	s24 =	spop (v2sf);
	s23 =	sld [smem:$0x7E2]  }
0x99: {  	(v2sf) =	vpush v33, $0xB;
	[tilespmem:s31], [sflag:$0x1] =	stream.linear.gather [hbm4b:s22+s2], $0x400, $0x38;
	[tilespmem:$0x14200] =	vst v63  }
0x9a: {  	s25 =	sadd.s32 s1, s24;
	s26 =	sld [smem:$0x7E3]  }
0x9b: {  	[tilespmem:s23], [sflag:$0x1] =	stream.linear.gather [hbm4b:s25+s2], $0x400, $0x38;
	[tilespmem:$0x14200] =	vst v63  }
0x9c: {  	s28 =	sadd.s32 s24, s5;
	s29 =	sld [smem:$0x7E4]  }
0x9d: {  	[tilespmem:s26], [sflag:$0x1] =	stream.linear.gather [hbm4b:s28+s2], $0x400, $0x38;
	[tilespmem:$0x14200] =	vst v63  }
0x9e: {  	s30 =	sadd.s32 s24, s6;
	s31 =	sld [smem:$0x7E5]  }
0x9f: {  	[tilespmem:s29], [sflag:$0x1] =	stream.linear.gather [hbm4b:s30+s2], $0x400, $0x38;
	[tilespmem:$0x14200] =	vst v63  }
0xa0: {  	s22 =	sadd.s32 s24, s7;
	s23 =	sld [smem:$0x7E6];
	s24 =	spop (v2sf)  }
0xa1: {  	(v2sf) =	vpush v33, $0xC;
	[tilespmem:s31], [sflag:$0x1] =	stream.linear.gather [hbm4b:s22+s2], $0x400, $0x38;
	[tilespmem:$0x14200] =	vst v63  }
0xa2: {  	s25 =	sadd.s32 s1, s24;
	s26 =	sld [smem:$0x7E7]  }
0xa3: {  	[tilespmem:s23], [sflag:$0x1] =	stream.linear.gather [hbm4b:s25+s2], $0x400, $0x38;
	[tilespmem:$0x14200] =	vst v63  }
0xa4: {  	s28 =	sadd.s32 s24, s5;
	s29 =	sld [smem:$0x7E8]  }
0xa5: {  	[tilespmem:s26], [sflag:$0x1] =	stream.linear.gather [hbm4b:s28+s2], $0x400, $0x38;
	[tilespmem:$0x14200] =	vst v63  }
0xa6: {  	s30 =	sadd.s32 s24, s6;
	s31 =	sld [smem:$0x7E9]  }
0xa7: {  	[tilespmem:s29], [sflag:$0x1] =	stream.linear.gather [hbm4b:s30+s2], $0x400, $0x38;
	[tilespmem:$0x14200] =	vst v63  }
0xa8: {  	s22 =	sadd.s32 s24, s7;
	s24 =	spop (v2sf);
	s23 =	sld [smem:$0x7EA]  }
0xa9: {  	(v2sf) =	vpush v33, $0xD;
	[tilespmem:s31], [sflag:$0x1] =	stream.linear.gather [hbm4b:s22+s2], $0x400, $0x38;
	[tilespmem:$0x14200] =	vst v63  }
0xaa: {  	s25 =	sadd.s32 s1, s24;
	s26 =	sld [smem:$0x7EB]  }
0xab: {  	[tilespmem:s23], [sflag:$0x1] =	stream.linear.gather [hbm4b:s25+s2], $0x400, $0x38;
	[tilespmem:$0x14200] =	vst v63  }
0xac: {  	s28 =	sadd.s32 s24, s5;
	s29 =	sld [smem:$0x7EC]  }
0xad: {  	[tilespmem:s26], [sflag:$0x1] =	stream.linear.gather [hbm4b:s28+s2], $0x400, $0x38;
	[tilespmem:$0x14200] =	vst v63  }
0xae: {  	s30 =	sadd.s32 s24, s6;
	s31 =	sld [smem:$0x7ED]  }
0xaf: {  	[tilespmem:s29], [sflag:$0x1] =	stream.linear.gather [hbm4b:s30+s2], $0x400, $0x38;
	[tilespmem:$0x14200] =	vst v63  }
0xb0: {  	s24 =	sadd.s32 s24, s7;
	s25 =	sld [smem:$0x7EE];
	s26 =	spop (v2sf)  }
0xb1: {  	(v2sf) =	vpush v33, $0xE;
	[tilespmem:s31], [sflag:$0x1] =	stream.linear.gather [hbm4b:s24+s2], $0x400, $0x38;
	[tilespmem:$0x14200] =	vst v63  }
0xb2: {  	s28 =	sadd.s32 s1, s26;
	s29 =	sld [smem:$0x7EF]  }
0xb3: {  	[tilespmem:s25], [sflag:$0x1] =	stream.linear.gather [hbm4b:s28+s2], $0x400, $0x38;
	[tilespmem:$0x14200] =	vst v63  }
0xb4: {  	s30 =	sadd.s32 s26, s5;
	s31 =	sld [smem:$0x7F0]  }
0xb5: {  	[tilespmem:s29], [sflag:$0x1] =	stream.linear.gather [hbm4b:s30+s2], $0x400, $0x38;
	[tilespmem:$0x14200] =	vst v63  }
0xb6: {  	s24 =	sadd.s32 s26, s6;
	s25 =	sld [smem:$0x7F1]  }
0xb7: {  	[tilespmem:s31], [sflag:$0x1] =	stream.linear.gather [hbm4b:s24+s2], $0x400, $0x38;
	[tilespmem:$0x14200] =	vst v63  }
0xb8: {  	s26 =	sadd.s32 s26, s7;
	s28 =	sld [smem:$0x7F2];
	s29 =	spop (v2sf)  }
0xb9: {  	(v2sf) =	vpush v33, $0xF;
	[tilespmem:s25], [sflag:$0x1] =	stream.linear.gather [hbm4b:s26+s2], $0x400, $0x38;
	[tilespmem:$0x14200] =	vst v63  }
0xba: {  	s30 =	sadd.s32 s1, s29;
	s31 =	sld [smem:$0x7F3]  }
0xbb: {  	[tilespmem:s28], [sflag:$0x1] =	stream.linear.gather [hbm4b:s30+s2], $0x400, $0x38;
	[tilespmem:$0x14200] =	vst v63  }
0xbc: {  	s22 =	sadd.s32 s29, s5;
	s24 =	sld [smem:$0x7F4]  }
0xbd: {  	[tilespmem:s31], [sflag:$0x1] =	stream.linear.gather [hbm4b:s22+s2], $0x400, $0x38;
	[tilespmem:$0x14200] =	vst v63  }
0xbe: {  	s25 =	sadd.s32 s29, s6;
	s26 =	sld [smem:$0x7F5]  }
0xbf: {  	[tilespmem:s24], [sflag:$0x1] =	stream.linear.gather [hbm4b:s25+s2], $0x400, $0x38;
	[tilespmem:$0x14200] =	vst v63  }
0xc0: {  	s21 =	sadd.s32 s29, s7;
	s29 =	sld [smem:$0x7F6];
	s28 =	spop (v2sf)  }
0xc1: {  	[tilespmem:s26], [sflag:$0x1] =	stream.linear.gather [hbm4b:s21+s2], $0x400, $0x38;
	[tilespmem:$0x14200] =	vst v63  }
0xc2: {  	s30 =	sadd.s32 s1, s28;
	s31 =	sld [smem:$0x7F7]  }
0xc3: {  	[tilespmem:s29], [sflag:$0x1] =	stream.linear.gather [hbm4b:s30+s2], $0x400, $0x38;
	[tilespmem:$0x14200] =	vst v63  }
0xc4: {  	s22 =	sadd.s32 s28, s5;
	s24 =	sld [smem:$0x7F8]  }
0xc5: {  	[tilespmem:s31], [sflag:$0x1] =	stream.linear.gather [hbm4b:s22+s2], $0x400, $0x38;
	[tilespmem:$0x14200] =	vst v63  }
0xc6: {  	s25 =	sadd.s32 s28, s6;
	s26 =	sld [smem:$0x7F9]  }
0xc7: {  	[tilespmem:s24], [sflag:$0x1] =	stream.linear.gather [hbm4b:s25+s2], $0x400, $0x38;
	[tilespmem:$0x14200] =	vst v63  }
0xc8: {  	s20 =	sadd.s32 s28, s7;
	s28 =	sld [smem:$0x7FA];
	s29 =	spop (v2sf)  }
0xc9: {  	[tilespmem:s26], [sflag:$0x1] =	stream.linear.gather [hbm4b:s20+s2], $0x400, $0x38;
	[tilespmem:$0x14200] =	vst v63  }
0xca: {  	s30 =	sadd.s32 s1, s29;
	s31 =	sld [smem:$0x7FB]  }
0xcb: {  	[tilespmem:s28], [sflag:$0x1] =	stream.linear.gather [hbm4b:s30+s2], $0x400, $0x38;
	[tilespmem:$0x14200] =	vst v63  }
0xcc: {  	s22 =	sadd.s32 s29, s5;
	s24 =	sld [smem:$0x7FC]  }
0xcd: {  	[tilespmem:s31], [sflag:$0x1] =	stream.linear.gather [hbm4b:s22+s2], $0x400, $0x38;
	[tilespmem:$0x14200] =	vst v63  }
0xce: {  	s25 =	sadd.s32 s29, s6;
	s26 =	sld [smem:$0x7FD]  }
0xcf: {  	[tilespmem:s24], [sflag:$0x1] =	stream.linear.gather [hbm4b:s25+s2], $0x400, $0x38;
	[tilespmem:$0x14200] =	vst v63  }
0xd0: {  	s28 =	sadd.s32 s29, s7  }
0xd1: {  	[tilespmem:s26], [sflag:$0x1] =	stream.linear.gather [hbm4b:s28+s2], $0x400, $0x38;
	[tilespmem:$0x14200] =	vst v63  }
0xd2: {  	_ =	swait.ge [sflag:s12], $0x1000  }
0xd3: {  	[sflag:s12] =	ssyncset.done $0x0  }
0xd4: {  	[sflag:s12] =	ssyncadd.s32 $0xFFFFF000  }
0xd5: {  	_ =	swait.ge [sflag:s12], $0x1000  }
0xd6: {  	[sflag:s12] =	ssyncset.done $0x0  }
0xd7: {  	[sflag:s12] =	ssyncadd.s32 $0xFFFFF000  }
0xd8: {  	_ =	swait.ge [sflag:s12], $0x1000  }
0xd9: {  	[sflag:s12] =	ssyncset.done $0x0  }
0xda: {  	[sflag:s12] =	ssyncadd.s32 $0xFFFFF000  }
0xdb: {  	_ =	swait.ge [sflag:s12], $0x1000  }
0xdc: {  	[sflag:s12] =	ssyncset.done $0x0  }
0xdd: {  	[sflag:s12] =	ssyncadd.s32 $0xFFFFF000  }
0xde: {  	_ =	swait.ge [sflag:s12], $0x1000  }
0xdf: {  	[sflag:s12] =	ssyncset.done $0x0  }
0xe0: {  	[sflag:s12] =	ssyncadd.s32 $0xFFFFF000  }
0xe1: {  	_ =	swait.ge [sflag:s12], $0x1000  }
0xe2: {  	[sflag:s12] =	ssyncset.done $0x0  }
0xe3: {  	[sflag:s12] =	ssyncadd.s32 $0xFFFFF000  }
0xe4: {  	_ =	swait.ge [sflag:s12], $0x1000  }
0xe5: {  	[sflag:s12] =	ssyncset.done $0x0  }
0xe6: {  	[sflag:s12] =	ssyncadd.s32 $0xFFFFF000  }
0xe7: {  	_ =	swait.ge [sflag:s12], $0x1000  }
0xe8: {  	[sflag:s12] =	ssyncset.done $0x0  }
0xe9: {  	[sflag:s12] =	ssyncadd.s32 $0xFFFFF000  }
0xea: {  	_ =	swait.ge [sflag:s12], $0x1000  }
0xeb: {  	[sflag:s12] =	ssyncset.done $0x0  }
0xec: {  	[sflag:s12] =	ssyncadd.s32 $0xFFFFF000  }
0xed: {  	_ =	swait.ge [sflag:s12], $0x1000  }
0xee: {  	[sflag:s12] =	ssyncset.done $0x0  }
0xef: {  	[sflag:s12] =	ssyncadd.s32 $0xFFFFF000  }
0xf0: {  	_ =	swait.ge [sflag:s12], $0x1000  }
0xf1: {  	[sflag:s12] =	ssyncset.done $0x0  }
0xf2: {  	[sflag:s12] =	ssyncadd.s32 $0xFFFFF000  }
0xf3: {  	_ =	swait.ge [sflag:s12], $0x1000  }
0xf4: {  	[sflag:s12] =	ssyncset.done $0x0  }
0xf5: {  	[sflag:s12] =	ssyncadd.s32 $0xFFFFF000  }
0xf6: {  	_ =	swait.ge [sflag:s12], $0x1000  }
0xf7: {  	[sflag:s12] =	ssyncset.done $0x0  }
0xf8: {  	[sflag:s12] =	ssyncadd.s32 $0xFFFFF000  }
0xf9: {  	_ =	swait.ge [sflag:s12], $0x1000  }
0xfa: {  	[sflag:s12] =	ssyncset.done $0x0  }
0xfb: {  	[sflag:s12] =	ssyncadd.s32 $0xFFFFF000  }
0xfc: {  	v32 =	vand.u32 $0x7F, v32;
	_ =	swait.ge [sflag:s12], $0x1000  }
0xfd: {  	v62 =	vor.u32 v0, v32;
	[sflag:s12] =	ssyncset.done $0x0  }
0xfe: {  	[sflag:s12] =	ssyncadd.s32 $0xFFFFF000  }
0xff: {  	_ =	swait.ge [sflag:s12], $0x1000  }
0x100: {  	[sflag:s12] =	ssyncset.done $0x0  }
0x101: {  	[sflag:s12] =	ssyncadd.s32 $0xFFFFF000  }
0x102: {  	v33 =	vld.idx.msk [tilespmem:v62+s11+$0x0], $0xffff  }
0x103: {  	v34 =	vor.u32 v1, v32;
	_ =	sdelay $0x1  }
0x104: {  	s29 =	sand.u32 $0x70, s19;
	s30 =	sand.u32 $0xC00, s18  }
0x105: {  	s20 =	sor.u32 s29, s30  }
0x106: {  	[tilespmem:s20+$0x10200] =	vst v33  }
0x107: {  	v33 =	vld.idx.msk [tilespmem:v34+s11+$0x0], $0xffff  }
0x108: {  	v63 =	vor.u32 v2, v32;
	_ =	sdelay $0x3  }
0x109: {  	[tilespmem:s20+$0x10280] =	vst v33  }
0x10a: {  	v33 =	vld.idx.msk [tilespmem:v63+s11+$0x0], $0xffff  }
0x10b: {  	v36 =	vor.u32 v3, v32;
	_ =	sdelay $0x3  }
0x10c: {  	[tilespmem:s20+$0x10300] =	vst v33  }
0x10d: {  	v33 =	vld.idx.msk [tilespmem:v36+s11+$0x0], $0xffff  }
0x10e: {  	v37 =	vor.u32 v4, v32;
	_ =	sdelay $0x3  }
0x10f: {  	[tilespmem:s20+$0x10380] =	vst v33  }
0x110: {  	v33 =	vld.idx.msk [tilespmem:v37+s11+$0x0], $0xffff  }
0x111: {  	v38 =	vor.u32 v5, v32;
	_ =	sdelay $0x3  }
0x112: {  	[tilespmem:s20+$0x10400] =	vst v33  }
0x113: {  	v33 =	vld.idx.msk [tilespmem:v38+s11+$0x0], $0xffff  }
0x114: {  	v39 =	vor.u32 v6, v32;
	_ =	sdelay $0x3  }
0x115: {  	[tilespmem:s20+$0x10480] =	vst v33  }
0x116: {  	v33 =	vld.idx.msk [tilespmem:v39+s11+$0x0], $0xffff  }
0x117: {  	v40 =	vor.u32 v7, v32;
	_ =	sdelay $0x3  }
0x118: {  	[tilespmem:s20+$0x10500] =	vst v33  }
0x119: {  	v33 =	vld.idx.msk [tilespmem:v40+s11+$0x0], $0xffff  }
0x11a: {  	v41 =	vor.u32 v8, v32;
	_ =	sdelay $0x1  }
0x11b: {  	s31 =	sor.u32 s18, s19  }
0x11c: {  	s21 =	sor.u32 $0x380, s31  }
0x11d: {  	[tilespmem:s21+$0x10200] =	vst v33  }
0x11e: {  	v33 =	vld.idx.msk [tilespmem:v41+s11+$0x0], $0xffff  }
0x11f: {  	v42 =	vor.u32 v9, v32;
	_ =	sdelay $0x3  }
0x120: {  	[tilespmem:s20+$0x11200] =	vst v33  }
0x121: {  	v33 =	vld.idx.msk [tilespmem:v42+s11+$0x0], $0xffff  }
0x122: {  	v43 =	vor.u32 v10, v32;
	_ =	sdelay $0x3  }
0x123: {  	[tilespmem:s20+$0x11280] =	vst v33  }
0x124: {  	v33 =	vld.idx.msk [tilespmem:v43+s11+$0x0], $0xffff  }
0x125: {  	v44 =	vor.u32 v11, v32;
	_ =	sdelay $0x3  }
0x126: {  	[tilespmem:s20+$0x11300] =	vst v33  }
0x127: {  	v33 =	vld.idx.msk [tilespmem:v44+s11+$0x0], $0xffff  }
0x128: {  	v45 =	vor.u32 v12, v32;
	_ =	sdelay $0x3  }
0x129: {  	[tilespmem:s20+$0x11380] =	vst v33  }
0x12a: {  	v33 =	vld.idx.msk [tilespmem:v45+s11+$0x0], $0xffff  }
0x12b: {  	v46 =	vor.u32 v13, v32;
	_ =	sdelay $0x3  }
0x12c: {  	[tilespmem:s20+$0x11400] =	vst v33  }
0x12d: {  	v33 =	vld.idx.msk [tilespmem:v46+s11+$0x0], $0xffff  }
0x12e: {  	v47 =	vor.u32 v14, v32;
	_ =	sdelay $0x3  }
0x12f: {  	[tilespmem:s20+$0x11480] =	vst v33  }
0x130: {  	v33 =	vld.idx.msk [tilespmem:v47+s11+$0x0], $0xffff  }
0x131: {  	v48 =	vor.u32 v15, v32;
	_ =	sdelay $0x3  }
0x132: {  	[tilespmem:s20+$0x11500] =	vst v33  }
0x133: {  	v33 =	vld.idx.msk [tilespmem:v48+s11+$0x0], $0xffff  }
0x134: {  	v49 =	vor.u32 v16, v32;
	_ =	sdelay $0x3  }
0x135: {  	[tilespmem:s20+$0x11580] =	vst v33  }
0x136: {  	v33 =	vld.idx.msk [tilespmem:v49+s11+$0x0], $0xffff  }
0x137: {  	v50 =	vor.u32 v17, v32;
	_ =	sdelay $0x3  }
0x138: {  	[tilespmem:s20+$0x12200] =	vst v33  }
0x139: {  	v33 =	vld.idx.msk [tilespmem:v50+s11+$0x0], $0xffff  }
0x13a: {  	v51 =	vor.u32 v18, v32;
	_ =	sdelay $0x3  }
0x13b: {  	[tilespmem:s20+$0x12280] =	vst v33  }
0x13c: {  	v33 =	vld.idx.msk [tilespmem:v51+s11+$0x0], $0xffff  }
0x13d: {  	v52 =	vor.u32 v19, v32;
	_ =	sdelay $0x3  }
0x13e: {  	[tilespmem:s20+$0x12300] =	vst v33  }
0x13f: {  	v33 =	vld.idx.msk [tilespmem:v52+s11+$0x0], $0xffff  }
0x140: {  	v53 =	vor.u32 v20, v32;
	_ =	sdelay $0x3  }
0x141: {  	[tilespmem:s20+$0x12380] =	vst v33  }
0x142: {  	v33 =	vld.idx.msk [tilespmem:v53+s11+$0x0], $0xffff  }
0x143: {  	v54 =	vor.u32 v21, v32;
	_ =	sdelay $0x3  }
0x144: {  	[tilespmem:s20+$0x12400] =	vst v33  }
0x145: {  	v33 =	vld.idx.msk [tilespmem:v54+s11+$0x0], $0xffff  }
0x146: {  	v55 =	vor.u32 v22, v32;
	_ =	sdelay $0x3  }
0x147: {  	[tilespmem:s20+$0x12480] =	vst v33  }
0x148: {  	v33 =	vld.idx.msk [tilespmem:v55+s11+$0x0], $0xffff  }
0x149: {  	v56 =	vor.u32 v23, v32;
	_ =	sdelay $0x3  }
0x14a: {  	[tilespmem:s20+$0x12500] =	vst v33  }
0x14b: {  	v33 =	vld.idx.msk [tilespmem:v56+s11+$0x0], $0xffff  }
0x14c: {  	v57 =	vor.u32 v24, v32;
	_ =	sdelay $0x3  }
0x14d: {  	[tilespmem:s20+$0x12580] =	vst v33  }
0x14e: {  	v33 =	vld.idx.msk [tilespmem:v57+s11+$0x0], $0xffff  }
0x14f: {  	v58 =	vor.u32 v25, v32;
	_ =	sdelay $0x3  }
0x150: {  	[tilespmem:s20+$0x13200] =	vst v33  }
0x151: {  	v33 =	vld.idx.msk [tilespmem:v58+s11+$0x0], $0xffff  }
0x152: {  	v59 =	vor.u32 v26, v32;
	_ =	sdelay $0x3  }
0x153: {  	[tilespmem:s20+$0x13280] =	vst v33  }
0x154: {  	v33 =	vld.idx.msk [tilespmem:v59+s11+$0x0], $0xffff  }
0x155: {  	v60 =	vor.u32 v27, v32;
	_ =	sdelay $0x3  }
0x156: {  	[tilespmem:s20+$0x13300] =	vst v33  }
0x157: {  	v33 =	vld.idx.msk [tilespmem:v60+s11+$0x0], $0xffff  }
0x158: {  	v61 =	vor.u32 v28, v32;
	_ =	sdelay $0x3  }
0x159: {  	[tilespmem:s20+$0x13380] =	vst v33  }
0x15a: {  	v33 =	vld.idx.msk [tilespmem:v61+s11+$0x0], $0xffff  }
0x15b: {  	v62 =	vor.u32 v29, v32;
	_ =	sdelay $0x3  }
0x15c: {  	[tilespmem:s20+$0x13400] =	vst v33  }
0x15d: {  	v33 =	vld.idx.msk [tilespmem:v62+s11+$0x0], $0xffff  }
0x15e: {  	v63 =	vor.u32 v30, v32;
	_ =	sdelay $0x3  }
0x15f: {  	[tilespmem:s20+$0x13480] =	vst v33  }
0x160: {  	v33 =	vld.idx.msk [tilespmem:v63+s11+$0x0], $0xffff  }
0x161: {  	v32 =	vor.u32 v31, v32;
	_ =	sdelay $0x3  }
0x162: {  	[tilespmem:s20+$0x13500] =	vst v33  }
0x163: {  	p0 =	sne.s32 s19, $0x1F0;
	v32 =	vld.idx.msk [tilespmem:v32+s11+$0x0], $0xffff  }
.Ltmp0:
0x164: {  	_ = 	snop;
	(pc) =	sbr.rel @p0 .LBB2_2-.Ltmp0, $2  }
0x165: {  	_ =	sdelay $0x2  }
0x166: {  	s17 =	sadd.s32 $0x10, s17;
	s18 =	sadd.s32 $0x80, s18;
	s19 =	sadd.s32 $0x10, s19;
	[tilespmem:s20+$0x13580] =	vst v32  }
0x167: {  	s16 =	sadd.s32 $0x1, s16  }
0x168: {  	p0 =	sne.s32 s16, s9  }
.Ltmp1:
0x169: {  	_ = 	snop;
	(pc) =	sbr.rel @p0 .LBB2_1-.Ltmp1, $4  }
0x16a: {  	[hbm4b:s8+s13] =	stream.strided.scatter [tilespmem:s15], [sflag:$0x2], $0x4000, s14, s13, $0x38;
	[tilespmem:$0x14200] =	vst v63  }
0x16b: {  	_ =	swait.ge [sflag:s10], $0x4000  }
0x16c: {  	[sflag:s10] =	ssyncset.done $0x0  }
0x16d: {  	[sflag:s10] =	ssyncadd.s32 $0xFFFFC000  }
0x16e: {  	_ =	sfence.sel $0x180000  }
0x16f: {  	[bflag:$0x0] =	sbarrier.arrive $0xFFFF  }
0x170: {  	p0 =	sne.s32 s3, $0x0;
	_ =	strace $0x90000047  }
0x171: {  	s0 =	sadd.s32 @!p0 $0x100000, s0;
	[bflag:$0x2] =	sbarrier.arrive $0xFFFF  }
0x172: {  	[sflag:s0] =	ssyncadd.tile.s32 @!p0 $0x1;
	_ =	shalt  }
.Lfunc_end2:
_tile_overlayer_lowered:
.L_overlay_start_2:
0x173: {  	(tag) =	ssettag $0x2  }
0x174: {  	s0 =	rddreg [dreg:$0x0];
	s2 =	stileid.u32  }
0x175: {  	s1 =	rddreg [dreg:$0x1];
	p0 =	sne.s32 s2, $0x0  }
0x176: {  	s3 =	rddreg [dreg:$0x2];
	[bflag:$0x3] =	sbarrier.arrive $0xFFFF;
	s2 =	simm.s32 @!p0 $0x1C02  }
0x177: {  	[timem:s3], [sflag:s2] =	dma.local @!p0 [hbm:s0], s1  }
0x178: {  	s0 =	simm.s32 @!p0 $0x2  }
0x179: {  	_ =	swait.ge @!p0 [sflag:s0], s1  }
0x17a: {  	s1 =	ssub.s32 @!p0 $0x0, s1;
	[sflag:s0] =	ssyncset.done @!p0 $0x0  }
0x17b: {  	[sflag:s0] =	ssyncadd.s32 @!p0 s1  }
0x17c: {  	[bflag:$0x3] =	sbarrier.arrive $0xFFFF  }
0x17d: {  	_ =	shalt  }

</sc_bundles>
